<compile_context>
chip_gen: v7x
topology: tpu7x:2x2x1
jax: 0.10.2.dev20260603
libtpu: 0.0.44.dev20260713+nightly
codegen_flags: <defaults>
</compile_context>

<pallas_src>
import functools

import jax
import jax.numpy as jnp
from jax import lax
from jax.experimental import pallas as pl
from jax.experimental.pallas import tpu as pltpu
from jax.experimental.pallas import tpu_sc as plsc

E = 8
TOPK = 2
D = 1024
DFF = 2048
N = DFF // 2
T = 4096

BM = 256
P = T * TOPK + E * BM
NBLK = P // BM

NW = 32
TPW = T // NW
CH_D = 64
CH_C = 32
LANES = 16



def _routing_body(x_ref, wgt_ref, bg_ref, pos_ref, pw_ref, bexp_ref):
    x = x_ref[...]
    logits = jnp.dot(x, wgt_ref[...], preferred_element_type=jnp.float32)
    logits = logits + bg_ref[...]

    rE = lax.broadcasted_iota(jnp.int32, (E, E), 0)
    cE = lax.broadcasted_iota(jnp.int32, (E, E), 1)
    strictE = (rE < cE).astype(jnp.float32)

    def first_max_onehot(l):
        m = jnp.max(l, axis=1, keepdims=True)
        eq = (l == m).astype(jnp.float32)
        cume = jnp.dot(eq, strictE, preferred_element_type=jnp.float32)
        oh = eq * (cume == 0.0).astype(jnp.float32)
        return oh, m

    oh1, m1 = first_max_onehot(logits)
    oh2, m2 = first_max_onehot(logits - oh1 * 1e30)
    w_a = 1.0 / (1.0 + jnp.exp(m2 - m1))
    w_b = 1.0 - w_a

    ohcat = jnp.concatenate([oh1, oh2], axis=1)
    CH = 256
    rC = lax.broadcasted_iota(jnp.int32, (CH, CH), 0)
    cC = lax.broadcasted_iota(jnp.int32, (CH, CH), 1)
    strictC = (rC > cC).astype(jnp.float32)
    carry = jnp.zeros((1, 2 * E), jnp.float32)
    chunks = []
    for ci in range(T // CH):
        blk = lax.slice(ohcat, (ci * CH, 0), ((ci + 1) * CH, 2 * E))
        chunks.append(jnp.dot(strictC, blk, preferred_element_type=jnp.float32) + carry)
        carry = carry + jnp.sum(blk, axis=0, keepdims=True)
    cume = jnp.concatenate(chunks, axis=0)
    cnt1 = carry[:, :E]
    cnt = cnt1 + carry[:, E:]
    cnt_al = jnp.ceil(cnt / BM) * BM
    offs = jnp.dot(cnt_al, strictE, preferred_element_type=jnp.float32)
    incl = offs + cnt_al

    pos0 = jnp.sum(oh1 * (offs + cume[:, :E]), axis=1, keepdims=True)
    pos1 = jnp.sum(oh2 * (offs + cnt1 + cume[:, E:]), axis=1, keepdims=True)
    pos_ref[...] = jnp.concatenate([pos0, pos1], axis=1).astype(jnp.int32)
    pw_ref[...] = jnp.concatenate([w_a, w_b], axis=1)

    bstart = lax.broadcasted_iota(jnp.int32, (128, 1), 0).astype(jnp.float32) * BM
    nle = jnp.sum((bstart >= incl).astype(jnp.float32), axis=1, keepdims=True)
    bexp = jnp.minimum(nle, float(E - 1)).astype(jnp.int32)
    bexp_ref[...] = jax.lax.broadcast_in_dim(bexp, (128, E), (0, 1))


def _routing(x2d, wg_t, bg_row, interpret=False):
    return pl.pallas_call(
        _routing_body,
        out_shape=(
            jax.ShapeDtypeStruct((T, TOPK), jnp.int32),
            jax.ShapeDtypeStruct((T, TOPK), jnp.float32),
            jax.ShapeDtypeStruct((128, E), jnp.int32),
        ),
        interpret=interpret,
    )(x2d, wg_t, bg_row)



def _dispatch_body(x_hbm, pos0_hbm, pos1_hbm, xs_hbm, idx0_v, idx1_v, rows_v, sem):
    wid = lax.axis_index("s") * 2 + lax.axis_index("c")
    t0 = wid * TPW
    pltpu.sync_copy(pos0_hbm.at[wid], idx0_v)
    pltpu.sync_copy(pos1_hbm.at[wid], idx1_v)
    for j in range(TPW // CH_D):
        pltpu.sync_copy(x_hbm.at[pl.ds(t0 + j * CH_D, CH_D)], rows_v)
        pltpu.async_copy(rows_v, xs_hbm.at[idx0_v.at[j]], sem).wait()
        pltpu.async_copy(rows_v, xs_hbm.at[idx1_v.at[j]], sem).wait()


def _dispatch(x2d, pos0, pos1, interpret=False):
    mesh = plsc.VectorSubcoreMesh(core_axis_name="c", subcore_axis_name="s")
    kfn = functools.partial(
        pl.kernel,
        out_type=jax.ShapeDtypeStruct((P, D), jnp.float32),
        mesh=mesh,
        scratch_types=[
            pltpu.VMEM((TPW // CH_D, CH_D), jnp.int32),
            pltpu.VMEM((TPW // CH_D, CH_D), jnp.int32),
            pltpu.VMEM((CH_D, D), jnp.float32),
            pltpu.SemaphoreType.DMA,
        ],
        interpret=interpret,
    )(_dispatch_body)
    return kfn(x2d, pos0, pos1)



def _ffn_body(bexp_ref, xs_ref, w1_ref, w2_ref, ys_ref):
    xb = xs_ref[...].astype(jnp.bfloat16)
    w1e = w1_ref[0].astype(jnp.bfloat16)
    h = lax.dot_general(xb, w1e, (((1,), (1,)), ((), ())),
                        preferred_element_type=jnp.float32)
    g = h[:, :N]
    u = h[:, N:]
    act = g * (1.0 / (1.0 + jnp.exp(-g))) * u
    w2e = w2_ref[0].astype(jnp.bfloat16)
    y = lax.dot_general(act.astype(jnp.bfloat16), w2e,
                        (((1,), (1,)), ((), ())),
                        preferred_element_type=jnp.float32)
    ys_ref[...] = y


def _ffn(bexp, xs, w1, w2, interpret=False):
    grid_spec = pltpu.PrefetchScalarGridSpec(
        num_scalar_prefetch=1,
        grid=(NBLK,),
        in_specs=[
            pl.BlockSpec((BM, D), lambda i, s: (i, 0)),
            pl.BlockSpec((1, DFF, D), lambda i, s: (s[i], 0, 0)),
            pl.BlockSpec((1, D, N), lambda i, s: (s[i], 0, 0)),
        ],
        out_specs=pl.BlockSpec((BM, D), lambda i, s: (i, 0)),
    )
    return pl.pallas_call(
        _ffn_body,
        grid_spec=grid_spec,
        out_shape=jax.ShapeDtypeStruct((P, D), jnp.float32),
        interpret=interpret,
    )(bexp, xs, w1, w2)



def _combine_body(ys_hbm, pos0_hbm, pos1_hbm, w0_hbm, w1_hbm, out_hbm,
                  idx0_v, idx1_v, w0_v, w1_v, a_v, b_v, sem):
    wid = lax.axis_index("s") * 2 + lax.axis_index("c")
    t0 = wid * TPW
    pltpu.sync_copy(pos0_hbm.at[wid], idx0_v)
    pltpu.sync_copy(pos1_hbm.at[wid], idx1_v)
    pltpu.sync_copy(w0_hbm.at[wid], w0_v)
    pltpu.sync_copy(w1_hbm.at[wid], w1_v)
    for j in range(TPW // CH_C):
        pltpu.async_copy(ys_hbm.at[idx0_v.at[j]], a_v, sem).wait()
        pltpu.async_copy(ys_hbm.at[idx1_v.at[j]], b_v, sem).wait()

        def row_body(r, _):
            tok = j * CH_C + r
            wa = w0_v[tok, :]
            wb = w1_v[tok, :]

            def vec_body(v, _):
                sl = pl.ds(v * LANES, LANES)
                a_v[r, sl] = a_v[r, sl] * wa + b_v[r, sl] * wb
                return 0

            return lax.fori_loop(0, D // LANES, vec_body, 0)

        lax.fori_loop(0, CH_C, row_body, 0)
        pltpu.sync_copy(a_v, out_hbm.at[pl.ds(t0 + j * CH_C, CH_C)])


def _combine(ys, pos0, pos1, w0, w1, interpret=False):
    mesh = plsc.VectorSubcoreMesh(core_axis_name="c", subcore_axis_name="s")
    kfn = functools.partial(
        pl.kernel,
        out_type=jax.ShapeDtypeStruct((T, D), jnp.float32),
        mesh=mesh,
        scratch_types=[
            pltpu.VMEM((TPW // CH_C, CH_C), jnp.int32),
            pltpu.VMEM((TPW // CH_C, CH_C), jnp.int32),
            pltpu.VMEM((TPW, LANES), jnp.float32),
            pltpu.VMEM((TPW, LANES), jnp.float32),
            pltpu.VMEM((CH_C, D), jnp.float32),
            pltpu.VMEM((CH_C, D), jnp.float32),
            pltpu.SemaphoreType.DMA,
        ],
        interpret=interpret,
    )(_combine_body)
    return kfn(ys, pos0, pos1, w0, w1)



def kernel(x, Wg, bg, w1, w2):
    Bs, Ss, _ = x.shape
    x2d = x.reshape(T, D)

    pos, pw, bexp2d = _routing(x2d, Wg.T, bg.reshape(1, E))
    bexp = bexp2d[:NBLK, 0]

    pos0 = pos[:, 0].reshape(NW, TPW // CH_D, CH_D)
    pos1 = pos[:, 1].reshape(NW, TPW // CH_D, CH_D)
    xs = _dispatch(x2d, pos0, pos1)

    ys = _ffn(bexp, xs, w1, w2)

    pos0c = pos[:, 0].reshape(NW, TPW // CH_C, CH_C)
    pos1c = pos[:, 1].reshape(NW, TPW // CH_C, CH_C)
    w0e = jnp.broadcast_to(pw[:, 0].reshape(NW, TPW, 1), (NW, TPW, LANES))
    w1e = jnp.broadcast_to(pw[:, 1].reshape(NW, TPW, 1), (NW, TPW, LANES))
    out = _combine(ys, pos0c, pos1c, w0e, w1e)
    return out.reshape(Bs, Ss, D)

# --- scband reference (transcript-rebuilt; emitter-appended) ---
"""Pipeline reference for scband-fused-smoe-15925738733961 (READ-ONLY COPY).

The authoritative reference and input builder live on the scoring server;
editing this copy changes nothing except your own understanding.
"""

import jax, jax.numpy as jnp
import numpy as np

E = 8
TOPK = 2
DIM = 1024
DFF = 2048  # vLLM fused_moe convention: w1 packs [gate; up], intermediate N = DFF // 2 = DIM
B = 2
S = 2048


def setup_inputs(seed: int = 0) -> dict:
    key = jax.random.key(seed)
    k1, k2, k3, k4, k5 = jax.random.split(key, 5)
    x = jax.random.normal(k1, (B, S, DIM), dtype=jnp.float32)
    bound = 1.0 / np.sqrt(DIM)
    Wg = jax.random.uniform(k2, (E, DIM), minval=-bound, maxval=bound, dtype=jnp.float32)
    bg = jax.random.uniform(k3, (E,), minval=-bound, maxval=bound, dtype=jnp.float32)
    w1 = jax.random.normal(k4, (E, DFF, DIM), dtype=jnp.float32)
    w2 = jax.random.normal(k5, (E, DIM, DIM), dtype=jnp.float32)  # [E, dim, N] with N = DFF//2 = DIM
    return {"x": x, "Wg": Wg, "bg": bg, "w1": w1, "w2": w2}


def reference(x, Wg, bg, w1, w2):
    Bs, Ss, D = x.shape
    hidden = x.reshape(-1, D)                      # [T, D]
    T = hidden.shape[0]
    # gating: nn.Linear(dim, num_experts)
    logits = hidden @ Wg.T + bg                    # [T, E]
    probs = jax.nn.softmax(logits, axis=-1)
    topw, topi = jax.lax.top_k(probs, TOPK)        # [T, k]
    # renormalize=True
    topw = topw / jnp.sum(topw, axis=-1, keepdims=True)
    # dense dispatch matrix [T, E] holding routing weights (0 for unrouted experts)
    wmat = jnp.zeros((T, E), dtype=hidden.dtype).at[jnp.arange(T)[:, None], topi].add(topw)
    # expert MLPs with silu_and_mul (vLLM fused_moe): w1 = [gate; up]
    h1 = jnp.einsum('td,efd->tef', hidden, w1)     # [T, E, DFF]
    N = w1.shape[1] // 2
    g = h1[..., :N]
    u = h1[..., N:]
    act = jax.nn.silu(g) * u                       # [T, E, N]
    out_e = jnp.einsum('ten,edn->ted', act, w2)    # [T, E, D]
    out = jnp.einsum('ted,te->td', out_e, wmat)    # [T, D]
    return out.reshape(Bs, Ss, D)

if __name__ == "__main__":
    import jax
    _d = setup_inputs()
    print(jax.jit(kernel)(*tuple(_d.values())))

</pallas_src>

<mosaic_0001>
#map = affine_map<(d0, d1) -> (0, 0)>
#map1 = affine_map<(d0, d1) -> (0, 0, 0)>
module attributes {stable_mosaic.version = 14 : i64} {
  func.func @_combine_body(%arg0: i32, %arg1: i32, %arg2: memref<10240x1024xf32, #tpu.memory_space<hbm>>, %arg3: memref<32x4x32xi32, #tpu.memory_space<hbm>>, %arg4: memref<32x4x32xi32, #tpu.memory_space<hbm>>, %arg5: memref<32x128x16xf32, #tpu.memory_space<hbm>>, %arg6: memref<32x128x16xf32, #tpu.memory_space<hbm>>, %arg7: memref<4096x1024xf32, #tpu.memory_space<hbm>>, %arg8: memref<4x32xi32, #tpu.memory_space<vmem>>, %arg9: memref<4x32xi32, #tpu.memory_space<vmem>>, %arg10: memref<128x16xf32, #tpu.memory_space<vmem>>, %arg11: memref<128x16xf32, #tpu.memory_space<vmem>>, %arg12: memref<32x1024xf32, #tpu.memory_space<vmem>>, %arg13: memref<32x1024xf32, #tpu.memory_space<vmem>>, %arg14: memref<!tpu.dma_semaphore, #tpu.memory_space<semaphore_mem>>) attributes {dimension_semantics = [#tpu.dimension_semantics<core_parallel>, #tpu.dimension_semantics<subcore_parallel>], iteration_bounds = array<i64: 2, 16>, scalar_prefetch = 0 : i64, scratch_operands = 7 : i64, tpu.core_type = #tpu.core_type<sc_vector_subcore>, window_params = [{transform_indices = #map}, {transform_indices = #map1}, {transform_indices = #map1}, {transform_indices = #map1}, {transform_indices = #map1}, {transform_indices = #map}]} {
    %mul3A = arith.constant 2 : i32
    %mul3A_0 = arith.muli %arg1, %mul3A : i32
    %add3A = arith.addi %mul3A_0, %arg0 : i32
    %mul3A_1 = arith.constant 128 : i32
    %mul3A_2 = arith.muli %add3A, %mul3A_1 : i32
    "tpu.region"() ({
      %run_scoped3A = tpu.sem_alloc : memref<!tpu.dma_semaphore, #tpu.memory_space<semaphore_mem>>
      %dma_start3A_148 = arith.constant 0 : i32
      %dma_start3A_149 = arith.constant 0 : i32
      %dma_start3A_150 = tpu.memref_slice %arg3[%add3A, %dma_start3A_148, %dma_start3A_149] : memref<32x4x32xi32, #tpu.memory_space<hbm>> -> memref<1x4x32xi32, #tpu.memory_space<hbm>>
      %dma_start3A_151 = tpu.memref_squeeze %dma_start3A_150 : memref<1x4x32xi32, #tpu.memory_space<hbm>> -> memref<4x32xi32, #tpu.memory_space<hbm>>
      %dma_start3A_152 = arith.constant 0 : i32
      %dma_start3A_153 = arith.constant 0 : i32
      %dma_start3A_154 = tpu.memref_slice %arg3[%add3A, %dma_start3A_152, %dma_start3A_153] : memref<32x4x32xi32, #tpu.memory_space<hbm>> -> memref<1x4x32xi32, #tpu.memory_space<hbm>>
      %dma_start3A_155 = tpu.memref_squeeze %dma_start3A_154 : memref<1x4x32xi32, #tpu.memory_space<hbm>> -> memref<4x32xi32, #tpu.memory_space<hbm>>
      tpu.enqueue_dma source(%dma_start3A_155 : memref<4x32xi32, #tpu.memory_space<hbm>>) target(%arg8 : memref<4x32xi32, #tpu.memory_space<vmem>>) target_semaphore(%run_scoped3A : memref<!tpu.dma_semaphore, #tpu.memory_space<semaphore_mem>>)
      %dma_wait3A_156 = arith.constant 0 : i32
      %dma_wait3A_157 = arith.constant 0 : i32
      %dma_wait3A_158 = tpu.memref_slice %arg3[%add3A, %dma_wait3A_156, %dma_wait3A_157] : memref<32x4x32xi32, #tpu.memory_space<hbm>> -> memref<1x4x32xi32, #tpu.memory_space<hbm>>
      %dma_wait3A_159 = tpu.memref_squeeze %dma_wait3A_158 : memref<1x4x32xi32, #tpu.memory_space<hbm>> -> memref<4x32xi32, #tpu.memory_space<hbm>>
      %dma_wait3A_160 = arith.constant 0 : i32
      %dma_wait3A_161 = arith.constant 0 : i32
      %dma_wait3A_162 = tpu.memref_slice %arg3[%add3A, %dma_wait3A_160, %dma_wait3A_161] : memref<32x4x32xi32, #tpu.memory_space<hbm>> -> memref<1x4x32xi32, #tpu.memory_space<hbm>>
      %dma_wait3A_163 = tpu.memref_squeeze %dma_wait3A_162 : memref<1x4x32xi32, #tpu.memory_space<hbm>> -> memref<4x32xi32, #tpu.memory_space<hbm>>
      tpu.wait_dma2 semaphore(%run_scoped3A : memref<!tpu.dma_semaphore, #tpu.memory_space<semaphore_mem>>) src(%dma_wait3A_163 : memref<4x32xi32, #tpu.memory_space<hbm>>) dst(%arg8 : memref<4x32xi32, #tpu.memory_space<vmem>>)
      tpu.yield
    }) : () -> ()
    "tpu.region"() ({
      %run_scoped3A = tpu.sem_alloc : memref<!tpu.dma_semaphore, #tpu.memory_space<semaphore_mem>>
      %dma_start3A_148 = arith.constant 0 : i32
      %dma_start3A_149 = arith.constant 0 : i32
      %dma_start3A_150 = tpu.memref_slice %arg4[%add3A, %dma_start3A_148, %dma_start3A_149] : memref<32x4x32xi32, #tpu.memory_space<hbm>> -> memref<1x4x32xi32, #tpu.memory_space<hbm>>
      %dma_start3A_151 = tpu.memref_squeeze %dma_start3A_150 : memref<1x4x32xi32, #tpu.memory_space<hbm>> -> memref<4x32xi32, #tpu.memory_space<hbm>>
      %dma_start3A_152 = arith.constant 0 : i32
      %dma_start3A_153 = arith.constant 0 : i32
      %dma_start3A_154 = tpu.memref_slice %arg4[%add3A, %dma_start3A_152, %dma_start3A_153] : memref<32x4x32xi32, #tpu.memory_space<hbm>> -> memref<1x4x32xi32, #tpu.memory_space<hbm>>
      %dma_start3A_155 = tpu.memref_squeeze %dma_start3A_154 : memref<1x4x32xi32, #tpu.memory_space<hbm>> -> memref<4x32xi32, #tpu.memory_space<hbm>>
      tpu.enqueue_dma source(%dma_start3A_155 : memref<4x32xi32, #tpu.memory_space<hbm>>) target(%arg9 : memref<4x32xi32, #tpu.memory_space<vmem>>) target_semaphore(%run_scoped3A : memref<!tpu.dma_semaphore, #tpu.memory_space<semaphore_mem>>)
      %dma_wait3A_156 = arith.constant 0 : i32
      %dma_wait3A_157 = arith.constant 0 : i32
      %dma_wait3A_158 = tpu.memref_slice %arg4[%add3A, %dma_wait3A_156, %dma_wait3A_157] : memref<32x4x32xi32, #tpu.memory_space<hbm>> -> memref<1x4x32xi32, #tpu.memory_space<hbm>>
      %dma_wait3A_159 = tpu.memref_squeeze %dma_wait3A_158 : memref<1x4x32xi32, #tpu.memory_space<hbm>> -> memref<4x32xi32, #tpu.memory_space<hbm>>
      %dma_wait3A_160 = arith.constant 0 : i32
      %dma_wait3A_161 = arith.constant 0 : i32
      %dma_wait3A_162 = tpu.memref_slice %arg4[%add3A, %dma_wait3A_160, %dma_wait3A_161] : memref<32x4x32xi32, #tpu.memory_space<hbm>> -> memref<1x4x32xi32, #tpu.memory_space<hbm>>
      %dma_wait3A_163 = tpu.memref_squeeze %dma_wait3A_162 : memref<1x4x32xi32, #tpu.memory_space<hbm>> -> memref<4x32xi32, #tpu.memory_space<hbm>>
      tpu.wait_dma2 semaphore(%run_scoped3A : memref<!tpu.dma_semaphore, #tpu.memory_space<semaphore_mem>>) src(%dma_wait3A_163 : memref<4x32xi32, #tpu.memory_space<hbm>>) dst(%arg9 : memref<4x32xi32, #tpu.memory_space<vmem>>)
      tpu.yield
    }) : () -> ()
    "tpu.region"() ({
      %run_scoped3A = tpu.sem_alloc : memref<!tpu.dma_semaphore, #tpu.memory_space<semaphore_mem>>
      %dma_start3A_148 = arith.constant 0 : i32
      %dma_start3A_149 = arith.constant 0 : i32
      %dma_start3A_150 = tpu.memref_slice %arg5[%add3A, %dma_start3A_148, %dma_start3A_149] : memref<32x128x16xf32, #tpu.memory_space<hbm>> -> memref<1x128x16xf32, #tpu.memory_space<hbm>>
      %dma_start3A_151 = tpu.memref_squeeze %dma_start3A_150 : memref<1x128x16xf32, #tpu.memory_space<hbm>> -> memref<128x16xf32, #tpu.memory_space<hbm>>
      %dma_start3A_152 = arith.constant 0 : i32
      %dma_start3A_153 = arith.constant 0 : i32
      %dma_start3A_154 = tpu.memref_slice %arg5[%add3A, %dma_start3A_152, %dma_start3A_153] : memref<32x128x16xf32, #tpu.memory_space<hbm>> -> memref<1x128x16xf32, #tpu.memory_space<hbm>>
      %dma_start3A_155 = tpu.memref_squeeze %dma_start3A_154 : memref<1x128x16xf32, #tpu.memory_space<hbm>> -> memref<128x16xf32, #tpu.memory_space<hbm>>
      tpu.enqueue_dma source(%dma_start3A_155 : memref<128x16xf32, #tpu.memory_space<hbm>>) target(%arg10 : memref<128x16xf32, #tpu.memory_space<vmem>>) target_semaphore(%run_scoped3A : memref<!tpu.dma_semaphore, #tpu.memory_space<semaphore_mem>>)
      %dma_wait3A_156 = arith.constant 0 : i32
      %dma_wait3A_157 = arith.constant 0 : i32
      %dma_wait3A_158 = tpu.memref_slice %arg5[%add3A, %dma_wait3A_156, %dma_wait3A_157] : memref<32x128x16xf32, #tpu.memory_space<hbm>> -> memref<1x128x16xf32, #tpu.memory_space<hbm>>
      %dma_wait3A_159 = tpu.memref_squeeze %dma_wait3A_158 : memref<1x128x16xf32, #tpu.memory_space<hbm>> -> memref<128x16xf32, #tpu.memory_space<hbm>>
      %dma_wait3A_160 = arith.constant 0 : i32
      %dma_wait3A_161 = arith.constant 0 : i32
      %dma_wait3A_162 = tpu.memref_slice %arg5[%add3A, %dma_wait3A_160, %dma_wait3A_161] : memref<32x128x16xf32, #tpu.memory_space<hbm>> -> memref<1x128x16xf32, #tpu.memory_space<hbm>>
      %dma_wait3A_163 = tpu.memref_squeeze %dma_wait3A_162 : memref<1x128x16xf32, #tpu.memory_space<hbm>> -> memref<128x16xf32, #tpu.memory_space<hbm>>
      tpu.wait_dma2 semaphore(%run_scoped3A : memref<!tpu.dma_semaphore, #tpu.memory_space<semaphore_mem>>) src(%dma_wait3A_163 : memref<128x16xf32, #tpu.memory_space<hbm>>) dst(%arg10 : memref<128x16xf32, #tpu.memory_space<vmem>>)
      tpu.yield
    }) : () -> ()
    "tpu.region"() ({
      %run_scoped3A = tpu.sem_alloc : memref<!tpu.dma_semaphore, #tpu.memory_space<semaphore_mem>>
      %dma_start3A_148 = arith.constant 0 : i32
      %dma_start3A_149 = arith.constant 0 : i32
      %dma_start3A_150 = tpu.memref_slice %arg6[%add3A, %dma_start3A_148, %dma_start3A_149] : memref<32x128x16xf32, #tpu.memory_space<hbm>> -> memref<1x128x16xf32, #tpu.memory_space<hbm>>
      %dma_start3A_151 = tpu.memref_squeeze %dma_start3A_150 : memref<1x128x16xf32, #tpu.memory_space<hbm>> -> memref<128x16xf32, #tpu.memory_space<hbm>>
      %dma_start3A_152 = arith.constant 0 : i32
      %dma_start3A_153 = arith.constant 0 : i32
      %dma_start3A_154 = tpu.memref_slice %arg6[%add3A, %dma_start3A_152, %dma_start3A_153] : memref<32x128x16xf32, #tpu.memory_space<hbm>> -> memref<1x128x16xf32, #tpu.memory_space<hbm>>
      %dma_start3A_155 = tpu.memref_squeeze %dma_start3A_154 : memref<1x128x16xf32, #tpu.memory_space<hbm>> -> memref<128x16xf32, #tpu.memory_space<hbm>>
      tpu.enqueue_dma source(%dma_start3A_155 : memref<128x16xf32, #tpu.memory_space<hbm>>) target(%arg11 : memref<128x16xf32, #tpu.memory_space<vmem>>) target_semaphore(%run_scoped3A : memref<!tpu.dma_semaphore, #tpu.memory_space<semaphore_mem>>)
      %dma_wait3A_156 = arith.constant 0 : i32
      %dma_wait3A_157 = arith.constant 0 : i32
      %dma_wait3A_158 = tpu.memref_slice %arg6[%add3A, %dma_wait3A_156, %dma_wait3A_157] : memref<32x128x16xf32, #tpu.memory_space<hbm>> -> memref<1x128x16xf32, #tpu.memory_space<hbm>>
      %dma_wait3A_159 = tpu.memref_squeeze %dma_wait3A_158 : memref<1x128x16xf32, #tpu.memory_space<hbm>> -> memref<128x16xf32, #tpu.memory_space<hbm>>
      %dma_wait3A_160 = arith.constant 0 : i32
      %dma_wait3A_161 = arith.constant 0 : i32
      %dma_wait3A_162 = tpu.memref_slice %arg6[%add3A, %dma_wait3A_160, %dma_wait3A_161] : memref<32x128x16xf32, #tpu.memory_space<hbm>> -> memref<1x128x16xf32, #tpu.memory_space<hbm>>
      %dma_wait3A_163 = tpu.memref_squeeze %dma_wait3A_162 : memref<1x128x16xf32, #tpu.memory_space<hbm>> -> memref<128x16xf32, #tpu.memory_space<hbm>>
      tpu.wait_dma2 semaphore(%run_scoped3A : memref<!tpu.dma_semaphore, #tpu.memory_space<semaphore_mem>>) src(%dma_wait3A_163 : memref<128x16xf32, #tpu.memory_space<hbm>>) dst(%arg11 : memref<128x16xf32, #tpu.memory_space<vmem>>)
      tpu.yield
    }) : () -> ()
    %dma_start3A = arith.constant 0 : i32
    %dma_start3A_3 = arith.constant 0 : i32
    %dma_start3A_4 = tpu.memref_slice %arg8[%dma_start3A, %dma_start3A_3] : memref<4x32xi32, #tpu.memory_space<vmem>> -> memref<1x32xi32, #tpu.memory_space<vmem>>
    %dma_start3A_5 = tpu.memref_squeeze %dma_start3A_4 : memref<1x32xi32, #tpu.memory_space<vmem>> -> memref<32xi32, #tpu.memory_space<vmem>>
    %dma_start3A_6 = arith.constant 0 : i32
    %dma_start3A_7 = arith.constant 0 : i32
    %dma_start3A_8 = tpu.memref_slice %arg2[%dma_start3A_6, %dma_start3A_7] : memref<10240x1024xf32, #tpu.memory_space<hbm>> -> memref<10240x1024xf32, #tpu.memory_space<hbm>>
    tpu.enqueue_indirect_dma source(%dma_start3A_8 : memref<10240x1024xf32, #tpu.memory_space<hbm>>) target(%arg12 : memref<32x1024xf32, #tpu.memory_space<vmem>>) offsets(%dma_start3A_5 : memref<32xi32, #tpu.memory_space<vmem>>) semaphore(%arg14 : memref<!tpu.dma_semaphore, #tpu.memory_space<semaphore_mem>>)
    %dma_wait3A = arith.constant 0 : i32
    %dma_wait3A_9 = arith.constant 0 : i32
    %dma_wait3A_10 = tpu.memref_slice %arg8[%dma_wait3A, %dma_wait3A_9] : memref<4x32xi32, #tpu.memory_space<vmem>> -> memref<1x32xi32, #tpu.memory_space<vmem>>
    %dma_wait3A_11 = tpu.memref_squeeze %dma_wait3A_10 : memref<1x32xi32, #tpu.memory_space<vmem>> -> memref<32xi32, #tpu.memory_space<vmem>>
    %dma_wait3A_12 = arith.constant 0 : i32
    %dma_wait3A_13 = arith.constant 0 : i32
    %dma_wait3A_14 = tpu.memref_slice %arg2[%dma_wait3A_12, %dma_wait3A_13] : memref<10240x1024xf32, #tpu.memory_space<hbm>> -> memref<10240x1024xf32, #tpu.memory_space<hbm>>
    tpu.wait_indirect_dma semaphore(%arg14 : memref<!tpu.dma_semaphore, #tpu.memory_space<semaphore_mem>>) src(%dma_wait3A_14 : memref<10240x1024xf32, #tpu.memory_space<hbm>>) dst(%arg12 : memref<32x1024xf32, #tpu.memory_space<vmem>>)
    %dma_start3A_15 = arith.constant 0 : i32
    %dma_start3A_16 = arith.constant 0 : i32
    %dma_start3A_17 = tpu.memref_slice %arg9[%dma_start3A_15, %dma_start3A_16] : memref<4x32xi32, #tpu.memory_space<vmem>> -> memref<1x32xi32, #tpu.memory_space<vmem>>
    %dma_start3A_18 = tpu.memref_squeeze %dma_start3A_17 : memref<1x32xi32, #tpu.memory_space<vmem>> -> memref<32xi32, #tpu.memory_space<vmem>>
    %dma_start3A_19 = arith.constant 0 : i32
    %dma_start3A_20 = arith.constant 0 : i32
    %dma_start3A_21 = tpu.memref_slice %arg2[%dma_start3A_19, %dma_start3A_20] : memref<10240x1024xf32, #tpu.memory_space<hbm>> -> memref<10240x1024xf32, #tpu.memory_space<hbm>>
    tpu.enqueue_indirect_dma source(%dma_start3A_21 : memref<10240x1024xf32, #tpu.memory_space<hbm>>) target(%arg13 : memref<32x1024xf32, #tpu.memory_space<vmem>>) offsets(%dma_start3A_18 : memref<32xi32, #tpu.memory_space<vmem>>) semaphore(%arg14 : memref<!tpu.dma_semaphore, #tpu.memory_space<semaphore_mem>>)
    %dma_wait3A_22 = arith.constant 0 : i32
    %dma_wait3A_23 = arith.constant 0 : i32
    %dma_wait3A_24 = tpu.memref_slice %arg9[%dma_wait3A_22, %dma_wait3A_23] : memref<4x32xi32, #tpu.memory_space<vmem>> -> memref<1x32xi32, #tpu.memory_space<vmem>>
    %dma_wait3A_25 = tpu.memref_squeeze %dma_wait3A_24 : memref<1x32xi32, #tpu.memory_space<vmem>> -> memref<32xi32, #tpu.memory_space<vmem>>
    %dma_wait3A_26 = arith.constant 0 : i32
    %dma_wait3A_27 = arith.constant 0 : i32
    %dma_wait3A_28 = tpu.memref_slice %arg2[%dma_wait3A_26, %dma_wait3A_27] : memref<10240x1024xf32, #tpu.memory_space<hbm>> -> memref<10240x1024xf32, #tpu.memory_space<hbm>>
    tpu.wait_indirect_dma semaphore(%arg14 : memref<!tpu.dma_semaphore, #tpu.memory_space<semaphore_mem>>) src(%dma_wait3A_28 : memref<10240x1024xf32, #tpu.memory_space<hbm>>) dst(%arg13 : memref<32x1024xf32, #tpu.memory_space<vmem>>)
    %scan3A = arith.constant 0 : i32
    %scan3A_29 = arith.constant 0 : i32
    %scan3A_30 = arith.constant 32 : i32
    %scan3A_31 = arith.addi %scan3A_29, %scan3A_30 : i32
    %scan3A_32 = arith.constant 1 : i32
    %scan3A_33 = scf.for %scan3A_148 = %scan3A_29 to %scan3A_31 step %scan3A_32 iter_args(%scan3A_149 = %scan3A) -> (i32)  : i32 {
      %add3A_150 = arith.constant 0 : i32
      %add3A_151 = arith.addi %add3A_150, %scan3A_148 : i32
      %get3A = arith.index_cast %add3A_151 : i32 to index
      %get3A_152 = arith.constant 0 : index
      %get3A_153 = tpu.vector_load %arg10[%get3A, %get3A_152] {strides = array<i32>} : memref<128x16xf32, #tpu.memory_space<vmem>>, vector<1x16xf32>,
      %get3A_154 = vector.shape_cast %get3A_153 : vector<1x16xf32> to vector<16xf32>
      %get3A_155 = arith.index_cast %add3A_151 : i32 to index
      %get3A_156 = arith.constant 0 : index
      %get3A_157 = tpu.vector_load %arg11[%get3A_155, %get3A_156] {strides = array<i32>} : memref<128x16xf32, #tpu.memory_space<vmem>>, vector<1x16xf32>,
      %get3A_158 = vector.shape_cast %get3A_157 : vector<1x16xf32> to vector<16xf32>
      %scan3A_159 = arith.constant 0 : i32
      %scan3A_160 = arith.constant 0 : i32
      %scan3A_161 = arith.constant 64 : i32
      %scan3A_162 = arith.addi %scan3A_160, %scan3A_161 : i32
      %scan3A_163 = arith.constant 1 : i32
      %scan3A_164 = scf.for %scan3A_166 = %scan3A_160 to %scan3A_162 step %scan3A_163 iter_args(%scan3A_167 = %scan3A_159) -> (i32)  : i32 {
        %mul3A_168 = arith.constant 16 : i32
        %mul3A_169 = arith.muli %scan3A_166, %mul3A_168 : i32
        %get3A_170 = arith.index_cast %scan3A_148 : i32 to index
        %get3A_171 = arith.index_cast %mul3A_169 : i32 to index
        %get3A_172 = tpu.vector_load %arg12[%get3A_170, %get3A_171] {strides = array<i32>} : memref<32x1024xf32, #tpu.memory_space<vmem>>, vector<1x16xf32>,
        %get3A_173 = vector.shape_cast %get3A_172 : vector<1x16xf32> to vector<16xf32>
        %mul3A_174 = arith.mulf %get3A_173, %get3A_154 : vector<16xf32>
        %get3A_175 = arith.index_cast %scan3A_148 : i32 to index
        %get3A_176 = arith.index_cast %mul3A_169 : i32 to index
        %get3A_177 = tpu.vector_load %arg13[%get3A_175, %get3A_176] {strides = array<i32>} : memref<32x1024xf32, #tpu.memory_space<vmem>>, vector<1x16xf32>,
        %get3A_178 = vector.shape_cast %get3A_177 : vector<1x16xf32> to vector<16xf32>
        %mul3A_179 = arith.mulf %get3A_178, %get3A_158 : vector<16xf32>
        %add3A_180 = arith.addf %mul3A_174, %mul3A_179 : vector<16xf32>
        %swap3A = arith.index_cast %scan3A_148 : i32 to index
        %swap3A_181 = arith.index_cast %mul3A_169 : i32 to index
        %swap3A_182 = tpu.vector_load %arg12[%swap3A, %swap3A_181] {strides = array<i32>} : memref<32x1024xf32, #tpu.memory_space<vmem>>, vector<1x16xf32>,
        %swap3A_183 = vector.shape_cast %swap3A_182 : vector<1x16xf32> to vector<16xf32>
        %swap3A_184 = vector.shape_cast %add3A_180 : vector<16xf32> to vector<1x16xf32>
        tpu.vector_store %arg12[%swap3A, %swap3A_181], %swap3A_184 {strides = array<i32>} : memref<32x1024xf32, #tpu.memory_space<vmem>>, vector<1x16xf32>,
        %scan3A_185 = arith.constant 0 : i32
        scf.yield %scan3A_185 : i32
      }
      %scan3A_165 = arith.constant 64 : i32
      scf.yield %scan3A_164 : i32
    }
    %scan3A_34 = arith.constant 32 : i32
    %add3A_35 = arith.constant 0 : i32
    %add3A_36 = arith.addi %mul3A_2, %add3A_35 : i32
    "tpu.region"() ({
      %run_scoped3A = tpu.sem_alloc : memref<!tpu.dma_semaphore, #tpu.memory_space<semaphore_mem>>
      %dma_start3A_148 = arith.constant 0 : i32
      %dma_start3A_149 = tpu.memref_slice %arg7[%add3A_36, %dma_start3A_148] : memref<4096x1024xf32, #tpu.memory_space<hbm>> -> memref<32x1024xf32, #tpu.memory_space<hbm>>
      %dma_start3A_150 = arith.constant 0 : i32
      %dma_start3A_151 = tpu.memref_slice %arg7[%add3A_36, %dma_start3A_150] : memref<4096x1024xf32, #tpu.memory_space<hbm>> -> memref<32x1024xf32, #tpu.memory_space<hbm>>
      tpu.enqueue_dma source(%arg12 : memref<32x1024xf32, #tpu.memory_space<vmem>>) target(%dma_start3A_151 : memref<32x1024xf32, #tpu.memory_space<hbm>>) target_semaphore(%run_scoped3A : memref<!tpu.dma_semaphore, #tpu.memory_space<semaphore_mem>>)
      %dma_wait3A_152 = arith.constant 0 : i32
      %dma_wait3A_153 = tpu.memref_slice %arg7[%add3A_36, %dma_wait3A_152] : memref<4096x1024xf32, #tpu.memory_space<hbm>> -> memref<32x1024xf32, #tpu.memory_space<hbm>>
      %dma_wait3A_154 = arith.constant 0 : i32
      %dma_wait3A_155 = tpu.memref_slice %arg7[%add3A_36, %dma_wait3A_154] : memref<4096x1024xf32, #tpu.memory_space<hbm>> -> memref<32x1024xf32, #tpu.memory_space<hbm>>
      tpu.wait_dma2 semaphore(%run_scoped3A : memref<!tpu.dma_semaphore, #tpu.memory_space<semaphore_mem>>) src(%arg12 : memref<32x1024xf32, #tpu.memory_space<vmem>>) dst(%dma_wait3A_155 : memref<32x1024xf32, #tpu.memory_space<hbm>>)
      tpu.yield
    }) : () -> ()
    %dma_start3A_37 = arith.constant 1 : i32
    %dma_start3A_38 = arith.constant 0 : i32
    %dma_start3A_39 = tpu.memref_slice %arg8[%dma_start3A_37, %dma_start3A_38] : memref<4x32xi32, #tpu.memory_space<vmem>> -> memref<1x32xi32, #tpu.memory_space<vmem>>
    %dma_start3A_40 = tpu.memref_squeeze %dma_start3A_39 : memref<1x32xi32, #tpu.memory_space<vmem>> -> memref<32xi32, #tpu.memory_space<vmem>>
    %dma_start3A_41 = arith.constant 0 : i32
    %dma_start3A_42 = arith.constant 0 : i32
    %dma_start3A_43 = tpu.memref_slice %arg2[%dma_start3A_41, %dma_start3A_42] : memref<10240x1024xf32, #tpu.memory_space<hbm>> -> memref<10240x1024xf32, #tpu.memory_space<hbm>>
    tpu.enqueue_indirect_dma source(%dma_start3A_43 : memref<10240x1024xf32, #tpu.memory_space<hbm>>) target(%arg12 : memref<32x1024xf32, #tpu.memory_space<vmem>>) offsets(%dma_start3A_40 : memref<32xi32, #tpu.memory_space<vmem>>) semaphore(%arg14 : memref<!tpu.dma_semaphore, #tpu.memory_space<semaphore_mem>>)
    %dma_wait3A_44 = arith.constant 1 : i32
    %dma_wait3A_45 = arith.constant 0 : i32
    %dma_wait3A_46 = tpu.memref_slice %arg8[%dma_wait3A_44, %dma_wait3A_45] : memref<4x32xi32, #tpu.memory_space<vmem>> -> memref<1x32xi32, #tpu.memory_space<vmem>>
    %dma_wait3A_47 = tpu.memref_squeeze %dma_wait3A_46 : memref<1x32xi32, #tpu.memory_space<vmem>> -> memref<32xi32, #tpu.memory_space<vmem>>
    %dma_wait3A_48 = arith.constant 0 : i32
    %dma_wait3A_49 = arith.constant 0 : i32
    %dma_wait3A_50 = tpu.memref_slice %arg2[%dma_wait3A_48, %dma_wait3A_49] : memref<10240x1024xf32, #tpu.memory_space<hbm>> -> memref<10240x1024xf32, #tpu.memory_space<hbm>>
    tpu.wait_indirect_dma semaphore(%arg14 : memref<!tpu.dma_semaphore, #tpu.memory_space<semaphore_mem>>) src(%dma_wait3A_50 : memref<10240x1024xf32, #tpu.memory_space<hbm>>) dst(%arg12 : memref<32x1024xf32, #tpu.memory_space<vmem>>)
    %dma_start3A_51 = arith.constant 1 : i32
    %dma_start3A_52 = arith.constant 0 : i32
    %dma_start3A_53 = tpu.memref_slice %arg9[%dma_start3A_51, %dma_start3A_52] : memref<4x32xi32, #tpu.memory_space<vmem>> -> memref<1x32xi32, #tpu.memory_space<vmem>>
    %dma_start3A_54 = tpu.memref_squeeze %dma_start3A_53 : memref<1x32xi32, #tpu.memory_space<vmem>> -> memref<32xi32, #tpu.memory_space<vmem>>
    %dma_start3A_55 = arith.constant 0 : i32
    %dma_start3A_56 = arith.constant 0 : i32
    %dma_start3A_57 = tpu.memref_slice %arg2[%dma_start3A_55, %dma_start3A_56] : memref<10240x1024xf32, #tpu.memory_space<hbm>> -> memref<10240x1024xf32, #tpu.memory_space<hbm>>
    tpu.enqueue_indirect_dma source(%dma_start3A_57 : memref<10240x1024xf32, #tpu.memory_space<hbm>>) target(%arg13 : memref<32x1024xf32, #tpu.memory_space<vmem>>) offsets(%dma_start3A_54 : memref<32xi32, #tpu.memory_space<vmem>>) semaphore(%arg14 : memref<!tpu.dma_semaphore, #tpu.memory_space<semaphore_mem>>)
    %dma_wait3A_58 = arith.constant 1 : i32
    %dma_wait3A_59 = arith.constant 0 : i32
    %dma_wait3A_60 = tpu.memref_slice %arg9[%dma_wait3A_58, %dma_wait3A_59] : memref<4x32xi32, #tpu.memory_space<vmem>> -> memref<1x32xi32, #tpu.memory_space<vmem>>
    %dma_wait3A_61 = tpu.memref_squeeze %dma_wait3A_60 : memref<1x32xi32, #tpu.memory_space<vmem>> -> memref<32xi32, #tpu.memory_space<vmem>>
    %dma_wait3A_62 = arith.constant 0 : i32
    %dma_wait3A_63 = arith.constant 0 : i32
    %dma_wait3A_64 = tpu.memref_slice %arg2[%dma_wait3A_62, %dma_wait3A_63] : memref<10240x1024xf32, #tpu.memory_space<hbm>> -> memref<10240x1024xf32, #tpu.memory_space<hbm>>
    tpu.wait_indirect_dma semaphore(%arg14 : memref<!tpu.dma_semaphore, #tpu.memory_space<semaphore_mem>>) src(%dma_wait3A_64 : memref<10240x1024xf32, #tpu.memory_space<hbm>>) dst(%arg13 : memref<32x1024xf32, #tpu.memory_space<vmem>>)
    %scan3A_65 = arith.constant 0 : i32
    %scan3A_66 = arith.constant 0 : i32
    %scan3A_67 = arith.constant 32 : i32
    %scan3A_68 = arith.addi %scan3A_66, %scan3A_67 : i32
    %scan3A_69 = arith.constant 1 : i32
    %scan3A_70 = scf.for %scan3A_148 = %scan3A_66 to %scan3A_68 step %scan3A_69 iter_args(%scan3A_149 = %scan3A_65) -> (i32)  : i32 {
      %add3A_150 = arith.constant 32 : i32
      %add3A_151 = arith.addi %add3A_150, %scan3A_148 : i32
      %get3A = arith.index_cast %add3A_151 : i32 to index
      %get3A_152 = arith.constant 0 : index
      %get3A_153 = tpu.vector_load %arg10[%get3A, %get3A_152] {strides = array<i32>} : memref<128x16xf32, #tpu.memory_space<vmem>>, vector<1x16xf32>,
      %get3A_154 = vector.shape_cast %get3A_153 : vector<1x16xf32> to vector<16xf32>
      %get3A_155 = arith.index_cast %add3A_151 : i32 to index
      %get3A_156 = arith.constant 0 : index
      %get3A_157 = tpu.vector_load %arg11[%get3A_155, %get3A_156] {strides = array<i32>} : memref<128x16xf32, #tpu.memory_space<vmem>>, vector<1x16xf32>,
      %get3A_158 = vector.shape_cast %get3A_157 : vector<1x16xf32> to vector<16xf32>
      %scan3A_159 = arith.constant 0 : i32
      %scan3A_160 = arith.constant 0 : i32
      %scan3A_161 = arith.constant 64 : i32
      %scan3A_162 = arith.addi %scan3A_160, %scan3A_161 : i32
      %scan3A_163 = arith.constant 1 : i32
      %scan3A_164 = scf.for %scan3A_166 = %scan3A_160 to %scan3A_162 step %scan3A_163 iter_args(%scan3A_167 = %scan3A_159) -> (i32)  : i32 {
        %mul3A_168 = arith.constant 16 : i32
        %mul3A_169 = arith.muli %scan3A_166, %mul3A_168 : i32
        %get3A_170 = arith.index_cast %scan3A_148 : i32 to index
        %get3A_171 = arith.index_cast %mul3A_169 : i32 to index
        %get3A_172 = tpu.vector_load %arg12[%get3A_170, %get3A_171] {strides = array<i32>} : memref<32x1024xf32, #tpu.memory_space<vmem>>, vector<1x16xf32>,
        %get3A_173 = vector.shape_cast %get3A_172 : vector<1x16xf32> to vector<16xf32>
        %mul3A_174 = arith.mulf %get3A_173, %get3A_154 : vector<16xf32>
        %get3A_175 = arith.index_cast %scan3A_148 : i32 to index
        %get3A_176 = arith.index_cast %mul3A_169 : i32 to index
        %get3A_177 = tpu.vector_load %arg13[%get3A_175, %get3A_176] {strides = array<i32>} : memref<32x1024xf32, #tpu.memory_space<vmem>>, vector<1x16xf32>,
        %get3A_178 = vector.shape_cast %get3A_177 : vector<1x16xf32> to vector<16xf32>
        %mul3A_179 = arith.mulf %get3A_178, %get3A_158 : vector<16xf32>
        %add3A_180 = arith.addf %mul3A_174, %mul3A_179 : vector<16xf32>
        %swap3A = arith.index_cast %scan3A_148 : i32 to index
        %swap3A_181 = arith.index_cast %mul3A_169 : i32 to index
        %swap3A_182 = tpu.vector_load %arg12[%swap3A, %swap3A_181] {strides = array<i32>} : memref<32x1024xf32, #tpu.memory_space<vmem>>, vector<1x16xf32>,
        %swap3A_183 = vector.shape_cast %swap3A_182 : vector<1x16xf32> to vector<16xf32>
        %swap3A_184 = vector.shape_cast %add3A_180 : vector<16xf32> to vector<1x16xf32>
        tpu.vector_store %arg12[%swap3A, %swap3A_181], %swap3A_184 {strides = array<i32>} : memref<32x1024xf32, #tpu.memory_space<vmem>>, vector<1x16xf32>,
        %scan3A_185 = arith.constant 0 : i32
        scf.yield %scan3A_185 : i32
      }
      %scan3A_165 = arith.constant 64 : i32
      scf.yield %scan3A_164 : i32
    }
    %scan3A_71 = arith.constant 32 : i32
    %add3A_72 = arith.constant 32 : i32
    %add3A_73 = arith.addi %mul3A_2, %add3A_72 : i32
    "tpu.region"() ({
      %run_scoped3A = tpu.sem_alloc : memref<!tpu.dma_semaphore, #tpu.memory_space<semaphore_mem>>
      %dma_start3A_148 = arith.constant 0 : i32
      %dma_start3A_149 = tpu.memref_slice %arg7[%add3A_73, %dma_start3A_148] : memref<4096x1024xf32, #tpu.memory_space<hbm>> -> memref<32x1024xf32, #tpu.memory_space<hbm>>
      %dma_start3A_150 = arith.constant 0 : i32
      %dma_start3A_151 = tpu.memref_slice %arg7[%add3A_73, %dma_start3A_150] : memref<4096x1024xf32, #tpu.memory_space<hbm>> -> memref<32x1024xf32, #tpu.memory_space<hbm>>
      tpu.enqueue_dma source(%arg12 : memref<32x1024xf32, #tpu.memory_space<vmem>>) target(%dma_start3A_151 : memref<32x1024xf32, #tpu.memory_space<hbm>>) target_semaphore(%run_scoped3A : memref<!tpu.dma_semaphore, #tpu.memory_space<semaphore_mem>>)
      %dma_wait3A_152 = arith.constant 0 : i32
      %dma_wait3A_153 = tpu.memref_slice %arg7[%add3A_73, %dma_wait3A_152] : memref<4096x1024xf32, #tpu.memory_space<hbm>> -> memref<32x1024xf32, #tpu.memory_space<hbm>>
      %dma_wait3A_154 = arith.constant 0 : i32
      %dma_wait3A_155 = tpu.memref_slice %arg7[%add3A_73, %dma_wait3A_154] : memref<4096x1024xf32, #tpu.memory_space<hbm>> -> memref<32x1024xf32, #tpu.memory_space<hbm>>
      tpu.wait_dma2 semaphore(%run_scoped3A : memref<!tpu.dma_semaphore, #tpu.memory_space<semaphore_mem>>) src(%arg12 : memref<32x1024xf32, #tpu.memory_space<vmem>>) dst(%dma_wait3A_155 : memref<32x1024xf32, #tpu.memory_space<hbm>>)
      tpu.yield
    }) : () -> ()
    %dma_start3A_74 = arith.constant 2 : i32
    %dma_start3A_75 = arith.constant 0 : i32
    %dma_start3A_76 = tpu.memref_slice %arg8[%dma_start3A_74, %dma_start3A_75] : memref<4x32xi32, #tpu.memory_space<vmem>> -> memref<1x32xi32, #tpu.memory_space<vmem>>
    %dma_start3A_77 = tpu.memref_squeeze %dma_start3A_76 : memref<1x32xi32, #tpu.memory_space<vmem>> -> memref<32xi32, #tpu.memory_space<vmem>>
    %dma_start3A_78 = arith.constant 0 : i32
    %dma_start3A_79 = arith.constant 0 : i32
    %dma_start3A_80 = tpu.memref_slice %arg2[%dma_start3A_78, %dma_start3A_79] : memref<10240x1024xf32, #tpu.memory_space<hbm>> -> memref<10240x1024xf32, #tpu.memory_space<hbm>>
    tpu.enqueue_indirect_dma source(%dma_start3A_80 : memref<10240x1024xf32, #tpu.memory_space<hbm>>) target(%arg12 : memref<32x1024xf32, #tpu.memory_space<vmem>>) offsets(%dma_start3A_77 : memref<32xi32, #tpu.memory_space<vmem>>) semaphore(%arg14 : memref<!tpu.dma_semaphore, #tpu.memory_space<semaphore_mem>>)
    %dma_wait3A_81 = arith.constant 2 : i32
    %dma_wait3A_82 = arith.constant 0 : i32
    %dma_wait3A_83 = tpu.memref_slice %arg8[%dma_wait3A_81, %dma_wait3A_82] : memref<4x32xi32, #tpu.memory_space<vmem>> -> memref<1x32xi32, #tpu.memory_space<vmem>>
    %dma_wait3A_84 = tpu.memref_squeeze %dma_wait3A_83 : memref<1x32xi32, #tpu.memory_space<vmem>> -> memref<32xi32, #tpu.memory_space<vmem>>
    %dma_wait3A_85 = arith.constant 0 : i32
    %dma_wait3A_86 = arith.constant 0 : i32
    %dma_wait3A_87 = tpu.memref_slice %arg2[%dma_wait3A_85, %dma_wait3A_86] : memref<10240x1024xf32, #tpu.memory_space<hbm>> -> memref<10240x1024xf32, #tpu.memory_space<hbm>>
    tpu.wait_indirect_dma semaphore(%arg14 : memref<!tpu.dma_semaphore, #tpu.memory_space<semaphore_mem>>) src(%dma_wait3A_87 : memref<10240x1024xf32, #tpu.memory_space<hbm>>) dst(%arg12 : memref<32x1024xf32, #tpu.memory_space<vmem>>)
    %dma_start3A_88 = arith.constant 2 : i32
    %dma_start3A_89 = arith.constant 0 : i32
    %dma_start3A_90 = tpu.memref_slice %arg9[%dma_start3A_88, %dma_start3A_89] : memref<4x32xi32, #tpu.memory_space<vmem>> -> memref<1x32xi32, #tpu.memory_space<vmem>>
    %dma_start3A_91 = tpu.memref_squeeze %dma_start3A_90 : memref<1x32xi32, #tpu.memory_space<vmem>> -> memref<32xi32, #tpu.memory_space<vmem>>
    %dma_start3A_92 = arith.constant 0 : i32
    %dma_start3A_93 = arith.constant 0 : i32
    %dma_start3A_94 = tpu.memref_slice %arg2[%dma_start3A_92, %dma_start3A_93] : memref<10240x1024xf32, #tpu.memory_space<hbm>> -> memref<10240x1024xf32, #tpu.memory_space<hbm>>
    tpu.enqueue_indirect_dma source(%dma_start3A_94 : memref<10240x1024xf32, #tpu.memory_space<hbm>>) target(%arg13 : memref<32x1024xf32, #tpu.memory_space<vmem>>) offsets(%dma_start3A_91 : memref<32xi32, #tpu.memory_space<vmem>>) semaphore(%arg14 : memref<!tpu.dma_semaphore, #tpu.memory_space<semaphore_mem>>)
    %dma_wait3A_95 = arith.constant 2 : i32
    %dma_wait3A_96 = arith.constant 0 : i32
    %dma_wait3A_97 = tpu.memref_slice %arg9[%dma_wait3A_95, %dma_wait3A_96] : memref<4x32xi32, #tpu.memory_space<vmem>> -> memref<1x32xi32, #tpu.memory_space<vmem>>
    %dma_wait3A_98 = tpu.memref_squeeze %dma_wait3A_97 : memref<1x32xi32, #tpu.memory_space<vmem>> -> memref<32xi32, #tpu.memory_space<vmem>>
    %dma_wait3A_99 = arith.constant 0 : i32
    %dma_wait3A_100 = arith.constant 0 : i32
    %dma_wait3A_101 = tpu.memref_slice %arg2[%dma_wait3A_99, %dma_wait3A_100] : memref<10240x1024xf32, #tpu.memory_space<hbm>> -> memref<10240x1024xf32, #tpu.memory_space<hbm>>
    tpu.wait_indirect_dma semaphore(%arg14 : memref<!tpu.dma_semaphore, #tpu.memory_space<semaphore_mem>>) src(%dma_wait3A_101 : memref<10240x1024xf32, #tpu.memory_space<hbm>>) dst(%arg13 : memref<32x1024xf32, #tpu.memory_space<vmem>>)
    %scan3A_102 = arith.constant 0 : i32
    %scan3A_103 = arith.constant 0 : i32
    %scan3A_104 = arith.constant 32 : i32
    %scan3A_105 = arith.addi %scan3A_103, %scan3A_104 : i32
    %scan3A_106 = arith.constant 1 : i32
    %scan3A_107 = scf.for %scan3A_148 = %scan3A_103 to %scan3A_105 step %scan3A_106 iter_args(%scan3A_149 = %scan3A_102) -> (i32)  : i32 {
      %add3A_150 = arith.constant 64 : i32
      %add3A_151 = arith.addi %add3A_150, %scan3A_148 : i32
      %get3A = arith.index_cast %add3A_151 : i32 to index
      %get3A_152 = arith.constant 0 : index
      %get3A_153 = tpu.vector_load %arg10[%get3A, %get3A_152] {strides = array<i32>} : memref<128x16xf32, #tpu.memory_space<vmem>>, vector<1x16xf32>,
      %get3A_154 = vector.shape_cast %get3A_153 : vector<1x16xf32> to vector<16xf32>
      %get3A_155 = arith.index_cast %add3A_151 : i32 to index
      %get3A_156 = arith.constant 0 : index
      %get3A_157 = tpu.vector_load %arg11[%get3A_155, %get3A_156] {strides = array<i32>} : memref<128x16xf32, #tpu.memory_space<vmem>>, vector<1x16xf32>,
      %get3A_158 = vector.shape_cast %get3A_157 : vector<1x16xf32> to vector<16xf32>
      %scan3A_159 = arith.constant 0 : i32
      %scan3A_160 = arith.constant 0 : i32
      %scan3A_161 = arith.constant 64 : i32
      %scan3A_162 = arith.addi %scan3A_160, %scan3A_161 : i32
      %scan3A_163 = arith.constant 1 : i32
      %scan3A_164 = scf.for %scan3A_166 = %scan3A_160 to %scan3A_162 step %scan3A_163 iter_args(%scan3A_167 = %scan3A_159) -> (i32)  : i32 {
        %mul3A_168 = arith.constant 16 : i32
        %mul3A_169 = arith.muli %scan3A_166, %mul3A_168 : i32
        %get3A_170 = arith.index_cast %scan3A_148 : i32 to index
        %get3A_171 = arith.index_cast %mul3A_169 : i32 to index
        %get3A_172 = tpu.vector_load %arg12[%get3A_170, %get3A_171] {strides = array<i32>} : memref<32x1024xf32, #tpu.memory_space<vmem>>, vector<1x16xf32>,
        %get3A_173 = vector.shape_cast %get3A_172 : vector<1x16xf32> to vector<16xf32>
        %mul3A_174 = arith.mulf %get3A_173, %get3A_154 : vector<16xf32>
        %get3A_175 = arith.index_cast %scan3A_148 : i32 to index
        %get3A_176 = arith.index_cast %mul3A_169 : i32 to index
        %get3A_177 = tpu.vector_load %arg13[%get3A_175, %get3A_176] {strides = array<i32>} : memref<32x1024xf32, #tpu.memory_space<vmem>>, vector<1x16xf32>,
        %get3A_178 = vector.shape_cast %get3A_177 : vector<1x16xf32> to vector<16xf32>
        %mul3A_179 = arith.mulf %get3A_178, %get3A_158 : vector<16xf32>
        %add3A_180 = arith.addf %mul3A_174, %mul3A_179 : vector<16xf32>
        %swap3A = arith.index_cast %scan3A_148 : i32 to index
        %swap3A_181 = arith.index_cast %mul3A_169 : i32 to index
        %swap3A_182 = tpu.vector_load %arg12[%swap3A, %swap3A_181] {strides = array<i32>} : memref<32x1024xf32, #tpu.memory_space<vmem>>, vector<1x16xf32>,
        %swap3A_183 = vector.shape_cast %swap3A_182 : vector<1x16xf32> to vector<16xf32>
        %swap3A_184 = vector.shape_cast %add3A_180 : vector<16xf32> to vector<1x16xf32>
        tpu.vector_store %arg12[%swap3A, %swap3A_181], %swap3A_184 {strides = array<i32>} : memref<32x1024xf32, #tpu.memory_space<vmem>>, vector<1x16xf32>,
        %scan3A_185 = arith.constant 0 : i32
        scf.yield %scan3A_185 : i32
      }
      %scan3A_165 = arith.constant 64 : i32
      scf.yield %scan3A_164 : i32
    }
    %scan3A_108 = arith.constant 32 : i32
    %add3A_109 = arith.constant 64 : i32
    %add3A_110 = arith.addi %mul3A_2, %add3A_109 : i32
    "tpu.region"() ({
      %run_scoped3A = tpu.sem_alloc : memref<!tpu.dma_semaphore, #tpu.memory_space<semaphore_mem>>
      %dma_start3A_148 = arith.constant 0 : i32
      %dma_start3A_149 = tpu.memref_slice %arg7[%add3A_110, %dma_start3A_148] : memref<4096x1024xf32, #tpu.memory_space<hbm>> -> memref<32x1024xf32, #tpu.memory_space<hbm>>
      %dma_start3A_150 = arith.constant 0 : i32
      %dma_start3A_151 = tpu.memref_slice %arg7[%add3A_110, %dma_start3A_150] : memref<4096x1024xf32, #tpu.memory_space<hbm>> -> memref<32x1024xf32, #tpu.memory_space<hbm>>
      tpu.enqueue_dma source(%arg12 : memref<32x1024xf32, #tpu.memory_space<vmem>>) target(%dma_start3A_151 : memref<32x1024xf32, #tpu.memory_space<hbm>>) target_semaphore(%run_scoped3A : memref<!tpu.dma_semaphore, #tpu.memory_space<semaphore_mem>>)
      %dma_wait3A_152 = arith.constant 0 : i32
      %dma_wait3A_153 = tpu.memref_slice %arg7[%add3A_110, %dma_wait3A_152] : memref<4096x1024xf32, #tpu.memory_space<hbm>> -> memref<32x1024xf32, #tpu.memory_space<hbm>>
      %dma_wait3A_154 = arith.constant 0 : i32
      %dma_wait3A_155 = tpu.memref_slice %arg7[%add3A_110, %dma_wait3A_154] : memref<4096x1024xf32, #tpu.memory_space<hbm>> -> memref<32x1024xf32, #tpu.memory_space<hbm>>
      tpu.wait_dma2 semaphore(%run_scoped3A : memref<!tpu.dma_semaphore, #tpu.memory_space<semaphore_mem>>) src(%arg12 : memref<32x1024xf32, #tpu.memory_space<vmem>>) dst(%dma_wait3A_155 : memref<32x1024xf32, #tpu.memory_space<hbm>>)
      tpu.yield
    }) : () -> ()
    %dma_start3A_111 = arith.constant 3 : i32
    %dma_start3A_112 = arith.constant 0 : i32
    %dma_start3A_113 = tpu.memref_slice %arg8[%dma_start3A_111, %dma_start3A_112] : memref<4x32xi32, #tpu.memory_space<vmem>> -> memref<1x32xi32, #tpu.memory_space<vmem>>
    %dma_start3A_114 = tpu.memref_squeeze %dma_start3A_113 : memref<1x32xi32, #tpu.memory_space<vmem>> -> memref<32xi32, #tpu.memory_space<vmem>>
    %dma_start3A_115 = arith.constant 0 : i32
    %dma_start3A_116 = arith.constant 0 : i32
    %dma_start3A_117 = tpu.memref_slice %arg2[%dma_start3A_115, %dma_start3A_116] : memref<10240x1024xf32, #tpu.memory_space<hbm>> -> memref<10240x1024xf32, #tpu.memory_space<hbm>>
    tpu.enqueue_indirect_dma source(%dma_start3A_117 : memref<10240x1024xf32, #tpu.memory_space<hbm>>) target(%arg12 : memref<32x1024xf32, #tpu.memory_space<vmem>>) offsets(%dma_start3A_114 : memref<32xi32, #tpu.memory_space<vmem>>) semaphore(%arg14 : memref<!tpu.dma_semaphore, #tpu.memory_space<semaphore_mem>>)
    %dma_wait3A_118 = arith.constant 3 : i32
    %dma_wait3A_119 = arith.constant 0 : i32
    %dma_wait3A_120 = tpu.memref_slice %arg8[%dma_wait3A_118, %dma_wait3A_119] : memref<4x32xi32, #tpu.memory_space<vmem>> -> memref<1x32xi32, #tpu.memory_space<vmem>>
    %dma_wait3A_121 = tpu.memref_squeeze %dma_wait3A_120 : memref<1x32xi32, #tpu.memory_space<vmem>> -> memref<32xi32, #tpu.memory_space<vmem>>
    %dma_wait3A_122 = arith.constant 0 : i32
    %dma_wait3A_123 = arith.constant 0 : i32
    %dma_wait3A_124 = tpu.memref_slice %arg2[%dma_wait3A_122, %dma_wait3A_123] : memref<10240x1024xf32, #tpu.memory_space<hbm>> -> memref<10240x1024xf32, #tpu.memory_space<hbm>>
    tpu.wait_indirect_dma semaphore(%arg14 : memref<!tpu.dma_semaphore, #tpu.memory_space<semaphore_mem>>) src(%dma_wait3A_124 : memref<10240x1024xf32, #tpu.memory_space<hbm>>) dst(%arg12 : memref<32x1024xf32, #tpu.memory_space<vmem>>)
    %dma_start3A_125 = arith.constant 3 : i32
    %dma_start3A_126 = arith.constant 0 : i32
    %dma_start3A_127 = tpu.memref_slice %arg9[%dma_start3A_125, %dma_start3A_126] : memref<4x32xi32, #tpu.memory_space<vmem>> -> memref<1x32xi32, #tpu.memory_space<vmem>>
    %dma_start3A_128 = tpu.memref_squeeze %dma_start3A_127 : memref<1x32xi32, #tpu.memory_space<vmem>> -> memref<32xi32, #tpu.memory_space<vmem>>
    %dma_start3A_129 = arith.constant 0 : i32
    %dma_start3A_130 = arith.constant 0 : i32
    %dma_start3A_131 = tpu.memref_slice %arg2[%dma_start3A_129, %dma_start3A_130] : memref<10240x1024xf32, #tpu.memory_space<hbm>> -> memref<10240x1024xf32, #tpu.memory_space<hbm>>
    tpu.enqueue_indirect_dma source(%dma_start3A_131 : memref<10240x1024xf32, #tpu.memory_space<hbm>>) target(%arg13 : memref<32x1024xf32, #tpu.memory_space<vmem>>) offsets(%dma_start3A_128 : memref<32xi32, #tpu.memory_space<vmem>>) semaphore(%arg14 : memref<!tpu.dma_semaphore, #tpu.memory_space<semaphore_mem>>)
    %dma_wait3A_132 = arith.constant 3 : i32
    %dma_wait3A_133 = arith.constant 0 : i32
    %dma_wait3A_134 = tpu.memref_slice %arg9[%dma_wait3A_132, %dma_wait3A_133] : memref<4x32xi32, #tpu.memory_space<vmem>> -> memref<1x32xi32, #tpu.memory_space<vmem>>
    %dma_wait3A_135 = tpu.memref_squeeze %dma_wait3A_134 : memref<1x32xi32, #tpu.memory_space<vmem>> -> memref<32xi32, #tpu.memory_space<vmem>>
    %dma_wait3A_136 = arith.constant 0 : i32
    %dma_wait3A_137 = arith.constant 0 : i32
    %dma_wait3A_138 = tpu.memref_slice %arg2[%dma_wait3A_136, %dma_wait3A_137] : memref<10240x1024xf32, #tpu.memory_space<hbm>> -> memref<10240x1024xf32, #tpu.memory_space<hbm>>
    tpu.wait_indirect_dma semaphore(%arg14 : memref<!tpu.dma_semaphore, #tpu.memory_space<semaphore_mem>>) src(%dma_wait3A_138 : memref<10240x1024xf32, #tpu.memory_space<hbm>>) dst(%arg13 : memref<32x1024xf32, #tpu.memory_space<vmem>>)
    %scan3A_139 = arith.constant 0 : i32
    %scan3A_140 = arith.constant 0 : i32
    %scan3A_141 = arith.constant 32 : i32
    %scan3A_142 = arith.addi %scan3A_140, %scan3A_141 : i32
    %scan3A_143 = arith.constant 1 : i32
    %scan3A_144 = scf.for %scan3A_148 = %scan3A_140 to %scan3A_142 step %scan3A_143 iter_args(%scan3A_149 = %scan3A_139) -> (i32)  : i32 {
      %add3A_150 = arith.constant 96 : i32
      %add3A_151 = arith.addi %add3A_150, %scan3A_148 : i32
      %get3A = arith.index_cast %add3A_151 : i32 to index
      %get3A_152 = arith.constant 0 : index
      %get3A_153 = tpu.vector_load %arg10[%get3A, %get3A_152] {strides = array<i32>} : memref<128x16xf32, #tpu.memory_space<vmem>>, vector<1x16xf32>,
      %get3A_154 = vector.shape_cast %get3A_153 : vector<1x16xf32> to vector<16xf32>
      %get3A_155 = arith.index_cast %add3A_151 : i32 to index
      %get3A_156 = arith.constant 0 : index
      %get3A_157 = tpu.vector_load %arg11[%get3A_155, %get3A_156] {strides = array<i32>} : memref<128x16xf32, #tpu.memory_space<vmem>>, vector<1x16xf32>,
      %get3A_158 = vector.shape_cast %get3A_157 : vector<1x16xf32> to vector<16xf32>
      %scan3A_159 = arith.constant 0 : i32
      %scan3A_160 = arith.constant 0 : i32
      %scan3A_161 = arith.constant 64 : i32
      %scan3A_162 = arith.addi %scan3A_160, %scan3A_161 : i32
      %scan3A_163 = arith.constant 1 : i32
      %scan3A_164 = scf.for %scan3A_166 = %scan3A_160 to %scan3A_162 step %scan3A_163 iter_args(%scan3A_167 = %scan3A_159) -> (i32)  : i32 {
        %mul3A_168 = arith.constant 16 : i32
        %mul3A_169 = arith.muli %scan3A_166, %mul3A_168 : i32
        %get3A_170 = arith.index_cast %scan3A_148 : i32 to index
        %get3A_171 = arith.index_cast %mul3A_169 : i32 to index
        %get3A_172 = tpu.vector_load %arg12[%get3A_170, %get3A_171] {strides = array<i32>} : memref<32x1024xf32, #tpu.memory_space<vmem>>, vector<1x16xf32>,
        %get3A_173 = vector.shape_cast %get3A_172 : vector<1x16xf32> to vector<16xf32>
        %mul3A_174 = arith.mulf %get3A_173, %get3A_154 : vector<16xf32>
        %get3A_175 = arith.index_cast %scan3A_148 : i32 to index
        %get3A_176 = arith.index_cast %mul3A_169 : i32 to index
        %get3A_177 = tpu.vector_load %arg13[%get3A_175, %get3A_176] {strides = array<i32>} : memref<32x1024xf32, #tpu.memory_space<vmem>>, vector<1x16xf32>,
        %get3A_178 = vector.shape_cast %get3A_177 : vector<1x16xf32> to vector<16xf32>
        %mul3A_179 = arith.mulf %get3A_178, %get3A_158 : vector<16xf32>
        %add3A_180 = arith.addf %mul3A_174, %mul3A_179 : vector<16xf32>
        %swap3A = arith.index_cast %scan3A_148 : i32 to index
        %swap3A_181 = arith.index_cast %mul3A_169 : i32 to index
        %swap3A_182 = tpu.vector_load %arg12[%swap3A, %swap3A_181] {strides = array<i32>} : memref<32x1024xf32, #tpu.memory_space<vmem>>, vector<1x16xf32>,
        %swap3A_183 = vector.shape_cast %swap3A_182 : vector<1x16xf32> to vector<16xf32>
        %swap3A_184 = vector.shape_cast %add3A_180 : vector<16xf32> to vector<1x16xf32>
        tpu.vector_store %arg12[%swap3A, %swap3A_181], %swap3A_184 {strides = array<i32>} : memref<32x1024xf32, #tpu.memory_space<vmem>>, vector<1x16xf32>,
        %scan3A_185 = arith.constant 0 : i32
        scf.yield %scan3A_185 : i32
      }
      %scan3A_165 = arith.constant 64 : i32
      scf.yield %scan3A_164 : i32
    }
    %scan3A_145 = arith.constant 32 : i32
    %add3A_146 = arith.constant 96 : i32
    %add3A_147 = arith.addi %mul3A_2, %add3A_146 : i32
    "tpu.region"() ({
      %run_scoped3A = tpu.sem_alloc : memref<!tpu.dma_semaphore, #tpu.memory_space<semaphore_mem>>
      %dma_start3A_148 = arith.constant 0 : i32
      %dma_start3A_149 = tpu.memref_slice %arg7[%add3A_147, %dma_start3A_148] : memref<4096x1024xf32, #tpu.memory_space<hbm>> -> memref<32x1024xf32, #tpu.memory_space<hbm>>
      %dma_start3A_150 = arith.constant 0 : i32
      %dma_start3A_151 = tpu.memref_slice %arg7[%add3A_147, %dma_start3A_150] : memref<4096x1024xf32, #tpu.memory_space<hbm>> -> memref<32x1024xf32, #tpu.memory_space<hbm>>
      tpu.enqueue_dma source(%arg12 : memref<32x1024xf32, #tpu.memory_space<vmem>>) target(%dma_start3A_151 : memref<32x1024xf32, #tpu.memory_space<hbm>>) target_semaphore(%run_scoped3A : memref<!tpu.dma_semaphore, #tpu.memory_space<semaphore_mem>>)
      %dma_wait3A_152 = arith.constant 0 : i32
      %dma_wait3A_153 = tpu.memref_slice %arg7[%add3A_147, %dma_wait3A_152] : memref<4096x1024xf32, #tpu.memory_space<hbm>> -> memref<32x1024xf32, #tpu.memory_space<hbm>>
      %dma_wait3A_154 = arith.constant 0 : i32
      %dma_wait3A_155 = tpu.memref_slice %arg7[%add3A_147, %dma_wait3A_154] : memref<4096x1024xf32, #tpu.memory_space<hbm>> -> memref<32x1024xf32, #tpu.memory_space<hbm>>
      tpu.wait_dma2 semaphore(%run_scoped3A : memref<!tpu.dma_semaphore, #tpu.memory_space<semaphore_mem>>) src(%arg12 : memref<32x1024xf32, #tpu.memory_space<vmem>>) dst(%dma_wait3A_155 : memref<32x1024xf32, #tpu.memory_space<hbm>>)
      tpu.yield
    }) : () -> ()
    return
  }
}

#map = affine_map<(d0, d1) -> (0, 0)>
#map1 = affine_map<(d0, d1) -> (0, 0, 0)>
module attributes {stable_mosaic.version = 14 : i64} {
  func.func @_dispatch_body(%arg0: i32, %arg1: i32, %arg2: memref<4096x1024xf32, #tpu.memory_space<hbm>>, %arg3: memref<32x2x64xi32, #tpu.memory_space<hbm>>, %arg4: memref<32x2x64xi32, #tpu.memory_space<hbm>>, %arg5: memref<10240x1024xf32, #tpu.memory_space<hbm>>, %arg6: memref<2x64xi32, #tpu.memory_space<vmem>>, %arg7: memref<2x64xi32, #tpu.memory_space<vmem>>, %arg8: memref<64x1024xf32, #tpu.memory_space<vmem>>, %arg9: memref<!tpu.dma_semaphore, #tpu.memory_space<semaphore_mem>>) attributes {dimension_semantics = [#tpu.dimension_semantics<core_parallel>, #tpu.dimension_semantics<subcore_parallel>], iteration_bounds = array<i64: 2, 16>, scalar_prefetch = 0 : i64, scratch_operands = 4 : i64, tpu.core_type = #tpu.core_type<sc_vector_subcore>, window_params = [{transform_indices = #map}, {transform_indices = #map1}, {transform_indices = #map1}, {transform_indices = #map}]} {
    %mul3A = arith.constant 2 : i32
    %mul3A_0 = arith.muli %arg1, %mul3A : i32
    %add3A = arith.addi %mul3A_0, %arg0 : i32
    %mul3A_1 = arith.constant 128 : i32
    %mul3A_2 = arith.muli %add3A, %mul3A_1 : i32
    "tpu.region"() ({
      %run_scoped3A = tpu.sem_alloc : memref<!tpu.dma_semaphore, #tpu.memory_space<semaphore_mem>>
      %dma_start3A_61 = arith.constant 0 : i32
      %dma_start3A_62 = arith.constant 0 : i32
      %dma_start3A_63 = tpu.memref_slice %arg3[%add3A, %dma_start3A_61, %dma_start3A_62] : memref<32x2x64xi32, #tpu.memory_space<hbm>> -> memref<1x2x64xi32, #tpu.memory_space<hbm>>
      %dma_start3A_64 = tpu.memref_squeeze %dma_start3A_63 : memref<1x2x64xi32, #tpu.memory_space<hbm>> -> memref<2x64xi32, #tpu.memory_space<hbm>>
      %dma_start3A_65 = arith.constant 0 : i32
      %dma_start3A_66 = arith.constant 0 : i32
      %dma_start3A_67 = tpu.memref_slice %arg3[%add3A, %dma_start3A_65, %dma_start3A_66] : memref<32x2x64xi32, #tpu.memory_space<hbm>> -> memref<1x2x64xi32, #tpu.memory_space<hbm>>
      %dma_start3A_68 = tpu.memref_squeeze %dma_start3A_67 : memref<1x2x64xi32, #tpu.memory_space<hbm>> -> memref<2x64xi32, #tpu.memory_space<hbm>>
      tpu.enqueue_dma source(%dma_start3A_68 : memref<2x64xi32, #tpu.memory_space<hbm>>) target(%arg6 : memref<2x64xi32, #tpu.memory_space<vmem>>) target_semaphore(%run_scoped3A : memref<!tpu.dma_semaphore, #tpu.memory_space<semaphore_mem>>)
      %dma_wait3A_69 = arith.constant 0 : i32
      %dma_wait3A_70 = arith.constant 0 : i32
      %dma_wait3A_71 = tpu.memref_slice %arg3[%add3A, %dma_wait3A_69, %dma_wait3A_70] : memref<32x2x64xi32, #tpu.memory_space<hbm>> -> memref<1x2x64xi32, #tpu.memory_space<hbm>>
      %dma_wait3A_72 = tpu.memref_squeeze %dma_wait3A_71 : memref<1x2x64xi32, #tpu.memory_space<hbm>> -> memref<2x64xi32, #tpu.memory_space<hbm>>
      %dma_wait3A_73 = arith.constant 0 : i32
      %dma_wait3A_74 = arith.constant 0 : i32
      %dma_wait3A_75 = tpu.memref_slice %arg3[%add3A, %dma_wait3A_73, %dma_wait3A_74] : memref<32x2x64xi32, #tpu.memory_space<hbm>> -> memref<1x2x64xi32, #tpu.memory_space<hbm>>
      %dma_wait3A_76 = tpu.memref_squeeze %dma_wait3A_75 : memref<1x2x64xi32, #tpu.memory_space<hbm>> -> memref<2x64xi32, #tpu.memory_space<hbm>>
      tpu.wait_dma2 semaphore(%run_scoped3A : memref<!tpu.dma_semaphore, #tpu.memory_space<semaphore_mem>>) src(%dma_wait3A_76 : memref<2x64xi32, #tpu.memory_space<hbm>>) dst(%arg6 : memref<2x64xi32, #tpu.memory_space<vmem>>)
      tpu.yield
    }) : () -> ()
    "tpu.region"() ({
      %run_scoped3A = tpu.sem_alloc : memref<!tpu.dma_semaphore, #tpu.memory_space<semaphore_mem>>
      %dma_start3A_61 = arith.constant 0 : i32
      %dma_start3A_62 = arith.constant 0 : i32
      %dma_start3A_63 = tpu.memref_slice %arg4[%add3A, %dma_start3A_61, %dma_start3A_62] : memref<32x2x64xi32, #tpu.memory_space<hbm>> -> memref<1x2x64xi32, #tpu.memory_space<hbm>>
      %dma_start3A_64 = tpu.memref_squeeze %dma_start3A_63 : memref<1x2x64xi32, #tpu.memory_space<hbm>> -> memref<2x64xi32, #tpu.memory_space<hbm>>
      %dma_start3A_65 = arith.constant 0 : i32
      %dma_start3A_66 = arith.constant 0 : i32
      %dma_start3A_67 = tpu.memref_slice %arg4[%add3A, %dma_start3A_65, %dma_start3A_66] : memref<32x2x64xi32, #tpu.memory_space<hbm>> -> memref<1x2x64xi32, #tpu.memory_space<hbm>>
      %dma_start3A_68 = tpu.memref_squeeze %dma_start3A_67 : memref<1x2x64xi32, #tpu.memory_space<hbm>> -> memref<2x64xi32, #tpu.memory_space<hbm>>
      tpu.enqueue_dma source(%dma_start3A_68 : memref<2x64xi32, #tpu.memory_space<hbm>>) target(%arg7 : memref<2x64xi32, #tpu.memory_space<vmem>>) target_semaphore(%run_scoped3A : memref<!tpu.dma_semaphore, #tpu.memory_space<semaphore_mem>>)
      %dma_wait3A_69 = arith.constant 0 : i32
      %dma_wait3A_70 = arith.constant 0 : i32
      %dma_wait3A_71 = tpu.memref_slice %arg4[%add3A, %dma_wait3A_69, %dma_wait3A_70] : memref<32x2x64xi32, #tpu.memory_space<hbm>> -> memref<1x2x64xi32, #tpu.memory_space<hbm>>
      %dma_wait3A_72 = tpu.memref_squeeze %dma_wait3A_71 : memref<1x2x64xi32, #tpu.memory_space<hbm>> -> memref<2x64xi32, #tpu.memory_space<hbm>>
      %dma_wait3A_73 = arith.constant 0 : i32
      %dma_wait3A_74 = arith.constant 0 : i32
      %dma_wait3A_75 = tpu.memref_slice %arg4[%add3A, %dma_wait3A_73, %dma_wait3A_74] : memref<32x2x64xi32, #tpu.memory_space<hbm>> -> memref<1x2x64xi32, #tpu.memory_space<hbm>>
      %dma_wait3A_76 = tpu.memref_squeeze %dma_wait3A_75 : memref<1x2x64xi32, #tpu.memory_space<hbm>> -> memref<2x64xi32, #tpu.memory_space<hbm>>
      tpu.wait_dma2 semaphore(%run_scoped3A : memref<!tpu.dma_semaphore, #tpu.memory_space<semaphore_mem>>) src(%dma_wait3A_76 : memref<2x64xi32, #tpu.memory_space<hbm>>) dst(%arg7 : memref<2x64xi32, #tpu.memory_space<vmem>>)
      tpu.yield
    }) : () -> ()
    %add3A_3 = arith.constant 0 : i32
    %add3A_4 = arith.addi %mul3A_2, %add3A_3 : i32
    "tpu.region"() ({
      %run_scoped3A = tpu.sem_alloc : memref<!tpu.dma_semaphore, #tpu.memory_space<semaphore_mem>>
      %dma_start3A_61 = arith.constant 0 : i32
      %dma_start3A_62 = tpu.memref_slice %arg2[%add3A_4, %dma_start3A_61] : memref<4096x1024xf32, #tpu.memory_space<hbm>> -> memref<64x1024xf32, #tpu.memory_space<hbm>>
      %dma_start3A_63 = arith.constant 0 : i32
      %dma_start3A_64 = tpu.memref_slice %arg2[%add3A_4, %dma_start3A_63] : memref<4096x1024xf32, #tpu.memory_space<hbm>> -> memref<64x1024xf32, #tpu.memory_space<hbm>>
      tpu.enqueue_dma source(%dma_start3A_64 : memref<64x1024xf32, #tpu.memory_space<hbm>>) target(%arg8 : memref<64x1024xf32, #tpu.memory_space<vmem>>) target_semaphore(%run_scoped3A : memref<!tpu.dma_semaphore, #tpu.memory_space<semaphore_mem>>)
      %dma_wait3A_65 = arith.constant 0 : i32
      %dma_wait3A_66 = tpu.memref_slice %arg2[%add3A_4, %dma_wait3A_65] : memref<4096x1024xf32, #tpu.memory_space<hbm>> -> memref<64x1024xf32, #tpu.memory_space<hbm>>
      %dma_wait3A_67 = arith.constant 0 : i32
      %dma_wait3A_68 = tpu.memref_slice %arg2[%add3A_4, %dma_wait3A_67] : memref<4096x1024xf32, #tpu.memory_space<hbm>> -> memref<64x1024xf32, #tpu.memory_space<hbm>>
      tpu.wait_dma2 semaphore(%run_scoped3A : memref<!tpu.dma_semaphore, #tpu.memory_space<semaphore_mem>>) src(%dma_wait3A_68 : memref<64x1024xf32, #tpu.memory_space<hbm>>) dst(%arg8 : memref<64x1024xf32, #tpu.memory_space<vmem>>)
      tpu.yield
    }) : () -> ()
    %dma_start3A = arith.constant 0 : i32
    %dma_start3A_5 = arith.constant 0 : i32
    %dma_start3A_6 = tpu.memref_slice %arg6[%dma_start3A, %dma_start3A_5] : memref<2x64xi32, #tpu.memory_space<vmem>> -> memref<1x64xi32, #tpu.memory_space<vmem>>
    %dma_start3A_7 = tpu.memref_squeeze %dma_start3A_6 : memref<1x64xi32, #tpu.memory_space<vmem>> -> memref<64xi32, #tpu.memory_space<vmem>>
    %dma_start3A_8 = arith.constant 0 : i32
    %dma_start3A_9 = arith.constant 0 : i32
    %dma_start3A_10 = tpu.memref_slice %arg5[%dma_start3A_8, %dma_start3A_9] : memref<10240x1024xf32, #tpu.memory_space<hbm>> -> memref<10240x1024xf32, #tpu.memory_space<hbm>>
    tpu.enqueue_indirect_dma source(%arg8 : memref<64x1024xf32, #tpu.memory_space<vmem>>) target(%dma_start3A_10 : memref<10240x1024xf32, #tpu.memory_space<hbm>>) offsets(%dma_start3A_7 : memref<64xi32, #tpu.memory_space<vmem>>) semaphore(%arg9 : memref<!tpu.dma_semaphore, #tpu.memory_space<semaphore_mem>>)
    %dma_wait3A = arith.constant 0 : i32
    %dma_wait3A_11 = arith.constant 0 : i32
    %dma_wait3A_12 = tpu.memref_slice %arg6[%dma_wait3A, %dma_wait3A_11] : memref<2x64xi32, #tpu.memory_space<vmem>> -> memref<1x64xi32, #tpu.memory_space<vmem>>
    %dma_wait3A_13 = tpu.memref_squeeze %dma_wait3A_12 : memref<1x64xi32, #tpu.memory_space<vmem>> -> memref<64xi32, #tpu.memory_space<vmem>>
    %dma_wait3A_14 = arith.constant 0 : i32
    %dma_wait3A_15 = arith.constant 0 : i32
    %dma_wait3A_16 = tpu.memref_slice %arg5[%dma_wait3A_14, %dma_wait3A_15] : memref<10240x1024xf32, #tpu.memory_space<hbm>> -> memref<10240x1024xf32, #tpu.memory_space<hbm>>
    tpu.wait_indirect_dma semaphore(%arg9 : memref<!tpu.dma_semaphore, #tpu.memory_space<semaphore_mem>>) src(%arg8 : memref<64x1024xf32, #tpu.memory_space<vmem>>) dst(%dma_wait3A_16 : memref<10240x1024xf32, #tpu.memory_space<hbm>>)
    %dma_start3A_17 = arith.constant 0 : i32
    %dma_start3A_18 = arith.constant 0 : i32
    %dma_start3A_19 = tpu.memref_slice %arg7[%dma_start3A_17, %dma_start3A_18] : memref<2x64xi32, #tpu.memory_space<vmem>> -> memref<1x64xi32, #tpu.memory_space<vmem>>
    %dma_start3A_20 = tpu.memref_squeeze %dma_start3A_19 : memref<1x64xi32, #tpu.memory_space<vmem>> -> memref<64xi32, #tpu.memory_space<vmem>>
    %dma_start3A_21 = arith.constant 0 : i32
    %dma_start3A_22 = arith.constant 0 : i32
    %dma_start3A_23 = tpu.memref_slice %arg5[%dma_start3A_21, %dma_start3A_22] : memref<10240x1024xf32, #tpu.memory_space<hbm>> -> memref<10240x1024xf32, #tpu.memory_space<hbm>>
    tpu.enqueue_indirect_dma source(%arg8 : memref<64x1024xf32, #tpu.memory_space<vmem>>) target(%dma_start3A_23 : memref<10240x1024xf32, #tpu.memory_space<hbm>>) offsets(%dma_start3A_20 : memref<64xi32, #tpu.memory_space<vmem>>) semaphore(%arg9 : memref<!tpu.dma_semaphore, #tpu.memory_space<semaphore_mem>>)
    %dma_wait3A_24 = arith.constant 0 : i32
    %dma_wait3A_25 = arith.constant 0 : i32
    %dma_wait3A_26 = tpu.memref_slice %arg7[%dma_wait3A_24, %dma_wait3A_25] : memref<2x64xi32, #tpu.memory_space<vmem>> -> memref<1x64xi32, #tpu.memory_space<vmem>>
    %dma_wait3A_27 = tpu.memref_squeeze %dma_wait3A_26 : memref<1x64xi32, #tpu.memory_space<vmem>> -> memref<64xi32, #tpu.memory_space<vmem>>
    %dma_wait3A_28 = arith.constant 0 : i32
    %dma_wait3A_29 = arith.constant 0 : i32
    %dma_wait3A_30 = tpu.memref_slice %arg5[%dma_wait3A_28, %dma_wait3A_29] : memref<10240x1024xf32, #tpu.memory_space<hbm>> -> memref<10240x1024xf32, #tpu.memory_space<hbm>>
    tpu.wait_indirect_dma semaphore(%arg9 : memref<!tpu.dma_semaphore, #tpu.memory_space<semaphore_mem>>) src(%arg8 : memref<64x1024xf32, #tpu.memory_space<vmem>>) dst(%dma_wait3A_30 : memref<10240x1024xf32, #tpu.memory_space<hbm>>)
    %add3A_31 = arith.constant 64 : i32
    %add3A_32 = arith.addi %mul3A_2, %add3A_31 : i32
    "tpu.region"() ({
      %run_scoped3A = tpu.sem_alloc : memref<!tpu.dma_semaphore, #tpu.memory_space<semaphore_mem>>
      %dma_start3A_61 = arith.constant 0 : i32
      %dma_start3A_62 = tpu.memref_slice %arg2[%add3A_32, %dma_start3A_61] : memref<4096x1024xf32, #tpu.memory_space<hbm>> -> memref<64x1024xf32, #tpu.memory_space<hbm>>
      %dma_start3A_63 = arith.constant 0 : i32
      %dma_start3A_64 = tpu.memref_slice %arg2[%add3A_32, %dma_start3A_63] : memref<4096x1024xf32, #tpu.memory_space<hbm>> -> memref<64x1024xf32, #tpu.memory_space<hbm>>
      tpu.enqueue_dma source(%dma_start3A_64 : memref<64x1024xf32, #tpu.memory_space<hbm>>) target(%arg8 : memref<64x1024xf32, #tpu.memory_space<vmem>>) target_semaphore(%run_scoped3A : memref<!tpu.dma_semaphore, #tpu.memory_space<semaphore_mem>>)
      %dma_wait3A_65 = arith.constant 0 : i32
      %dma_wait3A_66 = tpu.memref_slice %arg2[%add3A_32, %dma_wait3A_65] : memref<4096x1024xf32, #tpu.memory_space<hbm>> -> memref<64x1024xf32, #tpu.memory_space<hbm>>
      %dma_wait3A_67 = arith.constant 0 : i32
      %dma_wait3A_68 = tpu.memref_slice %arg2[%add3A_32, %dma_wait3A_67] : memref<4096x1024xf32, #tpu.memory_space<hbm>> -> memref<64x1024xf32, #tpu.memory_space<hbm>>
      tpu.wait_dma2 semaphore(%run_scoped3A : memref<!tpu.dma_semaphore, #tpu.memory_space<semaphore_mem>>) src(%dma_wait3A_68 : memref<64x1024xf32, #tpu.memory_space<hbm>>) dst(%arg8 : memref<64x1024xf32, #tpu.memory_space<vmem>>)
      tpu.yield
    }) : () -> ()
    %dma_start3A_33 = arith.constant 1 : i32
    %dma_start3A_34 = arith.constant 0 : i32
    %dma_start3A_35 = tpu.memref_slice %arg6[%dma_start3A_33, %dma_start3A_34] : memref<2x64xi32, #tpu.memory_space<vmem>> -> memref<1x64xi32, #tpu.memory_space<vmem>>
    %dma_start3A_36 = tpu.memref_squeeze %dma_start3A_35 : memref<1x64xi32, #tpu.memory_space<vmem>> -> memref<64xi32, #tpu.memory_space<vmem>>
    %dma_start3A_37 = arith.constant 0 : i32
    %dma_start3A_38 = arith.constant 0 : i32
    %dma_start3A_39 = tpu.memref_slice %arg5[%dma_start3A_37, %dma_start3A_38] : memref<10240x1024xf32, #tpu.memory_space<hbm>> -> memref<10240x1024xf32, #tpu.memory_space<hbm>>
    tpu.enqueue_indirect_dma source(%arg8 : memref<64x1024xf32, #tpu.memory_space<vmem>>) target(%dma_start3A_39 : memref<10240x1024xf32, #tpu.memory_space<hbm>>) offsets(%dma_start3A_36 : memref<64xi32, #tpu.memory_space<vmem>>) semaphore(%arg9 : memref<!tpu.dma_semaphore, #tpu.memory_space<semaphore_mem>>)
    %dma_wait3A_40 = arith.constant 1 : i32
    %dma_wait3A_41 = arith.constant 0 : i32
    %dma_wait3A_42 = tpu.memref_slice %arg6[%dma_wait3A_40, %dma_wait3A_41] : memref<2x64xi32, #tpu.memory_space<vmem>> -> memref<1x64xi32, #tpu.memory_space<vmem>>
    %dma_wait3A_43 = tpu.memref_squeeze %dma_wait3A_42 : memref<1x64xi32, #tpu.memory_space<vmem>> -> memref<64xi32, #tpu.memory_space<vmem>>
    %dma_wait3A_44 = arith.constant 0 : i32
    %dma_wait3A_45 = arith.constant 0 : i32
    %dma_wait3A_46 = tpu.memref_slice %arg5[%dma_wait3A_44, %dma_wait3A_45] : memref<10240x1024xf32, #tpu.memory_space<hbm>> -> memref<10240x1024xf32, #tpu.memory_space<hbm>>
    tpu.wait_indirect_dma semaphore(%arg9 : memref<!tpu.dma_semaphore, #tpu.memory_space<semaphore_mem>>) src(%arg8 : memref<64x1024xf32, #tpu.memory_space<vmem>>) dst(%dma_wait3A_46 : memref<10240x1024xf32, #tpu.memory_space<hbm>>)
    %dma_start3A_47 = arith.constant 1 : i32
    %dma_start3A_48 = arith.constant 0 : i32
    %dma_start3A_49 = tpu.memref_slice %arg7[%dma_start3A_47, %dma_start3A_48] : memref<2x64xi32, #tpu.memory_space<vmem>> -> memref<1x64xi32, #tpu.memory_space<vmem>>
    %dma_start3A_50 = tpu.memref_squeeze %dma_start3A_49 : memref<1x64xi32, #tpu.memory_space<vmem>> -> memref<64xi32, #tpu.memory_space<vmem>>
    %dma_start3A_51 = arith.constant 0 : i32
    %dma_start3A_52 = arith.constant 0 : i32
    %dma_start3A_53 = tpu.memref_slice %arg5[%dma_start3A_51, %dma_start3A_52] : memref<10240x1024xf32, #tpu.memory_space<hbm>> -> memref<10240x1024xf32, #tpu.memory_space<hbm>>
    tpu.enqueue_indirect_dma source(%arg8 : memref<64x1024xf32, #tpu.memory_space<vmem>>) target(%dma_start3A_53 : memref<10240x1024xf32, #tpu.memory_space<hbm>>) offsets(%dma_start3A_50 : memref<64xi32, #tpu.memory_space<vmem>>) semaphore(%arg9 : memref<!tpu.dma_semaphore, #tpu.memory_space<semaphore_mem>>)
    %dma_wait3A_54 = arith.constant 1 : i32
    %dma_wait3A_55 = arith.constant 0 : i32
    %dma_wait3A_56 = tpu.memref_slice %arg7[%dma_wait3A_54, %dma_wait3A_55] : memref<2x64xi32, #tpu.memory_space<vmem>> -> memref<1x64xi32, #tpu.memory_space<vmem>>
    %dma_wait3A_57 = tpu.memref_squeeze %dma_wait3A_56 : memref<1x64xi32, #tpu.memory_space<vmem>> -> memref<64xi32, #tpu.memory_space<vmem>>
    %dma_wait3A_58 = arith.constant 0 : i32
    %dma_wait3A_59 = arith.constant 0 : i32
    %dma_wait3A_60 = tpu.memref_slice %arg5[%dma_wait3A_58, %dma_wait3A_59] : memref<10240x1024xf32, #tpu.memory_space<hbm>> -> memref<10240x1024xf32, #tpu.memory_space<hbm>>
    tpu.wait_indirect_dma semaphore(%arg9 : memref<!tpu.dma_semaphore, #tpu.memory_space<semaphore_mem>>) src(%arg8 : memref<64x1024xf32, #tpu.memory_space<vmem>>) dst(%dma_wait3A_60 : memref<10240x1024xf32, #tpu.memory_space<hbm>>)
    return
  }
}

module attributes {stable_mosaic.version = 14 : i64} {
  func.func @_routing_body(%arg0: memref<4096x1024xf32, #tpu.memory_space<vmem>>, %arg1: memref<1024x8xf32, #tpu.memory_space<vmem>>, %arg2: memref<1x8xf32, #tpu.memory_space<vmem>>, %arg3: memref<4096x2xi32, #tpu.memory_space<vmem>>, %arg4: memref<4096x2xf32, #tpu.memory_space<vmem>>, %arg5: memref<128x8xi32, #tpu.memory_space<vmem>>) attributes {dimension_semantics = [], scalar_prefetch = 0 : i64, scratch_operands = 0 : i64, tpu.core_type = #tpu.core_type<tc>} {
    %get3A = arith.constant 0 : index
    %get3A_0 = arith.constant 0 : index
    %get3A_1 = vector.load %arg0[%get3A, %get3A_0] : memref<4096x1024xf32, #tpu.memory_space<vmem>>, vector<4096x1024xf32>
    %get3A_2 = arith.constant 0 : index
    %get3A_3 = arith.constant 0 : index
    %get3A_4 = vector.load %arg1[%get3A_2, %get3A_3] : memref<1024x8xf32, #tpu.memory_space<vmem>>, vector<1024x8xf32>
    %dot_general3A = arith.constant dense<0.000000e+00> : vector<4096x8xf32>
    %dot_general3A_5 = tpu.matmul %get3A_1, %get3A_4, %dot_general3A {dimension_numbers = #tpu.dot_dimension_numbers<[1], [0], [0], [1], [0, 0, 1, 1], [], []>, transpose_lhs_hint = false} : vector<4096x1024xf32>, vector<1024x8xf32>, vector<4096x8xf32> -> vector<4096x8xf32>
    %get3A_6 = arith.constant 0 : index
    %get3A_7 = arith.constant 0 : index
    %get3A_8 = vector.load %arg2[%get3A_6, %get3A_7] : memref<1x8xf32, #tpu.memory_space<vmem>>, vector<1x8xf32>
    %add3A = vector.broadcast %get3A_8 : vector<1x8xf32> to vector<4096x8xf32>
    %add3A_9 = arith.addf %dot_general3A_5, %add3A : vector<4096x8xf32>
    %iota3A = tpu.iota {dimensions = array<i32: 0>} : vector<8x8xi32>
    %iota3A_10 = tpu.iota {dimensions = array<i32: 1>} : vector<8x8xi32>
    %lt3A = arith.cmpi slt, %iota3A, %iota3A_10 : vector<8x8xi32>
    %convert_element_type3A = arith.extui %lt3A : vector<8x8xi1> to vector<8x8xi32>
    %convert_element_type3A_11 = arith.sitofp %convert_element_type3A : vector<8x8xi32> to vector<8x8xf32>
    %reduce_max3A = arith.constant dense<0xFF800000> : vector<4096xf32>
    %reduce_max3A_12 = vector.multi_reduction <maximumf>, %add3A_9, %reduce_max3A [1] : vector<4096x8xf32> to vector<4096xf32>
    %broadcast_in_dim3A = vector.shape_cast %reduce_max3A_12 : vector<4096xf32> to vector<4096x1xf32>
    %eq3A = vector.broadcast %broadcast_in_dim3A : vector<4096x1xf32> to vector<4096x8xf32>
    %eq3A_13 = arith.cmpf oeq, %add3A_9, %eq3A : vector<4096x8xf32>
    %convert_element_type3A_14 = arith.extui %eq3A_13 : vector<4096x8xi1> to vector<4096x8xi32>
    %convert_element_type3A_15 = arith.sitofp %convert_element_type3A_14 : vector<4096x8xi32> to vector<4096x8xf32>
    %dot_general3A_16 = arith.constant dense<0.000000e+00> : vector<4096x8xf32>
    %dot_general3A_17 = tpu.matmul %convert_element_type3A_15, %convert_element_type3A_11, %dot_general3A_16 {dimension_numbers = #tpu.dot_dimension_numbers<[1], [0], [0], [1], [0, 0, 1, 1], [], []>, transpose_lhs_hint = false} : vector<4096x8xf32>, vector<8x8xf32>, vector<4096x8xf32> -> vector<4096x8xf32>
    %eq3A_18 = arith.constant 0.000000e+00 : f32
    %eq3A_19 = vector.broadcast %eq3A_18 : f32 to vector<4096x8xf32>
    %eq3A_20 = arith.cmpf oeq, %dot_general3A_17, %eq3A_19 : vector<4096x8xf32>
    %convert_element_type3A_21 = arith.extui %eq3A_20 : vector<4096x8xi1> to vector<4096x8xi32>
    %convert_element_type3A_22 = arith.sitofp %convert_element_type3A_21 : vector<4096x8xi32> to vector<4096x8xf32>
    %mul3A = arith.mulf %convert_element_type3A_15, %convert_element_type3A_22 : vector<4096x8xf32>
    %mul3A_23 = arith.constant 1.000000e+30 : f32
    %mul3A_24 = vector.broadcast %mul3A_23 : f32 to vector<4096x8xf32>
    %mul3A_25 = arith.mulf %mul3A, %mul3A_24 : vector<4096x8xf32>
    %sub3A = arith.subf %add3A_9, %mul3A_25 : vector<4096x8xf32>
    %reduce_max3A_26 = arith.constant dense<0xFF800000> : vector<4096xf32>
    %reduce_max3A_27 = vector.multi_reduction <maximumf>, %sub3A, %reduce_max3A_26 [1] : vector<4096x8xf32> to vector<4096xf32>
    %broadcast_in_dim3A_28 = vector.shape_cast %reduce_max3A_27 : vector<4096xf32> to vector<4096x1xf32>
    %eq3A_29 = vector.broadcast %broadcast_in_dim3A_28 : vector<4096x1xf32> to vector<4096x8xf32>
    %eq3A_30 = arith.cmpf oeq, %sub3A, %eq3A_29 : vector<4096x8xf32>
    %convert_element_type3A_31 = arith.extui %eq3A_30 : vector<4096x8xi1> to vector<4096x8xi32>
    %convert_element_type3A_32 = arith.sitofp %convert_element_type3A_31 : vector<4096x8xi32> to vector<4096x8xf32>
    %dot_general3A_33 = arith.constant dense<0.000000e+00> : vector<4096x8xf32>
    %dot_general3A_34 = tpu.matmul %convert_element_type3A_32, %convert_element_type3A_11, %dot_general3A_33 {dimension_numbers = #tpu.dot_dimension_numbers<[1], [0], [0], [1], [0, 0, 1, 1], [], []>, transpose_lhs_hint = false} : vector<4096x8xf32>, vector<8x8xf32>, vector<4096x8xf32> -> vector<4096x8xf32>
    %eq3A_35 = arith.constant 0.000000e+00 : f32
    %eq3A_36 = vector.broadcast %eq3A_35 : f32 to vector<4096x8xf32>
    %eq3A_37 = arith.cmpf oeq, %dot_general3A_34, %eq3A_36 : vector<4096x8xf32>
    %convert_element_type3A_38 = arith.extui %eq3A_37 : vector<4096x8xi1> to vector<4096x8xi32>
    %convert_element_type3A_39 = arith.sitofp %convert_element_type3A_38 : vector<4096x8xi32> to vector<4096x8xf32>
    %mul3A_40 = arith.mulf %convert_element_type3A_32, %convert_element_type3A_39 : vector<4096x8xf32>
    %sub3A_41 = arith.subf %broadcast_in_dim3A_28, %broadcast_in_dim3A : vector<4096x1xf32>
    %exp3A = math.exp %sub3A_41 : vector<4096x1xf32>
    %add3A_42 = arith.constant 1.000000e+00 : f32
    %add3A_43 = vector.broadcast %add3A_42 : f32 to vector<4096x1xf32>
    %add3A_44 = arith.addf %add3A_43, %exp3A : vector<4096x1xf32>
    %div3A = arith.constant 1.000000e+00 : f32
    %div3A_45 = vector.broadcast %div3A : f32 to vector<4096x1xf32>
    %div3A_46 = arith.divf %div3A_45, %add3A_44 : vector<4096x1xf32>
    %sub3A_47 = arith.constant 1.000000e+00 : f32
    %sub3A_48 = vector.broadcast %sub3A_47 : f32 to vector<4096x1xf32>
    %sub3A_49 = arith.subf %sub3A_48, %div3A_46 : vector<4096x1xf32>
    %concatenate3A = tpu.concatenate %mul3A, %mul3A_40 in 1 : vector<4096x8xf32>, vector<4096x8xf32> -> vector<4096x16xf32>
    %iota3A_50 = tpu.iota {dimensions = array<i32: 0>} : vector<256x256xi32>
    %iota3A_51 = tpu.iota {dimensions = array<i32: 1>} : vector<256x256xi32>
    %gt3A = arith.cmpi sgt, %iota3A_50, %iota3A_51 : vector<256x256xi32>
    %convert_element_type3A_52 = arith.extui %gt3A : vector<256x256xi1> to vector<256x256xi32>
    %convert_element_type3A_53 = arith.sitofp %convert_element_type3A_52 : vector<256x256xi32> to vector<256x256xf32>
    %broadcast_in_dim3A_54 = arith.constant 0.000000e+00 : f32
    %broadcast_in_dim3A_55 = vector.broadcast %broadcast_in_dim3A_54 : f32 to vector<1x16xf32>
    %slice3A = vector.extract_strided_slice %concatenate3A {offsets = [0, 0], sizes = [256, 16], strides = [1, 1]} : vector<4096x16xf32> to vector<256x16xf32>
    %dot_general3A_56 = arith.constant dense<0.000000e+00> : vector<256x16xf32>
    %dot_general3A_57 = tpu.matmul %convert_element_type3A_53, %slice3A, %dot_general3A_56 {dimension_numbers = #tpu.dot_dimension_numbers<[1], [0], [0], [1], [0, 0, 1, 1], [], []>, transpose_lhs_hint = false} : vector<256x256xf32>, vector<256x16xf32>, vector<256x16xf32> -> vector<256x16xf32>
    %add3A_58 = vector.broadcast %broadcast_in_dim3A_55 : vector<1x16xf32> to vector<256x16xf32>
    %add3A_59 = arith.addf %dot_general3A_57, %add3A_58 : vector<256x16xf32>
    %reduce_sum3A = arith.constant dense<0.000000e+00> : vector<16xf32>
    %reduce_sum3A_60 = vector.multi_reduction <add>, %slice3A, %reduce_sum3A [0] : vector<256x16xf32> to vector<16xf32>
    %broadcast_in_dim3A_61 = vector.shape_cast %reduce_sum3A_60 : vector<16xf32> to vector<1x16xf32>
    %add3A_62 = arith.addf %broadcast_in_dim3A_55, %broadcast_in_dim3A_61 : vector<1x16xf32>
    %slice3A_63 = vector.extract_strided_slice %concatenate3A {offsets = [256, 0], sizes = [256, 16], strides = [1, 1]} : vector<4096x16xf32> to vector<256x16xf32>
    %dot_general3A_64 = arith.constant dense<0.000000e+00> : vector<256x16xf32>
    %dot_general3A_65 = tpu.matmul %convert_element_type3A_53, %slice3A_63, %dot_general3A_64 {dimension_numbers = #tpu.dot_dimension_numbers<[1], [0], [0], [1], [0, 0, 1, 1], [], []>, transpose_lhs_hint = false} : vector<256x256xf32>, vector<256x16xf32>, vector<256x16xf32> -> vector<256x16xf32>
    %add3A_66 = vector.broadcast %add3A_62 : vector<1x16xf32> to vector<256x16xf32>
    %add3A_67 = arith.addf %dot_general3A_65, %add3A_66 : vector<256x16xf32>
    %reduce_sum3A_68 = arith.constant dense<0.000000e+00> : vector<16xf32>
    %reduce_sum3A_69 = vector.multi_reduction <add>, %slice3A_63, %reduce_sum3A_68 [0] : vector<256x16xf32> to vector<16xf32>
    %broadcast_in_dim3A_70 = vector.shape_cast %reduce_sum3A_69 : vector<16xf32> to vector<1x16xf32>
    %add3A_71 = arith.addf %add3A_62, %broadcast_in_dim3A_70 : vector<1x16xf32>
    %slice3A_72 = vector.extract_strided_slice %concatenate3A {offsets = [512, 0], sizes = [256, 16], strides = [1, 1]} : vector<4096x16xf32> to vector<256x16xf32>
    %dot_general3A_73 = arith.constant dense<0.000000e+00> : vector<256x16xf32>
    %dot_general3A_74 = tpu.matmul %convert_element_type3A_53, %slice3A_72, %dot_general3A_73 {dimension_numbers = #tpu.dot_dimension_numbers<[1], [0], [0], [1], [0, 0, 1, 1], [], []>, transpose_lhs_hint = false} : vector<256x256xf32>, vector<256x16xf32>, vector<256x16xf32> -> vector<256x16xf32>
    %add3A_75 = vector.broadcast %add3A_71 : vector<1x16xf32> to vector<256x16xf32>
    %add3A_76 = arith.addf %dot_general3A_74, %add3A_75 : vector<256x16xf32>
    %reduce_sum3A_77 = arith.constant dense<0.000000e+00> : vector<16xf32>
    %reduce_sum3A_78 = vector.multi_reduction <add>, %slice3A_72, %reduce_sum3A_77 [0] : vector<256x16xf32> to vector<16xf32>
    %broadcast_in_dim3A_79 = vector.shape_cast %reduce_sum3A_78 : vector<16xf32> to vector<1x16xf32>
    %add3A_80 = arith.addf %add3A_71, %broadcast_in_dim3A_79 : vector<1x16xf32>
    %slice3A_81 = vector.extract_strided_slice %concatenate3A {offsets = [768, 0], sizes = [256, 16], strides = [1, 1]} : vector<4096x16xf32> to vector<256x16xf32>
    %dot_general3A_82 = arith.constant dense<0.000000e+00> : vector<256x16xf32>
    %dot_general3A_83 = tpu.matmul %convert_element_type3A_53, %slice3A_81, %dot_general3A_82 {dimension_numbers = #tpu.dot_dimension_numbers<[1], [0], [0], [1], [0, 0, 1, 1], [], []>, transpose_lhs_hint = false} : vector<256x256xf32>, vector<256x16xf32>, vector<256x16xf32> -> vector<256x16xf32>
    %add3A_84 = vector.broadcast %add3A_80 : vector<1x16xf32> to vector<256x16xf32>
    %add3A_85 = arith.addf %dot_general3A_83, %add3A_84 : vector<256x16xf32>
    %reduce_sum3A_86 = arith.constant dense<0.000000e+00> : vector<16xf32>
    %reduce_sum3A_87 = vector.multi_reduction <add>, %slice3A_81, %reduce_sum3A_86 [0] : vector<256x16xf32> to vector<16xf32>
    %broadcast_in_dim3A_88 = vector.shape_cast %reduce_sum3A_87 : vector<16xf32> to vector<1x16xf32>
    %add3A_89 = arith.addf %add3A_80, %broadcast_in_dim3A_88 : vector<1x16xf32>
    %slice3A_90 = vector.extract_strided_slice %concatenate3A {offsets = [1024, 0], sizes = [256, 16], strides = [1, 1]} : vector<4096x16xf32> to vector<256x16xf32>
    %dot_general3A_91 = arith.constant dense<0.000000e+00> : vector<256x16xf32>
    %dot_general3A_92 = tpu.matmul %convert_element_type3A_53, %slice3A_90, %dot_general3A_91 {dimension_numbers = #tpu.dot_dimension_numbers<[1], [0], [0], [1], [0, 0, 1, 1], [], []>, transpose_lhs_hint = false} : vector<256x256xf32>, vector<256x16xf32>, vector<256x16xf32> -> vector<256x16xf32>
    %add3A_93 = vector.broadcast %add3A_89 : vector<1x16xf32> to vector<256x16xf32>
    %add3A_94 = arith.addf %dot_general3A_92, %add3A_93 : vector<256x16xf32>
    %reduce_sum3A_95 = arith.constant dense<0.000000e+00> : vector<16xf32>
    %reduce_sum3A_96 = vector.multi_reduction <add>, %slice3A_90, %reduce_sum3A_95 [0] : vector<256x16xf32> to vector<16xf32>
    %broadcast_in_dim3A_97 = vector.shape_cast %reduce_sum3A_96 : vector<16xf32> to vector<1x16xf32>
    %add3A_98 = arith.addf %add3A_89, %broadcast_in_dim3A_97 : vector<1x16xf32>
    %slice3A_99 = vector.extract_strided_slice %concatenate3A {offsets = [1280, 0], sizes = [256, 16], strides = [1, 1]} : vector<4096x16xf32> to vector<256x16xf32>
    %dot_general3A_100 = arith.constant dense<0.000000e+00> : vector<256x16xf32>
    %dot_general3A_101 = tpu.matmul %convert_element_type3A_53, %slice3A_99, %dot_general3A_100 {dimension_numbers = #tpu.dot_dimension_numbers<[1], [0], [0], [1], [0, 0, 1, 1], [], []>, transpose_lhs_hint = false} : vector<256x256xf32>, vector<256x16xf32>, vector<256x16xf32> -> vector<256x16xf32>
    %add3A_102 = vector.broadcast %add3A_98 : vector<1x16xf32> to vector<256x16xf32>
    %add3A_103 = arith.addf %dot_general3A_101, %add3A_102 : vector<256x16xf32>
    %reduce_sum3A_104 = arith.constant dense<0.000000e+00> : vector<16xf32>
    %reduce_sum3A_105 = vector.multi_reduction <add>, %slice3A_99, %reduce_sum3A_104 [0] : vector<256x16xf32> to vector<16xf32>
    %broadcast_in_dim3A_106 = vector.shape_cast %reduce_sum3A_105 : vector<16xf32> to vector<1x16xf32>
    %add3A_107 = arith.addf %add3A_98, %broadcast_in_dim3A_106 : vector<1x16xf32>
    %slice3A_108 = vector.extract_strided_slice %concatenate3A {offsets = [1536, 0], sizes = [256, 16], strides = [1, 1]} : vector<4096x16xf32> to vector<256x16xf32>
    %dot_general3A_109 = arith.constant dense<0.000000e+00> : vector<256x16xf32>
    %dot_general3A_110 = tpu.matmul %convert_element_type3A_53, %slice3A_108, %dot_general3A_109 {dimension_numbers = #tpu.dot_dimension_numbers<[1], [0], [0], [1], [0, 0, 1, 1], [], []>, transpose_lhs_hint = false} : vector<256x256xf32>, vector<256x16xf32>, vector<256x16xf32> -> vector<256x16xf32>
    %add3A_111 = vector.broadcast %add3A_107 : vector<1x16xf32> to vector<256x16xf32>
    %add3A_112 = arith.addf %dot_general3A_110, %add3A_111 : vector<256x16xf32>
    %reduce_sum3A_113 = arith.constant dense<0.000000e+00> : vector<16xf32>
    %reduce_sum3A_114 = vector.multi_reduction <add>, %slice3A_108, %reduce_sum3A_113 [0] : vector<256x16xf32> to vector<16xf32>
    %broadcast_in_dim3A_115 = vector.shape_cast %reduce_sum3A_114 : vector<16xf32> to vector<1x16xf32>
    %add3A_116 = arith.addf %add3A_107, %broadcast_in_dim3A_115 : vector<1x16xf32>
    %slice3A_117 = vector.extract_strided_slice %concatenate3A {offsets = [1792, 0], sizes = [256, 16], strides = [1, 1]} : vector<4096x16xf32> to vector<256x16xf32>
    %dot_general3A_118 = arith.constant dense<0.000000e+00> : vector<256x16xf32>
    %dot_general3A_119 = tpu.matmul %convert_element_type3A_53, %slice3A_117, %dot_general3A_118 {dimension_numbers = #tpu.dot_dimension_numbers<[1], [0], [0], [1], [0, 0, 1, 1], [], []>, transpose_lhs_hint = false} : vector<256x256xf32>, vector<256x16xf32>, vector<256x16xf32> -> vector<256x16xf32>
    %add3A_120 = vector.broadcast %add3A_116 : vector<1x16xf32> to vector<256x16xf32>
    %add3A_121 = arith.addf %dot_general3A_119, %add3A_120 : vector<256x16xf32>
    %reduce_sum3A_122 = arith.constant dense<0.000000e+00> : vector<16xf32>
    %reduce_sum3A_123 = vector.multi_reduction <add>, %slice3A_117, %reduce_sum3A_122 [0] : vector<256x16xf32> to vector<16xf32>
    %broadcast_in_dim3A_124 = vector.shape_cast %reduce_sum3A_123 : vector<16xf32> to vector<1x16xf32>
    %add3A_125 = arith.addf %add3A_116, %broadcast_in_dim3A_124 : vector<1x16xf32>
    %slice3A_126 = vector.extract_strided_slice %concatenate3A {offsets = [2048, 0], sizes = [256, 16], strides = [1, 1]} : vector<4096x16xf32> to vector<256x16xf32>
    %dot_general3A_127 = arith.constant dense<0.000000e+00> : vector<256x16xf32>
    %dot_general3A_128 = tpu.matmul %convert_element_type3A_53, %slice3A_126, %dot_general3A_127 {dimension_numbers = #tpu.dot_dimension_numbers<[1], [0], [0], [1], [0, 0, 1, 1], [], []>, transpose_lhs_hint = false} : vector<256x256xf32>, vector<256x16xf32>, vector<256x16xf32> -> vector<256x16xf32>
    %add3A_129 = vector.broadcast %add3A_125 : vector<1x16xf32> to vector<256x16xf32>
    %add3A_130 = arith.addf %dot_general3A_128, %add3A_129 : vector<256x16xf32>
    %reduce_sum3A_131 = arith.constant dense<0.000000e+00> : vector<16xf32>
    %reduce_sum3A_132 = vector.multi_reduction <add>, %slice3A_126, %reduce_sum3A_131 [0] : vector<256x16xf32> to vector<16xf32>
    %broadcast_in_dim3A_133 = vector.shape_cast %reduce_sum3A_132 : vector<16xf32> to vector<1x16xf32>
    %add3A_134 = arith.addf %add3A_125, %broadcast_in_dim3A_133 : vector<1x16xf32>
    %slice3A_135 = vector.extract_strided_slice %concatenate3A {offsets = [2304, 0], sizes = [256, 16], strides = [1, 1]} : vector<4096x16xf32> to vector<256x16xf32>
    %dot_general3A_136 = arith.constant dense<0.000000e+00> : vector<256x16xf32>
    %dot_general3A_137 = tpu.matmul %convert_element_type3A_53, %slice3A_135, %dot_general3A_136 {dimension_numbers = #tpu.dot_dimension_numbers<[1], [0], [0], [1], [0, 0, 1, 1], [], []>, transpose_lhs_hint = false} : vector<256x256xf32>, vector<256x16xf32>, vector<256x16xf32> -> vector<256x16xf32>
    %add3A_138 = vector.broadcast %add3A_134 : vector<1x16xf32> to vector<256x16xf32>
    %add3A_139 = arith.addf %dot_general3A_137, %add3A_138 : vector<256x16xf32>
    %reduce_sum3A_140 = arith.constant dense<0.000000e+00> : vector<16xf32>
    %reduce_sum3A_141 = vector.multi_reduction <add>, %slice3A_135, %reduce_sum3A_140 [0] : vector<256x16xf32> to vector<16xf32>
    %broadcast_in_dim3A_142 = vector.shape_cast %reduce_sum3A_141 : vector<16xf32> to vector<1x16xf32>
    %add3A_143 = arith.addf %add3A_134, %broadcast_in_dim3A_142 : vector<1x16xf32>
    %slice3A_144 = vector.extract_strided_slice %concatenate3A {offsets = [2560, 0], sizes = [256, 16], strides = [1, 1]} : vector<4096x16xf32> to vector<256x16xf32>
    %dot_general3A_145 = arith.constant dense<0.000000e+00> : vector<256x16xf32>
    %dot_general3A_146 = tpu.matmul %convert_element_type3A_53, %slice3A_144, %dot_general3A_145 {dimension_numbers = #tpu.dot_dimension_numbers<[1], [0], [0], [1], [0, 0, 1, 1], [], []>, transpose_lhs_hint = false} : vector<256x256xf32>, vector<256x16xf32>, vector<256x16xf32> -> vector<256x16xf32>
    %add3A_147 = vector.broadcast %add3A_143 : vector<1x16xf32> to vector<256x16xf32>
    %add3A_148 = arith.addf %dot_general3A_146, %add3A_147 : vector<256x16xf32>
    %reduce_sum3A_149 = arith.constant dense<0.000000e+00> : vector<16xf32>
    %reduce_sum3A_150 = vector.multi_reduction <add>, %slice3A_144, %reduce_sum3A_149 [0] : vector<256x16xf32> to vector<16xf32>
    %broadcast_in_dim3A_151 = vector.shape_cast %reduce_sum3A_150 : vector<16xf32> to vector<1x16xf32>
    %add3A_152 = arith.addf %add3A_143, %broadcast_in_dim3A_151 : vector<1x16xf32>
    %slice3A_153 = vector.extract_strided_slice %concatenate3A {offsets = [2816, 0], sizes = [256, 16], strides = [1, 1]} : vector<4096x16xf32> to vector<256x16xf32>
    %dot_general3A_154 = arith.constant dense<0.000000e+00> : vector<256x16xf32>
    %dot_general3A_155 = tpu.matmul %convert_element_type3A_53, %slice3A_153, %dot_general3A_154 {dimension_numbers = #tpu.dot_dimension_numbers<[1], [0], [0], [1], [0, 0, 1, 1], [], []>, transpose_lhs_hint = false} : vector<256x256xf32>, vector<256x16xf32>, vector<256x16xf32> -> vector<256x16xf32>
    %add3A_156 = vector.broadcast %add3A_152 : vector<1x16xf32> to vector<256x16xf32>
    %add3A_157 = arith.addf %dot_general3A_155, %add3A_156 : vector<256x16xf32>
    %reduce_sum3A_158 = arith.constant dense<0.000000e+00> : vector<16xf32>
    %reduce_sum3A_159 = vector.multi_reduction <add>, %slice3A_153, %reduce_sum3A_158 [0] : vector<256x16xf32> to vector<16xf32>
    %broadcast_in_dim3A_160 = vector.shape_cast %reduce_sum3A_159 : vector<16xf32> to vector<1x16xf32>
    %add3A_161 = arith.addf %add3A_152, %broadcast_in_dim3A_160 : vector<1x16xf32>
    %slice3A_162 = vector.extract_strided_slice %concatenate3A {offsets = [3072, 0], sizes = [256, 16], strides = [1, 1]} : vector<4096x16xf32> to vector<256x16xf32>
    %dot_general3A_163 = arith.constant dense<0.000000e+00> : vector<256x16xf32>
    %dot_general3A_164 = tpu.matmul %convert_element_type3A_53, %slice3A_162, %dot_general3A_163 {dimension_numbers = #tpu.dot_dimension_numbers<[1], [0], [0], [1], [0, 0, 1, 1], [], []>, transpose_lhs_hint = false} : vector<256x256xf32>, vector<256x16xf32>, vector<256x16xf32> -> vector<256x16xf32>
    %add3A_165 = vector.broadcast %add3A_161 : vector<1x16xf32> to vector<256x16xf32>
    %add3A_166 = arith.addf %dot_general3A_164, %add3A_165 : vector<256x16xf32>
    %reduce_sum3A_167 = arith.constant dense<0.000000e+00> : vector<16xf32>
    %reduce_sum3A_168 = vector.multi_reduction <add>, %slice3A_162, %reduce_sum3A_167 [0] : vector<256x16xf32> to vector<16xf32>
    %broadcast_in_dim3A_169 = vector.shape_cast %reduce_sum3A_168 : vector<16xf32> to vector<1x16xf32>
    %add3A_170 = arith.addf %add3A_161, %broadcast_in_dim3A_169 : vector<1x16xf32>
    %slice3A_171 = vector.extract_strided_slice %concatenate3A {offsets = [3328, 0], sizes = [256, 16], strides = [1, 1]} : vector<4096x16xf32> to vector<256x16xf32>
    %dot_general3A_172 = arith.constant dense<0.000000e+00> : vector<256x16xf32>
    %dot_general3A_173 = tpu.matmul %convert_element_type3A_53, %slice3A_171, %dot_general3A_172 {dimension_numbers = #tpu.dot_dimension_numbers<[1], [0], [0], [1], [0, 0, 1, 1], [], []>, transpose_lhs_hint = false} : vector<256x256xf32>, vector<256x16xf32>, vector<256x16xf32> -> vector<256x16xf32>
    %add3A_174 = vector.broadcast %add3A_170 : vector<1x16xf32> to vector<256x16xf32>
    %add3A_175 = arith.addf %dot_general3A_173, %add3A_174 : vector<256x16xf32>
    %reduce_sum3A_176 = arith.constant dense<0.000000e+00> : vector<16xf32>
    %reduce_sum3A_177 = vector.multi_reduction <add>, %slice3A_171, %reduce_sum3A_176 [0] : vector<256x16xf32> to vector<16xf32>
    %broadcast_in_dim3A_178 = vector.shape_cast %reduce_sum3A_177 : vector<16xf32> to vector<1x16xf32>
    %add3A_179 = arith.addf %add3A_170, %broadcast_in_dim3A_178 : vector<1x16xf32>
    %slice3A_180 = vector.extract_strided_slice %concatenate3A {offsets = [3584, 0], sizes = [256, 16], strides = [1, 1]} : vector<4096x16xf32> to vector<256x16xf32>
    %dot_general3A_181 = arith.constant dense<0.000000e+00> : vector<256x16xf32>
    %dot_general3A_182 = tpu.matmul %convert_element_type3A_53, %slice3A_180, %dot_general3A_181 {dimension_numbers = #tpu.dot_dimension_numbers<[1], [0], [0], [1], [0, 0, 1, 1], [], []>, transpose_lhs_hint = false} : vector<256x256xf32>, vector<256x16xf32>, vector<256x16xf32> -> vector<256x16xf32>
    %add3A_183 = vector.broadcast %add3A_179 : vector<1x16xf32> to vector<256x16xf32>
    %add3A_184 = arith.addf %dot_general3A_182, %add3A_183 : vector<256x16xf32>
    %reduce_sum3A_185 = arith.constant dense<0.000000e+00> : vector<16xf32>
    %reduce_sum3A_186 = vector.multi_reduction <add>, %slice3A_180, %reduce_sum3A_185 [0] : vector<256x16xf32> to vector<16xf32>
    %broadcast_in_dim3A_187 = vector.shape_cast %reduce_sum3A_186 : vector<16xf32> to vector<1x16xf32>
    %add3A_188 = arith.addf %add3A_179, %broadcast_in_dim3A_187 : vector<1x16xf32>
    %slice3A_189 = vector.extract_strided_slice %concatenate3A {offsets = [3840, 0], sizes = [256, 16], strides = [1, 1]} : vector<4096x16xf32> to vector<256x16xf32>
    %dot_general3A_190 = arith.constant dense<0.000000e+00> : vector<256x16xf32>
    %dot_general3A_191 = tpu.matmul %convert_element_type3A_53, %slice3A_189, %dot_general3A_190 {dimension_numbers = #tpu.dot_dimension_numbers<[1], [0], [0], [1], [0, 0, 1, 1], [], []>, transpose_lhs_hint = false} : vector<256x256xf32>, vector<256x16xf32>, vector<256x16xf32> -> vector<256x16xf32>
    %add3A_192 = vector.broadcast %add3A_188 : vector<1x16xf32> to vector<256x16xf32>
    %add3A_193 = arith.addf %dot_general3A_191, %add3A_192 : vector<256x16xf32>
    %reduce_sum3A_194 = arith.constant dense<0.000000e+00> : vector<16xf32>
    %reduce_sum3A_195 = vector.multi_reduction <add>, %slice3A_189, %reduce_sum3A_194 [0] : vector<256x16xf32> to vector<16xf32>
    %broadcast_in_dim3A_196 = vector.shape_cast %reduce_sum3A_195 : vector<16xf32> to vector<1x16xf32>
    %add3A_197 = arith.addf %add3A_188, %broadcast_in_dim3A_196 : vector<1x16xf32>
    %concatenate3A_198 = tpu.concatenate %add3A_59, %add3A_67, %add3A_76, %add3A_85, %add3A_94, %add3A_103, %add3A_112, %add3A_121, %add3A_130, %add3A_139, %add3A_148, %add3A_157, %add3A_166, %add3A_175, %add3A_184, %add3A_193 in 0 : vector<256x16xf32>, vector<256x16xf32>, vector<256x16xf32>, vector<256x16xf32>, vector<256x16xf32>, vector<256x16xf32>, vector<256x16xf32>, vector<256x16xf32>, vector<256x16xf32>, vector<256x16xf32>, vector<256x16xf32>, vector<256x16xf32>, vector<256x16xf32>, vector<256x16xf32>, vector<256x16xf32>, vector<256x16xf32> -> vector<4096x16xf32>
    %slice3A_199 = vector.extract_strided_slice %add3A_197 {offsets = [0, 0], sizes = [1, 8], strides = [1, 1]} : vector<1x16xf32> to vector<1x8xf32>
    %slice3A_200 = vector.extract_strided_slice %add3A_197 {offsets = [0, 8], sizes = [1, 8], strides = [1, 1]} : vector<1x16xf32> to vector<1x8xf32>
    %add3A_201 = arith.addf %slice3A_199, %slice3A_200 : vector<1x8xf32>
    %div3A_202 = arith.constant 2.560000e+02 : f32
    %div3A_203 = vector.broadcast %div3A_202 : f32 to vector<1x8xf32>
    %div3A_204 = arith.divf %add3A_201, %div3A_203 : vector<1x8xf32>
    %ceil3A = math.ceil %div3A_204 : vector<1x8xf32>
    %mul3A_205 = arith.constant 2.560000e+02 : f32
    %mul3A_206 = vector.broadcast %mul3A_205 : f32 to vector<1x8xf32>
    %mul3A_207 = arith.mulf %ceil3A, %mul3A_206 : vector<1x8xf32>
    %dot_general3A_208 = arith.constant dense<0.000000e+00> : vector<1x8xf32>
    %dot_general3A_209 = tpu.matmul %mul3A_207, %convert_element_type3A_11, %dot_general3A_208 {dimension_numbers = #tpu.dot_dimension_numbers<[1], [0], [0], [1], [0, 0, 1, 1], [], []>, transpose_lhs_hint = false} : vector<1x8xf32>, vector<8x8xf32>, vector<1x8xf32> -> vector<1x8xf32>
    %add3A_210 = arith.addf %dot_general3A_209, %mul3A_207 : vector<1x8xf32>
    %slice3A_211 = vector.extract_strided_slice %concatenate3A_198 {offsets = [0, 0], sizes = [4096, 8], strides = [1, 1]} : vector<4096x16xf32> to vector<4096x8xf32>
    %add3A_212 = vector.broadcast %dot_general3A_209 : vector<1x8xf32> to vector<4096x8xf32>
    %add3A_213 = arith.addf %add3A_212, %slice3A_211 : vector<4096x8xf32>
    %mul3A_214 = arith.mulf %mul3A, %add3A_213 : vector<4096x8xf32>
    %reduce_sum3A_215 = arith.constant dense<0.000000e+00> : vector<4096xf32>
    %reduce_sum3A_216 = vector.multi_reduction <add>, %mul3A_214, %reduce_sum3A_215 [1] : vector<4096x8xf32> to vector<4096xf32>
    %broadcast_in_dim3A_217 = vector.shape_cast %reduce_sum3A_216 : vector<4096xf32> to vector<4096x1xf32>
    %add3A_218 = arith.addf %dot_general3A_209, %slice3A_199 : vector<1x8xf32>
    %slice3A_219 = vector.extract_strided_slice %concatenate3A_198 {offsets = [0, 8], sizes = [4096, 8], strides = [1, 1]} : vector<4096x16xf32> to vector<4096x8xf32>
    %add3A_220 = vector.broadcast %add3A_218 : vector<1x8xf32> to vector<4096x8xf32>
    %add3A_221 = arith.addf %add3A_220, %slice3A_219 : vector<4096x8xf32>
    %mul3A_222 = arith.mulf %mul3A_40, %add3A_221 : vector<4096x8xf32>
    %reduce_sum3A_223 = arith.constant dense<0.000000e+00> : vector<4096xf32>
    %reduce_sum3A_224 = vector.multi_reduction <add>, %mul3A_222, %reduce_sum3A_223 [1] : vector<4096x8xf32> to vector<4096xf32>
    %broadcast_in_dim3A_225 = vector.shape_cast %reduce_sum3A_224 : vector<4096xf32> to vector<4096x1xf32>
    %concatenate3A_226 = tpu.concatenate %broadcast_in_dim3A_217, %broadcast_in_dim3A_225 in 1 : vector<4096x1xf32>, vector<4096x1xf32> -> vector<4096x2xf32>
    %convert_element_type3A_227 = arith.fptosi %concatenate3A_226 : vector<4096x2xf32> to vector<4096x2xi32>
    %swap3A = arith.constant 0 : index
    %swap3A_228 = arith.constant 0 : index
    %swap3A_229 = vector.load %arg3[%swap3A, %swap3A_228] : memref<4096x2xi32, #tpu.memory_space<vmem>>, vector<4096x2xi32>
    tpu.vector_store %arg3[%swap3A, %swap3A_228], %convert_element_type3A_227 {strides = array<i32>} : memref<4096x2xi32, #tpu.memory_space<vmem>>, vector<4096x2xi32>,
    %concatenate3A_230 = tpu.concatenate %div3A_46, %sub3A_49 in 1 : vector<4096x1xf32>, vector<4096x1xf32> -> vector<4096x2xf32>
    %swap3A_231 = arith.constant 0 : index
    %swap3A_232 = arith.constant 0 : index
    %swap3A_233 = vector.load %arg4[%swap3A_231, %swap3A_232] : memref<4096x2xf32, #tpu.memory_space<vmem>>, vector<4096x2xf32>
    tpu.vector_store %arg4[%swap3A_231, %swap3A_232], %concatenate3A_230 {strides = array<i32>} : memref<4096x2xf32, #tpu.memory_space<vmem>>, vector<4096x2xf32>,
    %iota3A_234 = tpu.iota {dimensions = array<i32: 0>} : vector<128x1xi32>
    %convert_element_type3A_235 = arith.sitofp %iota3A_234 : vector<128x1xi32> to vector<128x1xf32>
    %mul3A_236 = arith.constant 2.560000e+02 : f32
    %mul3A_237 = vector.broadcast %mul3A_236 : f32 to vector<128x1xf32>
    %mul3A_238 = arith.mulf %convert_element_type3A_235, %mul3A_237 : vector<128x1xf32>
    %ge3A = vector.broadcast %mul3A_238 : vector<128x1xf32> to vector<128x8xf32>
    %ge3A_239 = vector.broadcast %add3A_210 : vector<1x8xf32> to vector<128x8xf32>
    %ge3A_240 = arith.cmpf oge, %ge3A, %ge3A_239 : vector<128x8xf32>
    %convert_element_type3A_241 = arith.extui %ge3A_240 : vector<128x8xi1> to vector<128x8xi32>
    %convert_element_type3A_242 = arith.sitofp %convert_element_type3A_241 : vector<128x8xi32> to vector<128x8xf32>
    %reduce_sum3A_243 = arith.constant dense<0.000000e+00> : vector<128xf32>
    %reduce_sum3A_244 = vector.multi_reduction <add>, %convert_element_type3A_242, %reduce_sum3A_243 [1] : vector<128x8xf32> to vector<128xf32>
    %broadcast_in_dim3A_245 = vector.shape_cast %reduce_sum3A_244 : vector<128xf32> to vector<128x1xf32>
    %min3A = arith.constant 7.000000e+00 : f32
    %min3A_246 = vector.broadcast %min3A : f32 to vector<128x1xf32>
    %min3A_247 = arith.minimumf %broadcast_in_dim3A_245, %min3A_246 : vector<128x1xf32>
    %convert_element_type3A_248 = arith.fptosi %min3A_247 : vector<128x1xf32> to vector<128x1xi32>
    %broadcast_in_dim3A_249 = vector.shape_cast %convert_element_type3A_248 : vector<128x1xi32> to vector<128x1xi32>
    %broadcast_in_dim3A_250 = vector.broadcast %broadcast_in_dim3A_249 : vector<128x1xi32> to vector<128x8xi32>
    %swap3A_251 = arith.constant 0 : index
    %swap3A_252 = arith.constant 0 : index
    %swap3A_253 = vector.load %arg5[%swap3A_251, %swap3A_252] : memref<128x8xi32, #tpu.memory_space<vmem>>, vector<128x8xi32>
    tpu.vector_store %arg5[%swap3A_251, %swap3A_252], %broadcast_in_dim3A_250 {strides = array<i32>} : memref<128x8xi32, #tpu.memory_space<vmem>>, vector<128x8xi32>,
    return
  }
}

module attributes {stable_mosaic.version = 14 : i64} {
  func.func @_ffn_body(%arg0: i32, %arg1: memref<40xi32, #tpu.memory_space<smem>>, %arg2: memref<256x1024xf32, #tpu.memory_space<vmem>>, %arg3: memref<1x2048x1024xf32, #tpu.memory_space<vmem>>, %arg4: memref<1x1024x1024xf32, #tpu.memory_space<vmem>>, %arg5: memref<256x1024xf32, #tpu.memory_space<vmem>>) attributes {dimension_semantics = [#tpu.dimension_semantics<arbitrary>], iteration_bounds = array<i64: 40>, scalar_prefetch = 1 : i64, scratch_operands = 0 : i64, tpu.core_type = #tpu.core_type<tc>, window_params = [{transform_indices = @transform_0, window_bounds = array<i64: 256, 1024>}, {transform_indices = @transform_1, window_bounds = array<i64: 1, 2048, 1024>}, {transform_indices = @transform_2, window_bounds = array<i64: 1, 1024, 1024>}, {transform_indices = @transform_3, window_bounds = array<i64: 256, 1024>}]} {
    %get3A = arith.constant 0 : index
    %get3A_0 = arith.constant 0 : index
    %get3A_1 = vector.load %arg2[%get3A, %get3A_0] : memref<256x1024xf32, #tpu.memory_space<vmem>>, vector<256x1024xf32>
    %convert_element_type3A = arith.truncf %get3A_1 : vector<256x1024xf32> to vector<256x1024xbf16>
    %get3A_2 = arith.constant 0 : index
    %get3A_3 = arith.constant 0 : index
    %get3A_4 = arith.constant 0 : index
    %get3A_5 = vector.load %arg3[%get3A_2, %get3A_3, %get3A_4] : memref<1x2048x1024xf32, #tpu.memory_space<vmem>>, vector<1x2048x1024xf32>
    %get3A_6 = vector.shape_cast %get3A_5 : vector<1x2048x1024xf32> to vector<2048x1024xf32>
    %convert_element_type3A_7 = arith.truncf %get3A_6 : vector<2048x1024xf32> to vector<2048x1024xbf16>
    %dot_general3A = arith.constant dense<0.000000e+00> : vector<256x2048xf32>
    %dot_general3A_8 = tpu.matmul %convert_element_type3A, %convert_element_type3A_7, %dot_general3A {dimension_numbers = #tpu.dot_dimension_numbers<[1], [1], [0], [0], [0, 0, 1, 0], [], []>, transpose_lhs_hint = false} : vector<256x1024xbf16>, vector<2048x1024xbf16>, vector<256x2048xf32> -> vector<256x2048xf32>
    %slice3A = vector.extract_strided_slice %dot_general3A_8 {offsets = [0, 0], sizes = [256, 1024], strides = [1, 1]} : vector<256x2048xf32> to vector<256x1024xf32>
    %slice3A_9 = vector.extract_strided_slice %dot_general3A_8 {offsets = [0, 1024], sizes = [256, 1024], strides = [1, 1]} : vector<256x2048xf32> to vector<256x1024xf32>
    %neg3A = arith.constant 0.000000e+00 : f32
    %neg3A_10 = vector.broadcast %neg3A : f32 to vector<256x1024xf32>
    %neg3A_11 = arith.subf %neg3A_10, %slice3A : vector<256x1024xf32>
    %exp3A = math.exp %neg3A_11 : vector<256x1024xf32>
    %add3A = arith.constant 1.000000e+00 : f32
    %add3A_12 = vector.broadcast %add3A : f32 to vector<256x1024xf32>
    %add3A_13 = arith.addf %add3A_12, %exp3A : vector<256x1024xf32>
    %div3A = arith.constant 1.000000e+00 : f32
    %div3A_14 = vector.broadcast %div3A : f32 to vector<256x1024xf32>
    %div3A_15 = arith.divf %div3A_14, %add3A_13 : vector<256x1024xf32>
    %mul3A = arith.mulf %slice3A, %div3A_15 : vector<256x1024xf32>
    %mul3A_16 = arith.mulf %mul3A, %slice3A_9 : vector<256x1024xf32>
    %get3A_17 = arith.constant 0 : index
    %get3A_18 = arith.constant 0 : index
    %get3A_19 = arith.constant 0 : index
    %get3A_20 = vector.load %arg4[%get3A_17, %get3A_18, %get3A_19] : memref<1x1024x1024xf32, #tpu.memory_space<vmem>>, vector<1x1024x1024xf32>
    %get3A_21 = vector.shape_cast %get3A_20 : vector<1x1024x1024xf32> to vector<1024x1024xf32>
    %convert_element_type3A_22 = arith.truncf %get3A_21 : vector<1024x1024xf32> to vector<1024x1024xbf16>
    %convert_element_type3A_23 = arith.truncf %mul3A_16 : vector<256x1024xf32> to vector<256x1024xbf16>
    %dot_general3A_24 = arith.constant dense<0.000000e+00> : vector<256x1024xf32>
    %dot_general3A_25 = tpu.matmul %convert_element_type3A_23, %convert_element_type3A_22, %dot_general3A_24 {dimension_numbers = #tpu.dot_dimension_numbers<[1], [1], [0], [0], [0, 0, 1, 0], [], []>, transpose_lhs_hint = false} : vector<256x1024xbf16>, vector<1024x1024xbf16>, vector<256x1024xf32> -> vector<256x1024xf32>
    %swap3A = arith.constant 0 : index
    %swap3A_26 = arith.constant 0 : index
    %swap3A_27 = vector.load %arg5[%swap3A, %swap3A_26] : memref<256x1024xf32, #tpu.memory_space<vmem>>, vector<256x1024xf32>
    tpu.vector_store %arg5[%swap3A, %swap3A_26], %dot_general3A_25 {strides = array<i32>} : memref<256x1024xf32, #tpu.memory_space<vmem>>, vector<256x1024xf32>,
    return
  }
  func.func @transform_0(%arg0: i32, %arg1: memref<40xi32, #tpu.memory_space<smem>>) -> (i32, i32) {
    %c0_i32 = arith.constant 0 : i32
    %c0_i32_0 = arith.constant 0 : i32
    return %arg0, %c0_i32 : i32, i32
  }
  func.func @transform_1(%arg0: i32, %arg1: memref<40xi32, #tpu.memory_space<smem>>) -> (i32, i32, i32) {
    %get3A = arith.index_cast %arg0 : i32 to index
    %get3A_0 = memref.load %arg1[%get3A] : memref<40xi32, #tpu.memory_space<smem>>
    %c0_i32 = arith.constant 0 : i32
    %c0_i32_1 = arith.constant 0 : i32
    %c0_i32_2 = arith.constant 0 : i32
    return %get3A_0, %c0_i32, %c0_i32_1 : i32, i32, i32
  }
  func.func @transform_2(%arg0: i32, %arg1: memref<40xi32, #tpu.memory_space<smem>>) -> (i32, i32, i32) {
    %get3A = arith.index_cast %arg0 : i32 to index
    %get3A_0 = memref.load %arg1[%get3A] : memref<40xi32, #tpu.memory_space<smem>>
    %c0_i32 = arith.constant 0 : i32
    %c0_i32_1 = arith.constant 0 : i32
    %c0_i32_2 = arith.constant 0 : i32
    return %get3A_0, %c0_i32, %c0_i32_1 : i32, i32, i32
  }
  func.func @transform_3(%arg0: i32, %arg1: memref<40xi32, #tpu.memory_space<smem>>) -> (i32, i32) {
    %c0_i32 = arith.constant 0 : i32
    %c0_i32_0 = arith.constant 0 : i32
    return %arg0, %c0_i32 : i32, i32
  }
}

</mosaic_0001>

<sc_bundles>
// kernel: kernel.6.cloned.1.call-start
scs
__scs_entry_jumppad:
0x0: {  	(pc) =	sbr.rel $0x88, $3  }
0x1: {  	(tag) =	ssettag $0x0;
	lr =	simm.s32 $0x1  }
0x2: {  	[smem:$0x3F9C] =	sst lr;
	_ =	strace $0xD0000000  }
0x3: {  	_ = 	snop  }
0x4: {  	_ = 	snop  }
0x5: {  	_ = 	snop  }
0x6: {  	_ = 	snop  }
0x7: {  	_ = 	snop  }
__scs_overlays_trampoline_lowered:
0x8: {  	[smem:$0x3FAB] =	sst s0  }
0x9: {  	[smem:$0x3FAC] =	sst s1  }
0xa: {  	[smem:$0x3FAD] =	sst s2  }
0xb: {  	[smem:$0x3FAE] =	sst s3  }
0xc: {  	[smem:$0x3FAF] =	sst s4  }
0xd: {  	[smem:$0x3FB0] =	sst s5  }
0xe: {  	[smem:$0x3FB1] =	sst s6  }
0xf: {  	[smem:$0x3FB2] =	sst s7  }
0x10: {  	[smem:$0x3FB3] =	sst s8  }
0x11: {  	[smem:$0x3FB4] =	sst s9;
	s0 =	simm.s32 @!p0 $0x0  }
0x12: {  	s1 =	sld [smem:$0x3F9A];
	s0 =	simm.s32 @p0 $0x1  }
0x13: {  	[smem:$0x3FB5] =	sst s0;
	s0 =	simm.s32 @!p1 $0x0  }
0x14: {  	s2 =	sld [smem:$0x3F99];
	s0 =	simm.s32 @p1 $0x1  }
0x15: {  	[smem:$0x3FB6] =	sst s0;
	s0 =	simm.s32 @!p2 $0x0  }
0x16: {  	s3 =	sld [smem:$0x3FDB];
	s0 =	simm.s32 @p2 $0x1  }
0x17: {  	s4 =	simm.s32 $0x1BF5;
	[smem:$0x3FB8] =	sst s0  }
0x18: {  	s0 =	sld [smem:$0x3F9B];
	_ =	swait.ge [sflag:s4], $0x0  }
0x19: {  	s7 =	sld [smem:$0x3F9C]  }
0x1a: {  	s8 =	sadd.s32 $0xFFFFE003, lr  }
0x1b: {  	s9 =	sadd.s32 $0xFFFFFEF7, lr;
	s5 =	simm.s32 $0xFFFFFFFF;
	p2 =	slt.u32 s8, $0xFFFFF086  }
0x1c: {  	p1 =	slt.u32 s9, $0xF7A;
	s5 =	simm.s32 @!p2 $0x0  }
0x1d: {  	s5 =	simm.s32 @p1 $0x1;
	p0 =	seq.s32 s7, s2  }
0x1e: {  	s7 =	smul.u32 @!p0 $0xF7A, s2;
	p2 =	seq.s32 @!p0 s5, $0x0  }
0x1f: {  	s9 =	smul.u32 $0xF7A, s1;
	s8 =	simm.s32 @!p0 $0x1BF5;
	p2 =	por !p2, p0  }
0x20: {  	[sflag:s8] =	ssyncset.s32 @!p0 $0xFFFFF086;
	s6 =	sadd.s32 @!p0 s3, s7;
	s7 =	simm.s32 @!p0 $0x108  }
0x21: {  	s3 =	sadd.s32 s3, s9;
	s6 =	sadd.s32 @!p0 $0x88, s6;
	s7 =	simm.s32 @p2 $0x1082  }
0x22: {  	[simem:s7], [sflag:s8] =	dma.local @!p0 [hbm:s6], $0xF7A  }
0x23: {  	s9 =	sor.u32 $0xD0000000, s2;
	s6 =	simm.s32 $0x108;
	_ =	swait.ge @!p0 [sflag:s8], $0x0  }
0x24: {  	s3 =	sadd.s32 $0x88, s3;
	s6 =	simm.s32 @!p1 $0x1082;
	[sflag:s4] =	ssyncset.s32 $0xFFFFF086  }
0x25: {  	[simem:s6], [sflag:s4] =	dma.local [hbm:s3], $0xF7A  }
0x26: {  	[smem:$0x3F9C] =	sst s1;
	(tag) =	ssettag s2;
	_ =	strace s9  }
0x27: {  	s1 =	sld [smem:$0x3FAC]  }
0x28: {  	s2 =	sld [smem:$0x3FAD]  }
0x29: {  	s4 =	sld [smem:$0x3FAF]  }
0x2a: {  	p0 =	seq.s32 s5, $0x0;
	s5 =	sld [smem:$0x3FB0]  }
0x2b: {  	s6 =	sld [smem:$0x3FB1]  }
0x2c: {  	s7 =	sld [smem:$0x3FB2]  }
0x2d: {  	s3 =	simm.s32 $0x108;
	s8 =	sld [smem:$0x3FB3]  }
0x2e: {  	s3 =	simm.s32 @!p0 $0x1082;
	s9 =	sld [smem:$0x3FB4]  }
0x2f: {  	lr =	sadd.s32 s0, s3;
	s0 =	sld [smem:$0x3FAB]  }
0x30: {  	s3 =	sld [smem:$0x3FAE]  }
0x31: {  	[smem:$0x3FB7] =	sst s10  }
0x32: {  	s10 =	sld [smem:$0x3FB5];
	_ =	sdelay $0x3  }
0x33: {  	p0 =	seq.s32 s10, $0x1;
	s10 =	sld [smem:$0x3FB7];
	_ =	sdelay $0x3  }
0x34: {  	[smem:$0x3FB7] =	sst s10  }
0x35: {  	s10 =	sld [smem:$0x3FB6];
	_ =	sdelay $0x3  }
0x36: {  	p1 =	seq.s32 s10, $0x1;
	s10 =	sld [smem:$0x3FB7];
	_ =	sdelay $0x3  }
0x37: {  	[smem:$0x3FB7] =	sst s10  }
0x38: {  	s10 =	sld [smem:$0x3FB8]  }
0x39: {  	_ = 	snop;
	(pc) =	sbr.ind lr, $3  }
0x3a: {  	_ = 	snop  }
0x3b: {  	_ = 	snop  }
0x3c: {  	p2 =	seq.s32 s10, $0x1;
	s10 =	sld [smem:$0x3FB7]  }
0x3d: {  	_ =	shalt  }
0x3e: {  	_ =	shalt  }
0x3f: {  	_ =	shalt  }
0x40: {  	_ =	shalt  }
0x41: {  	_ =	shalt  }
0x42: {  	_ =	shalt  }
0x43: {  	_ =	shalt  }
0x44: {  	_ =	shalt  }
0x45: {  	_ =	shalt  }
0x46: {  	_ =	shalt  }
0x47: {  	_ =	shalt  }
0x48: {  	_ =	shalt  }
0x49: {  	_ =	shalt  }
0x4a: {  	_ =	shalt  }
0x4b: {  	_ =	shalt  }
0x4c: {  	_ =	shalt  }
0x4d: {  	_ =	shalt  }
0x4e: {  	_ =	shalt  }
0x4f: {  	_ =	shalt  }
0x50: {  	_ =	shalt  }
0x51: {  	_ =	shalt  }
0x52: {  	_ =	shalt  }
0x53: {  	_ =	shalt  }
0x54: {  	_ =	shalt  }
0x55: {  	_ =	shalt  }
0x56: {  	_ =	shalt  }
0x57: {  	_ =	shalt  }
0x58: {  	_ =	shalt  }
0x59: {  	_ =	shalt  }
0x5a: {  	_ =	shalt  }
0x5b: {  	_ =	shalt  }
0x5c: {  	_ =	shalt  }
0x5d: {  	_ =	shalt  }
0x5e: {  	_ =	shalt  }
0x5f: {  	_ =	shalt  }
0x60: {  	_ =	shalt  }
0x61: {  	_ =	shalt  }
0x62: {  	_ =	shalt  }
0x63: {  	_ =	shalt  }
0x64: {  	_ =	shalt  }
0x65: {  	_ =	shalt  }
0x66: {  	_ =	shalt  }
0x67: {  	_ =	shalt  }
0x68: {  	_ =	shalt  }
0x69: {  	_ =	shalt  }
0x6a: {  	_ =	shalt  }
0x6b: {  	_ =	shalt  }
0x6c: {  	_ =	shalt  }
0x6d: {  	_ =	shalt  }
0x6e: {  	_ =	shalt  }
0x6f: {  	_ =	shalt  }
0x70: {  	_ =	shalt  }
0x71: {  	_ =	shalt  }
0x72: {  	_ =	shalt  }
0x73: {  	_ =	shalt  }
0x74: {  	_ =	shalt  }
0x75: {  	_ =	shalt  }
0x76: {  	_ =	shalt  }
0x77: {  	_ =	shalt  }
0x78: {  	_ =	shalt  }
0x79: {  	_ =	shalt  }
0x7a: {  	_ =	shalt  }
0x7b: {  	_ =	shalt  }
0x7c: {  	_ =	shalt  }
0x7d: {  	_ =	shalt  }
0x7e: {  	_ =	shalt  }
0x7f: {  	_ =	shalt  }
0x80: {  	_ =	shalt  }
0x81: {  	_ =	shalt  }
0x82: {  	_ =	shalt  }
0x83: {  	_ =	shalt  }
0x84: {  	_ =	shalt  }
0x85: {  	_ =	shalt  }
0x86: {  	_ =	shalt  }
0x87: {  	_ =	shalt  }
.Lfunc_end0:
.L_simem_size_0:
called_computation_lowered:
.L_overlay_start_0:
0x88: {  	s2 =	sld [smem:$0x3FD9]  }
0x89: {  	s3 =	sld [smem:$0x3FFE];
	_ =	sdelay $0x1  }
0x8a: {  	s1 =	srdreg.scid  }
0x8b: {  	s0 =	sand.u32 $0x1, s1  }
0x8c: {  	s17 =	sshll.u32 s0, $0xA;
	s2 =	sadd.s32 s3, s2  }
0x8d: {  	s2 =	sadd.s32 s2, s17  }
0x8e: {  	[smem:$0x3FC3] =	sst s2  }
0x8f: {  	_ = 	snop  }
0x90: {  	s2 =	sld [smem:$0x3FC9]  }
0x91: {  	s18 =	sld [smem:$0x3FD0];
	(tm) =	ssettm $0x1  }
0x92: {  	s4 =	sld [smem:$0x3FFB];
	_ =	sdelay $0x3  }
0x93: {  	_ =	strace s4  }
0x94: {  	s4 =	sld [smem:$0x3FFC];
	_ =	sdelay $0x3  }
0x95: {  	_ =	strace s4  }
0x96: {  	s4 =	sld [smem:$0x3FFD];
	_ =	sdelay $0x3  }
0x97: {  	_ =	strace s4  }
0x98: {  	_ =	strace $0x8FFFFFFF  }
0x99: {  	s19 =	sld [smem:$0x3FDB];
	_ =	sdelay $0x1  }
0x9a: {  	s5 =	simm.s32 $_scs_section_size  }
0x9b: {  	s6 =	simm.s32 $_size__tile_overlayer_lowered;
	s7 =	simm.s32 $_tile_overlayer_lowered  }
0x9c: {  	s22 =	simm.s32 $0x1BFF;
	s21 =	sshll.u32 s7, $0x1;
	s4 =	sadd.s32 s5, s19  }
0x9d: {  	s8 =	simm.s32 $0x0;
	s20 =	sshll.u32 s6, $0x1;
	s6 =	sadd.s32 s21, s4  }
0x9e: {  	[timem:s8], [sflag:s22] =	dma.local [hbm:s6], s20  }
0x9f: {  	_ =	swait.ge [sflag:s22], s20  }
0xa0: {  	s5 =	ssub.s32 $0x0, s20;
	[sflag:s22] =	ssyncset.done $0x0  }
0xa1: {  	[sflag:s22] =	ssyncadd.s32 s5;
	_ =	sdelay $0x1  }
0xa2: {  	s23 =	simm.s32 $0x1B8B  }
0xa3: {  	_ =	swait.ge [sflag:s23], $0x1  }
0xa4: {  	[sflag:s23] =	ssyncset.done $0x0  }
0xa5: {  	s25 =	simm.s32 $0x1B8E;
	s24 =	sld [smem:$0x3FFE];
	[sflag:s23] =	ssyncadd.s32 $0xFFFFFFFF  }
0xa6: {  	s26 =	simm.s32 $execute0_lowered;
	[smem:$0x3FD2] =	sst s25  }
0xa7: {  	s6 =	sshll.u32 s26, $0x1;
	_ =	strace $0x80000046;
	[dreg:$0x1] =	wrdreg $0xFFFFFFFF  }
0xa8: {  	s28 =	simm.s32 $_size_execute0_lowered;
	s4 =	sadd.s32 s4, s6;
	[dreg:$0x0] =	wrdreg $0x0  }
0xa9: {  	s6 =	sshll.u32 s28, $0x1;
	[dreg:$0x2] =	wrdreg s4  }
0xaa: {  	[dreg:$0x3] =	wrdreg s6  }
0xab: {  	[dreg:$0x4] =	wrdreg $0xC0  }
0xac: {  	_ =	task [dreg:s8], $0x5FFFF  }
0xad: {  	[dreg:$0x1] =	wrdreg $0xFFFFFFFF  }
0xae: {  	[dreg:$0x0] =	wrdreg $0x60  }
0xaf: {  	[dreg:$0x2] =	wrdreg s2  }
0xb0: {  	[dreg:$0x3] =	wrdreg s18  }
0xb1: {  	[dreg:$0x4] =	wrdreg s24  }
0xb2: {  	[dreg:$0x5] =	wrdreg $0x9  }
0xb3: {  	_ =	task.clear_ibuf [dreg:s8], $0x6FFFF;
	_ =	strace $0x90000046  }
0xb4: {  	s29 =	simm.s32 $0x9;
	_ =	strace $0x80000048  }
0xb5: {  	_ =	swait.ge [sflag:s29], $0x1  }
0xb6: {  	[sflag:s29] =	ssyncadd.s32 $0xFFFFFFFF  }
0xb7: {  	_ =	strace $0x90000048  }
0xb8: {  	_ =	sfence  }
0xb9: {  	s30 =	sld [smem:$0x0];
	_ =	sdelay $0x2  }
0xba: {  	s31 =	sshll.u32 s1, $0xD;
	s1 =	sshrl.u32 s1, $0x2  }
0xbb: {  	s3 =	sand.u32 $0x4000, s31;
	s1 =	sadd.s32 s1, s30  }
0xbc: {  	s0 =	sor.u32 s3, s0;
	s1 =	sshll.u32 s1, $0x11  }
0xbd: {  	s0 =	sor.u32 s1, s0  }
0xbe: {  	s0 =	sadd.s32 $0x8F2B, s0  }
0xbf: {  	[sflag:s0] =	ssyncadd.remote.s32 $0x1  }
0xc0: {  	_ =	sfence.sel $0xFFFF  }
0xc1: {  	[dreg:$0x0] =	wrdreg $0xFFFFFFFF;
	(pc) =	sbr.abs _section_cstart, $3  }
0xc2: {  	[dreg:$0x1] =	wrdreg $0xFFFFFFFF  }
0xc3: {  	_ =	task.clear_ibuf [dreg:s8], $0x2FFFF;
	_ =	strace $0x9FFFFFFF  }
0xc4: {  	(tm) =	ssettm $0x7FFFFFFF  }
0xc5: {  	_ =	shalt  }
tec
execute0_lowered:
.L_overlay_start_1:
0x0: {  	(tag) =	ssettag $0x1  }
0x1: {  	s0 =	rddreg [dreg:$0x0]  }
0x2: {  	s1 =	rddreg [dreg:$0x1]  }
0x3: {  	s4 =	rddreg [dreg:$0x2]  }
0x4: {  	s3 =	srdreg.scid;
	s5 =	stileid.u32;
	s2 =	simm.s32 $0x0  }
0x5: {  	s31 =	simm.s32 $0x100;
	s9 =	simm.s32 $0x2;
	s19 =	simm.s32 $0x1  }
0x6: {  	s3 =	sand.u32 $0x1, s3;
	s5 =	sshll.u32 s5, $0x1;
	[smem:$0x7FF] =	sst s2  }
0x7: {  	s5 =	sor.u32 s3, s5;
	_ =	strace $0x80000047;
	s6 =	ssub.s32 $0x2, s3  }
0x8: {  	s3 =	sadd.s32 $0x400, s4;
	[dreg:$0x7] =	wrdreg s31;
	s7 =	sshll.u32 s5, $0x5  }
0x9: {  	s8 =	sshrl.u32 s6, $0x1;
	s5 =	sshll.u32 s5, $0xE;
	s1 =	sadd.s32 s1, s7  }
0xa: {  	s30 =	sadd.s32 s4, s7;
	s8 =	ssub.s32 s6, s8;
	[dreg:$0x4] =	wrdreg s1  }
0xb: {  	v2 =	vlaneseq.u32;
	s0 =	sadd.s32 s0, s5;
	s5 =	sadd.s32 $0x500, s4;
	[dreg:$0x5] =	wrdreg s30  }
0xc: {  	vm0 =	vmmov $0xffff;
	v1 =	vshrl.u32 v2, $0x3;
	s6 =	sadd.s32 $0x600, s4;
	[dreg:$0x8] =	wrdreg s0;
	s0 =	sadd.s32 $0x2000, s0  }
0xd: {  	v0 =	vand.u32 $0x7, v2;
	v2 =	vor.u32 $0x8, v2;
	v1 =	vmul.u32 $0x8, v1;
	s7 =	sadd.s32 $0x700, s4;
	s8 =	smax.u32 s8, $0x1;
	[dreg:$0x6] =	wrdreg s0  }
.LBB2_1:
0xe: {  	s20 =	rddreg [dreg:$0x4]  }
0xf: {  	[tilespmem:s2], [sflag:$0x2] =	stream.linear.gather [hbm4b:s20+s2], $0x100, $0x38;
	[tilespmem:$0x10200] =	vst v63  }
0x10: {  	_ =	swait.ge [sflag:s9], $0x100  }
0x11: {  	s16 =	rddreg [dreg:$0x5];
	[sflag:s9] =	ssyncset.done $0x0  }
0x12: {  	s21 =	rddreg [dreg:$0x7];
	[sflag:s9] =	ssyncadd.s32 $0xFFFFFF00  }
0x13: {  	[tilespmem:s21], [sflag:$0x2] =	stream.linear.gather [hbm4b:s16+s2], $0x100, $0x38;
	[tilespmem:$0x10200] =	vst v63  }
0x14: {  	_ =	swait.ge [sflag:s9], $0x100  }
0x15: {  	[sflag:s9] =	ssyncset.done $0x0  }
0x16: {  	s22 =	simm.s32 $0x200;
	s17 =	rddreg [dreg:$0x8];
	[sflag:s9] =	ssyncadd.s32 $0xFFFFFF00  }
0x17: {  	[tilespmem:s22], [sflag:$0x2] =	stream.linear.gather [hbm4b:s17+s2], $0x10000, $0x38;
	[tilespmem:$0x10200] =	vst v63  }
0x18: {  	_ =	swait.ge [sflag:s9], $0x10000  }
0x19: {  	[sflag:s9] =	ssyncset.done $0x0  }
0x1a: {  	[sflag:s9] =	ssyncadd.s32 $0xFFFF0000  }
0x1b: {  	v3 =	vld [tilespmem:$0x0];
	_ =	sdelay $0x4  }
0x1c: {  	v4 =	vshll.u32 v3, $0x3  }
0x1d: {  	v3 =	vand.u32 $0x7, v3;
	v4 =	vand.u32 $0xFFFFFFC0, v4  }
0x1e: {  	v3 =	vor.u32 v3, v4  }
0x1f: {  	v4 =	vperm.xlane v3, v0;
	_ =	sdelay $0x1  }
0x20: {  	v4 =	vadd.s32 v1, v4;
	_ =	sdelay $0x4  }
0x21: {  	[hbm4b:s3+s2] =	stream.indirect_vreg.scatter [tilespmem:s22], [sflag:$0x1], $0x80, v4, vm0, $0xb8;
	[tilespmem:$0x10200] =	vst v63  }
0x22: {  	s0 =	simm.s32 $0xA00;
	v3 =	vperm.xlane v3, v2  }
0x23: {  	[hbm4b:s5+s2] =	stream.indirect_vreg.scatter [tilespmem:s0], [sflag:$0x1], $0x80, v4, vm0, $0xb8;
	[tilespmem:$0x10200] =	vst v63  }
0x24: {  	s18 =	simm.s32 $0x1200;
	v3 =	vadd.s32 v1, v3  }
0x25: {  	[hbm4b:s6+s2] =	stream.indirect_vreg.scatter [tilespmem:s18], [sflag:$0x1], $0x80, v4, vm0, $0xb8;
	[tilespmem:$0x10200] =	vst v63  }
0x26: {  	s20 =	simm.s32 $0x1A00  }
0x27: {  	[hbm4b:s7+s2] =	stream.indirect_vreg.scatter [tilespmem:s20], [sflag:$0x1], $0x80, v4, vm0, $0xb8;
	[tilespmem:$0x10200] =	vst v63  }
0x28: {  	s21 =	simm.s32 $0x2200  }
0x29: {  	[hbm4b:s3+s2] =	stream.indirect_vreg.scatter [tilespmem:s21], [sflag:$0x1], $0x80, v3, vm0, $0xb8;
	[tilespmem:$0x10200] =	vst v63  }
0x2a: {  	s23 =	simm.s32 $0x2A00  }
0x2b: {  	[hbm4b:s5+s2] =	stream.indirect_vreg.scatter [tilespmem:s23], [sflag:$0x1], $0x80, v3, vm0, $0xb8;
	[tilespmem:$0x10200] =	vst v63  }
0x2c: {  	s24 =	simm.s32 $0x3200  }
0x2d: {  	[hbm4b:s6+s2] =	stream.indirect_vreg.scatter [tilespmem:s24], [sflag:$0x1], $0x80, v3, vm0, $0xb8;
	[tilespmem:$0x10200] =	vst v63  }
0x2e: {  	s25 =	simm.s32 $0x3A00  }
0x2f: {  	[hbm4b:s7+s2] =	stream.indirect_vreg.scatter [tilespmem:s25], [sflag:$0x1], $0x80, v3, vm0, $0xb8;
	[tilespmem:$0x10200] =	vst v63  }
0x30: {  	v3 =	vld [tilespmem:$0x10];
	_ =	sdelay $0x4  }
0x31: {  	v49 =	vshll.u32 v3, $0x3  }
0x32: {  	v3 =	vand.u32 $0x7, v3;
	v4 =	vand.u32 $0xFFFFFFC0, v49  }
0x33: {  	v3 =	vor.u32 v3, v4  }
0x34: {  	v4 =	vperm.xlane v3, v0;
	_ =	sdelay $0x1  }
0x35: {  	v4 =	vadd.s32 v1, v4;
	_ =	sdelay $0x3  }
0x36: {  	s26 =	simm.s32 $0x4200  }
0x37: {  	[hbm4b:s3+s2] =	stream.indirect_vreg.scatter [tilespmem:s26], [sflag:$0x1], $0x80, v4, vm0, $0xb8;
	[tilespmem:$0x10200] =	vst v63  }
0x38: {  	s28 =	simm.s32 $0x4A00;
	v3 =	vperm.xlane v3, v2  }
0x39: {  	[hbm4b:s5+s2] =	stream.indirect_vreg.scatter [tilespmem:s28], [sflag:$0x1], $0x80, v4, vm0, $0xb8;
	[tilespmem:$0x10200] =	vst v63  }
0x3a: {  	s29 =	simm.s32 $0x5200;
	v3 =	vadd.s32 v1, v3  }
0x3b: {  	[hbm4b:s6+s2] =	stream.indirect_vreg.scatter [tilespmem:s29], [sflag:$0x1], $0x80, v4, vm0, $0xb8;
	[tilespmem:$0x10200] =	vst v63  }
0x3c: {  	s1 =	simm.s32 $0x5A00  }
0x3d: {  	[hbm4b:s7+s2] =	stream.indirect_vreg.scatter [tilespmem:s1], [sflag:$0x1], $0x80, v4, vm0, $0xb8;
	[tilespmem:$0x10200] =	vst v63  }
0x3e: {  	s4 =	simm.s32 $0x6200  }
0x3f: {  	[hbm4b:s3+s2] =	stream.indirect_vreg.scatter [tilespmem:s4], [sflag:$0x1], $0x80, v3, vm0, $0xb8;
	[tilespmem:$0x10200] =	vst v63  }
0x40: {  	s30 =	simm.s32 $0x6A00  }
0x41: {  	[hbm4b:s5+s2] =	stream.indirect_vreg.scatter [tilespmem:s30], [sflag:$0x1], $0x80, v3, vm0, $0xb8;
	[tilespmem:$0x10200] =	vst v63  }
0x42: {  	s31 =	simm.s32 $0x7200  }
0x43: {  	[hbm4b:s6+s2] =	stream.indirect_vreg.scatter [tilespmem:s31], [sflag:$0x1], $0x80, v3, vm0, $0xb8;
	[tilespmem:$0x10200] =	vst v63  }
0x44: {  	s0 =	simm.s32 $0x7A00  }
0x45: {  	[hbm4b:s7+s2] =	stream.indirect_vreg.scatter [tilespmem:s0], [sflag:$0x1], $0x80, v3, vm0, $0xb8;
	[tilespmem:$0x10200] =	vst v63  }
0x46: {  	v3 =	vld [tilespmem:$0x20];
	_ =	sdelay $0x4  }
0x47: {  	v50 =	vshll.u32 v3, $0x3  }
0x48: {  	v3 =	vand.u32 $0x7, v3;
	v4 =	vand.u32 $0xFFFFFFC0, v50  }
0x49: {  	v3 =	vor.u32 v3, v4  }
0x4a: {  	v4 =	vperm.xlane v3, v0;
	_ =	sdelay $0x1  }
0x4b: {  	v4 =	vadd.s32 v1, v4;
	_ =	sdelay $0x3  }
0x4c: {  	s17 =	simm.s32 $0x8200  }
0x4d: {  	[hbm4b:s3+s2] =	stream.indirect_vreg.scatter [tilespmem:s17], [sflag:$0x1], $0x80, v4, vm0, $0xb8;
	[tilespmem:$0x10200] =	vst v63  }
0x4e: {  	s18 =	simm.s32 $0x8A00;
	v3 =	vperm.xlane v3, v2  }
0x4f: {  	[hbm4b:s5+s2] =	stream.indirect_vreg.scatter [tilespmem:s18], [sflag:$0x1], $0x80, v4, vm0, $0xb8;
	[tilespmem:$0x10200] =	vst v63  }
0x50: {  	s20 =	simm.s32 $0x9200;
	v3 =	vadd.s32 v1, v3  }
0x51: {  	[hbm4b:s6+s2] =	stream.indirect_vreg.scatter [tilespmem:s20], [sflag:$0x1], $0x80, v4, vm0, $0xb8;
	[tilespmem:$0x10200] =	vst v63  }
0x52: {  	s21 =	simm.s32 $0x9A00  }
0x53: {  	[hbm4b:s7+s2] =	stream.indirect_vreg.scatter [tilespmem:s21], [sflag:$0x1], $0x80, v4, vm0, $0xb8;
	[tilespmem:$0x10200] =	vst v63  }
0x54: {  	s23 =	simm.s32 $0xA200  }
0x55: {  	[hbm4b:s3+s2] =	stream.indirect_vreg.scatter [tilespmem:s23], [sflag:$0x1], $0x80, v3, vm0, $0xb8;
	[tilespmem:$0x10200] =	vst v63  }
0x56: {  	s24 =	simm.s32 $0xAA00  }
0x57: {  	[hbm4b:s5+s2] =	stream.indirect_vreg.scatter [tilespmem:s24], [sflag:$0x1], $0x80, v3, vm0, $0xb8;
	[tilespmem:$0x10200] =	vst v63  }
0x58: {  	s25 =	simm.s32 $0xB200  }
0x59: {  	[hbm4b:s6+s2] =	stream.indirect_vreg.scatter [tilespmem:s25], [sflag:$0x1], $0x80, v3, vm0, $0xb8;
	[tilespmem:$0x10200] =	vst v63  }
0x5a: {  	s26 =	simm.s32 $0xBA00  }
0x5b: {  	[hbm4b:s7+s2] =	stream.indirect_vreg.scatter [tilespmem:s26], [sflag:$0x1], $0x80, v3, vm0, $0xb8;
	[tilespmem:$0x10200] =	vst v63  }
0x5c: {  	v3 =	vld [tilespmem:$0x30];
	_ =	sdelay $0x4  }
0x5d: {  	v51 =	vshll.u32 v3, $0x3  }
0x5e: {  	v3 =	vand.u32 $0x7, v3;
	v4 =	vand.u32 $0xFFFFFFC0, v51  }
0x5f: {  	v3 =	vor.u32 v3, v4  }
0x60: {  	v4 =	vperm.xlane v3, v0;
	_ =	sdelay $0x1  }
0x61: {  	v4 =	vadd.s32 v1, v4;
	_ =	sdelay $0x3  }
0x62: {  	s28 =	simm.s32 $0xC200  }
0x63: {  	[hbm4b:s3+s2] =	stream.indirect_vreg.scatter [tilespmem:s28], [sflag:$0x1], $0x80, v4, vm0, $0xb8;
	[tilespmem:$0x10200] =	vst v63  }
0x64: {  	s29 =	simm.s32 $0xCA00;
	v3 =	vperm.xlane v3, v2  }
0x65: {  	[hbm4b:s5+s2] =	stream.indirect_vreg.scatter [tilespmem:s29], [sflag:$0x1], $0x80, v4, vm0, $0xb8;
	[tilespmem:$0x10200] =	vst v63  }
0x66: {  	s31 =	simm.s32 $0xD200;
	v3 =	vadd.s32 v1, v3  }
0x67: {  	[hbm4b:s6+s2] =	stream.indirect_vreg.scatter [tilespmem:s31], [sflag:$0x1], $0x80, v4, vm0, $0xb8;
	[tilespmem:$0x10200] =	vst v63  }
0x68: {  	s0 =	simm.s32 $0xDA00  }
0x69: {  	[hbm4b:s7+s2] =	stream.indirect_vreg.scatter [tilespmem:s0], [sflag:$0x1], $0x80, v4, vm0, $0xb8;
	[tilespmem:$0x10200] =	vst v63  }
0x6a: {  	s4 =	simm.s32 $0xE200  }
0x6b: {  	[hbm4b:s3+s2] =	stream.indirect_vreg.scatter [tilespmem:s4], [sflag:$0x1], $0x80, v3, vm0, $0xb8;
	[tilespmem:$0x10200] =	vst v63  }
0x6c: {  	s17 =	simm.s32 $0xEA00  }
0x6d: {  	[hbm4b:s5+s2] =	stream.indirect_vreg.scatter [tilespmem:s17], [sflag:$0x1], $0x80, v3, vm0, $0xb8;
	[tilespmem:$0x10200] =	vst v63  }
0x6e: {  	s18 =	simm.s32 $0xF200  }
0x6f: {  	[hbm4b:s6+s2] =	stream.indirect_vreg.scatter [tilespmem:s18], [sflag:$0x1], $0x80, v3, vm0, $0xb8;
	[tilespmem:$0x10200] =	vst v63  }
0x70: {  	s21 =	simm.s32 $0xFA00  }
0x71: {  	[hbm4b:s7+s2] =	stream.indirect_vreg.scatter [tilespmem:s21], [sflag:$0x1], $0x80, v3, vm0, $0xb8;
	[tilespmem:$0x10200] =	vst v63  }
0x72: {  	_ =	swait.ge [sflag:s19], $0x10000  }
0x73: {  	[sflag:s19] =	ssyncset.done $0x0  }
0x74: {  	[sflag:s19] =	ssyncadd.s32 $0xFFFF0000  }
0x75: {  	v3 =	vld [tilespmem:$0x100];
	_ =	sdelay $0x4  }
0x76: {  	v52 =	vshll.u32 v3, $0x3  }
0x77: {  	v3 =	vand.u32 $0x7, v3;
	v4 =	vand.u32 $0xFFFFFFC0, v52  }
0x78: {  	v3 =	vor.u32 v3, v4  }
0x79: {  	v4 =	vperm.xlane v3, v0;
	_ =	sdelay $0x1  }
0x7a: {  	v4 =	vadd.s32 v1, v4;
	_ =	sdelay $0x4  }
0x7b: {  	[hbm4b:s3+s2] =	stream.indirect_vreg.scatter [tilespmem:s22], [sflag:$0x1], $0x80, v4, vm0, $0xb8;
	[tilespmem:$0x10200] =	vst v63  }
0x7c: {  	s15 =	simm.s32 $0xA00;
	v3 =	vperm.xlane v3, v2  }
0x7d: {  	[hbm4b:s5+s2] =	stream.indirect_vreg.scatter [tilespmem:s15], [sflag:$0x1], $0x80, v4, vm0, $0xb8;
	[tilespmem:$0x10200] =	vst v63  }
0x7e: {  	s10 =	simm.s32 $0x1200;
	v3 =	vadd.s32 v1, v3  }
0x7f: {  	[hbm4b:s6+s2] =	stream.indirect_vreg.scatter [tilespmem:s10], [sflag:$0x1], $0x80, v4, vm0, $0xb8;
	[tilespmem:$0x10200] =	vst v63  }
0x80: {  	s11 =	simm.s32 $0x1A00  }
0x81: {  	[hbm4b:s7+s2] =	stream.indirect_vreg.scatter [tilespmem:s11], [sflag:$0x1], $0x80, v4, vm0, $0xb8;
	[tilespmem:$0x10200] =	vst v63  }
0x82: {  	s12 =	simm.s32 $0x2200  }
0x83: {  	[hbm4b:s3+s2] =	stream.indirect_vreg.scatter [tilespmem:s12], [sflag:$0x1], $0x80, v3, vm0, $0xb8;
	[tilespmem:$0x10200] =	vst v63  }
0x84: {  	s13 =	simm.s32 $0x2A00  }
0x85: {  	[hbm4b:s5+s2] =	stream.indirect_vreg.scatter [tilespmem:s13], [sflag:$0x1], $0x80, v3, vm0, $0xb8;
	[tilespmem:$0x10200] =	vst v63  }
0x86: {  	s14 =	simm.s32 $0x3200  }
0x87: {  	[hbm4b:s6+s2] =	stream.indirect_vreg.scatter [tilespmem:s14], [sflag:$0x1], $0x80, v3, vm0, $0xb8;
	[tilespmem:$0x10200] =	vst v63  }
0x88: {  	s16 =	simm.s32 $0x3A00  }
0x89: {  	[hbm4b:s7+s2] =	stream.indirect_vreg.scatter [tilespmem:s16], [sflag:$0x1], $0x80, v3, vm0, $0xb8;
	[tilespmem:$0x10200] =	vst v63  }
0x8a: {  	v3 =	vld [tilespmem:$0x110];
	_ =	sdelay $0x4  }
0x8b: {  	v53 =	vshll.u32 v3, $0x3  }
0x8c: {  	v3 =	vand.u32 $0x7, v3;
	v4 =	vand.u32 $0xFFFFFFC0, v53  }
0x8d: {  	v3 =	vor.u32 v3, v4  }
0x8e: {  	v4 =	vperm.xlane v3, v0;
	_ =	sdelay $0x1  }
0x8f: {  	v4 =	vadd.s32 v1, v4;
	_ =	sdelay $0x3  }
0x90: {  	s17 =	simm.s32 $0x4200  }
0x91: {  	[hbm4b:s3+s2] =	stream.indirect_vreg.scatter [tilespmem:s17], [sflag:$0x1], $0x80, v4, vm0, $0xb8;
	[tilespmem:$0x10200] =	vst v63  }
0x92: {  	s18 =	simm.s32 $0x4A00;
	v3 =	vperm.xlane v3, v2  }
0x93: {  	[hbm4b:s5+s2] =	stream.indirect_vreg.scatter [tilespmem:s18], [sflag:$0x1], $0x80, v4, vm0, $0xb8;
	[tilespmem:$0x10200] =	vst v63  }
0x94: {  	s21 =	simm.s32 $0x5200;
	v3 =	vadd.s32 v1, v3  }
0x95: {  	[hbm4b:s6+s2] =	stream.indirect_vreg.scatter [tilespmem:s21], [sflag:$0x1], $0x80, v4, vm0, $0xb8;
	[tilespmem:$0x10200] =	vst v63  }
0x96: {  	s1 =	simm.s32 $0x5A00  }
0x97: {  	[hbm4b:s7+s2] =	stream.indirect_vreg.scatter [tilespmem:s1], [sflag:$0x1], $0x80, v4, vm0, $0xb8;
	[tilespmem:$0x10200] =	vst v63  }
0x98: {  	s0 =	simm.s32 $0x6200  }
0x99: {  	[hbm4b:s3+s2] =	stream.indirect_vreg.scatter [tilespmem:s0], [sflag:$0x1], $0x80, v3, vm0, $0xb8;
	[tilespmem:$0x10200] =	vst v63  }
0x9a: {  	s1 =	simm.s32 $0x6A00  }
0x9b: {  	[hbm4b:s5+s2] =	stream.indirect_vreg.scatter [tilespmem:s1], [sflag:$0x1], $0x80, v3, vm0, $0xb8;
	[tilespmem:$0x10200] =	vst v63  }
0x9c: {  	s4 =	simm.s32 $0x7200  }
0x9d: {  	[hbm4b:s6+s2] =	stream.indirect_vreg.scatter [tilespmem:s4], [sflag:$0x1], $0x80, v3, vm0, $0xb8;
	[tilespmem:$0x10200] =	vst v63  }
0x9e: {  	s14 =	simm.s32 $0x7A00  }
0x9f: {  	[hbm4b:s7+s2] =	stream.indirect_vreg.scatter [tilespmem:s14], [sflag:$0x1], $0x80, v3, vm0, $0xb8;
	[tilespmem:$0x10200] =	vst v63  }
0xa0: {  	v3 =	vld [tilespmem:$0x120];
	_ =	sdelay $0x4  }
0xa1: {  	v54 =	vshll.u32 v3, $0x3  }
0xa2: {  	v3 =	vand.u32 $0x7, v3;
	v4 =	vand.u32 $0xFFFFFFC0, v54  }
0xa3: {  	v3 =	vor.u32 v3, v4  }
0xa4: {  	v4 =	vperm.xlane v3, v0;
	_ =	sdelay $0x1  }
0xa5: {  	v4 =	vadd.s32 v1, v4;
	_ =	sdelay $0x3  }
0xa6: {  	s15 =	simm.s32 $0x8200  }
0xa7: {  	[hbm4b:s3+s2] =	stream.indirect_vreg.scatter [tilespmem:s15], [sflag:$0x1], $0x80, v4, vm0, $0xb8;
	[tilespmem:$0x10200] =	vst v63  }
0xa8: {  	s16 =	simm.s32 $0x8A00;
	v3 =	vperm.xlane v3, v2  }
0xa9: {  	[hbm4b:s5+s2] =	stream.indirect_vreg.scatter [tilespmem:s16], [sflag:$0x1], $0x80, v4, vm0, $0xb8;
	[tilespmem:$0x10200] =	vst v63  }
0xaa: {  	s10 =	simm.s32 $0x9200;
	v3 =	vadd.s32 v1, v3  }
0xab: {  	[hbm4b:s6+s2] =	stream.indirect_vreg.scatter [tilespmem:s10], [sflag:$0x1], $0x80, v4, vm0, $0xb8;
	[tilespmem:$0x10200] =	vst v63  }
0xac: {  	s11 =	simm.s32 $0x9A00  }
0xad: {  	[hbm4b:s7+s2] =	stream.indirect_vreg.scatter [tilespmem:s11], [sflag:$0x1], $0x80, v4, vm0, $0xb8;
	[tilespmem:$0x10200] =	vst v63  }
0xae: {  	s12 =	simm.s32 $0xA200  }
0xaf: {  	[hbm4b:s3+s2] =	stream.indirect_vreg.scatter [tilespmem:s12], [sflag:$0x1], $0x80, v3, vm0, $0xb8;
	[tilespmem:$0x10200] =	vst v63  }
0xb0: {  	s13 =	simm.s32 $0xAA00  }
0xb1: {  	[hbm4b:s5+s2] =	stream.indirect_vreg.scatter [tilespmem:s13], [sflag:$0x1], $0x80, v3, vm0, $0xb8;
	[tilespmem:$0x10200] =	vst v63  }
0xb2: {  	s30 =	simm.s32 $0xB200  }
0xb3: {  	[hbm4b:s6+s2] =	stream.indirect_vreg.scatter [tilespmem:s30], [sflag:$0x1], $0x80, v3, vm0, $0xb8;
	[tilespmem:$0x10200] =	vst v63  }
0xb4: {  	s23 =	simm.s32 $0xBA00  }
0xb5: {  	[hbm4b:s7+s2] =	stream.indirect_vreg.scatter [tilespmem:s23], [sflag:$0x1], $0x80, v3, vm0, $0xb8;
	[tilespmem:$0x10200] =	vst v63  }
0xb6: {  	v3 =	vld [tilespmem:$0x130];
	_ =	sdelay $0x4  }
0xb7: {  	v55 =	vshll.u32 v3, $0x3  }
0xb8: {  	v3 =	vand.u32 $0x7, v3;
	v4 =	vand.u32 $0xFFFFFFC0, v55  }
0xb9: {  	v3 =	vor.u32 v3, v4  }
0xba: {  	v4 =	vperm.xlane v3, v0;
	_ =	sdelay $0x1  }
0xbb: {  	v4 =	vadd.s32 v1, v4;
	_ =	sdelay $0x3  }
0xbc: {  	s24 =	simm.s32 $0xC200  }
0xbd: {  	[hbm4b:s3+s2] =	stream.indirect_vreg.scatter [tilespmem:s24], [sflag:$0x1], $0x80, v4, vm0, $0xb8;
	[tilespmem:$0x10200] =	vst v63  }
0xbe: {  	s25 =	simm.s32 $0xCA00;
	v3 =	vperm.xlane v3, v2  }
0xbf: {  	[hbm4b:s5+s2] =	stream.indirect_vreg.scatter [tilespmem:s25], [sflag:$0x1], $0x80, v4, vm0, $0xb8;
	[tilespmem:$0x10200] =	vst v63  }
0xc0: {  	s31 =	simm.s32 $0xD200;
	v3 =	vadd.s32 v1, v3  }
0xc1: {  	[hbm4b:s6+s2] =	stream.indirect_vreg.scatter [tilespmem:s31], [sflag:$0x1], $0x80, v4, vm0, $0xb8;
	[tilespmem:$0x10200] =	vst v63  }
0xc2: {  	s29 =	simm.s32 $0xDA00  }
0xc3: {  	[hbm4b:s7+s2] =	stream.indirect_vreg.scatter [tilespmem:s29], [sflag:$0x1], $0x80, v4, vm0, $0xb8;
	[tilespmem:$0x10200] =	vst v63  }
0xc4: {  	s25 =	simm.s32 $0xE200  }
0xc5: {  	[hbm4b:s3+s2] =	stream.indirect_vreg.scatter [tilespmem:s25], [sflag:$0x1], $0x80, v3, vm0, $0xb8;
	[tilespmem:$0x10200] =	vst v63  }
0xc6: {  	s26 =	simm.s32 $0xEA00  }
0xc7: {  	[hbm4b:s5+s2] =	stream.indirect_vreg.scatter [tilespmem:s26], [sflag:$0x1], $0x80, v3, vm0, $0xb8;
	[tilespmem:$0x10200] =	vst v63  }
0xc8: {  	s28 =	simm.s32 $0xF200  }
0xc9: {  	[hbm4b:s6+s2] =	stream.indirect_vreg.scatter [tilespmem:s28], [sflag:$0x1], $0x80, v3, vm0, $0xb8;
	[tilespmem:$0x10200] =	vst v63  }
0xca: {  	s20 =	simm.s32 $0xFA00  }
0xcb: {  	[hbm4b:s7+s2] =	stream.indirect_vreg.scatter [tilespmem:s20], [sflag:$0x1], $0x80, v3, vm0, $0xb8;
	[tilespmem:$0x10200] =	vst v63  }
0xcc: {  	_ =	swait.ge [sflag:s19], $0x10000  }
0xcd: {  	[sflag:s19] =	ssyncset.done $0x0  }
0xce: {  	s29 =	rddreg [dreg:$0x6];
	[sflag:s19] =	ssyncadd.s32 $0xFFFF0000  }
0xcf: {  	[tilespmem:s22], [sflag:$0x2] =	stream.linear.gather [hbm4b:s29+s2], $0x10000, $0x38;
	[tilespmem:$0x10200] =	vst v63  }
0xd0: {  	_ =	swait.ge [sflag:s9], $0x10000  }
0xd1: {  	[sflag:s9] =	ssyncset.done $0x0  }
0xd2: {  	[sflag:s9] =	ssyncadd.s32 $0xFFFF0000  }
0xd3: {  	v3 =	vld [tilespmem:$0x80];
	_ =	sdelay $0x4  }
0xd4: {  	v56 =	vshll.u32 v3, $0x3  }
0xd5: {  	v3 =	vand.u32 $0x7, v3;
	v4 =	vand.u32 $0xFFFFFFC0, v56  }
0xd6: {  	v3 =	vor.u32 v3, v4  }
0xd7: {  	v4 =	vperm.xlane v3, v0;
	_ =	sdelay $0x1  }
0xd8: {  	v4 =	vadd.s32 v1, v4;
	_ =	sdelay $0x4  }
0xd9: {  	[hbm4b:s3+s2] =	stream.indirect_vreg.scatter [tilespmem:s22], [sflag:$0x1], $0x80, v4, vm0, $0xb8;
	[tilespmem:$0x10200] =	vst v63  }
0xda: {  	s24 =	simm.s32 $0xA00;
	v3 =	vperm.xlane v3, v2  }
0xdb: {  	[hbm4b:s5+s2] =	stream.indirect_vreg.scatter [tilespmem:s24], [sflag:$0x1], $0x80, v4, vm0, $0xb8;
	[tilespmem:$0x10200] =	vst v63  }
0xdc: {  	s28 =	simm.s32 $0x1200;
	v3 =	vadd.s32 v1, v3  }
0xdd: {  	[hbm4b:s6+s2] =	stream.indirect_vreg.scatter [tilespmem:s28], [sflag:$0x1], $0x80, v4, vm0, $0xb8;
	[tilespmem:$0x10200] =	vst v63  }
0xde: {  	s29 =	simm.s32 $0x1A00  }
0xdf: {  	[hbm4b:s7+s2] =	stream.indirect_vreg.scatter [tilespmem:s29], [sflag:$0x1], $0x80, v4, vm0, $0xb8;
	[tilespmem:$0x10200] =	vst v63  }
0xe0: {  	s28 =	simm.s32 $0x2200  }
0xe1: {  	[hbm4b:s3+s2] =	stream.indirect_vreg.scatter [tilespmem:s28], [sflag:$0x1], $0x80, v3, vm0, $0xb8;
	[tilespmem:$0x10200] =	vst v63  }
0xe2: {  	s28 =	simm.s32 $0x2A00  }
0xe3: {  	[hbm4b:s5+s2] =	stream.indirect_vreg.scatter [tilespmem:s28], [sflag:$0x1], $0x80, v3, vm0, $0xb8;
	[tilespmem:$0x10200] =	vst v63  }
0xe4: {  	s28 =	simm.s32 $0x3200  }
0xe5: {  	[hbm4b:s6+s2] =	stream.indirect_vreg.scatter [tilespmem:s28], [sflag:$0x1], $0x80, v3, vm0, $0xb8;
	[tilespmem:$0x10200] =	vst v63  }
0xe6: {  	s28 =	simm.s32 $0x3A00  }
0xe7: {  	[hbm4b:s7+s2] =	stream.indirect_vreg.scatter [tilespmem:s28], [sflag:$0x1], $0x80, v3, vm0, $0xb8;
	[tilespmem:$0x10200] =	vst v63  }
0xe8: {  	v3 =	vld [tilespmem:$0x90];
	_ =	sdelay $0x4  }
0xe9: {  	v57 =	vshll.u32 v3, $0x3  }
0xea: {  	v3 =	vand.u32 $0x7, v3;
	v4 =	vand.u32 $0xFFFFFFC0, v57  }
0xeb: {  	v3 =	vor.u32 v3, v4  }
0xec: {  	v4 =	vperm.xlane v3, v0;
	_ =	sdelay $0x1  }
0xed: {  	v4 =	vadd.s32 v1, v4;
	_ =	sdelay $0x4  }
0xee: {  	[hbm4b:s3+s2] =	stream.indirect_vreg.scatter [tilespmem:s17], [sflag:$0x1], $0x80, v4, vm0, $0xb8;
	[tilespmem:$0x10200] =	vst v63  }
0xef: {  	v3 =	vperm.xlane v3, v2  }
0xf0: {  	[hbm4b:s5+s2] =	stream.indirect_vreg.scatter [tilespmem:s18], [sflag:$0x1], $0x80, v4, vm0, $0xb8;
	[tilespmem:$0x10200] =	vst v63  }
0xf1: {  	v3 =	vadd.s32 v1, v3  }
0xf2: {  	[hbm4b:s6+s2] =	stream.indirect_vreg.scatter [tilespmem:s21], [sflag:$0x1], $0x80, v4, vm0, $0xb8;
	[tilespmem:$0x10200] =	vst v63  }
0xf3: {  	s20 =	simm.s32 $0x5A00  }
0xf4: {  	[hbm4b:s7+s2] =	stream.indirect_vreg.scatter [tilespmem:s20], [sflag:$0x1], $0x80, v4, vm0, $0xb8;
	[tilespmem:$0x10200] =	vst v63  }
0xf5: {  	_ = 	snop  }
0xf6: {  	[hbm4b:s3+s2] =	stream.indirect_vreg.scatter [tilespmem:s0], [sflag:$0x1], $0x80, v3, vm0, $0xb8;
	[tilespmem:$0x10200] =	vst v63  }
0xf7: {  	_ = 	snop  }
0xf8: {  	[hbm4b:s5+s2] =	stream.indirect_vreg.scatter [tilespmem:s1], [sflag:$0x1], $0x80, v3, vm0, $0xb8;
	[tilespmem:$0x10200] =	vst v63  }
0xf9: {  	_ = 	snop  }
0xfa: {  	[hbm4b:s6+s2] =	stream.indirect_vreg.scatter [tilespmem:s4], [sflag:$0x1], $0x80, v3, vm0, $0xb8;
	[tilespmem:$0x10200] =	vst v63  }
0xfb: {  	_ = 	snop  }
0xfc: {  	[hbm4b:s7+s2] =	stream.indirect_vreg.scatter [tilespmem:s14], [sflag:$0x1], $0x80, v3, vm0, $0xb8;
	[tilespmem:$0x10200] =	vst v63  }
0xfd: {  	v3 =	vld [tilespmem:$0xA0];
	_ =	sdelay $0x4  }
0xfe: {  	v58 =	vshll.u32 v3, $0x3  }
0xff: {  	v3 =	vand.u32 $0x7, v3;
	v4 =	vand.u32 $0xFFFFFFC0, v58  }
0x100: {  	v3 =	vor.u32 v3, v4  }
0x101: {  	v4 =	vperm.xlane v3, v0;
	_ =	sdelay $0x1  }
0x102: {  	v4 =	vadd.s32 v1, v4;
	_ =	sdelay $0x4  }
0x103: {  	[hbm4b:s3+s2] =	stream.indirect_vreg.scatter [tilespmem:s15], [sflag:$0x1], $0x80, v4, vm0, $0xb8;
	[tilespmem:$0x10200] =	vst v63  }
0x104: {  	v3 =	vperm.xlane v3, v2  }
0x105: {  	[hbm4b:s5+s2] =	stream.indirect_vreg.scatter [tilespmem:s16], [sflag:$0x1], $0x80, v4, vm0, $0xb8;
	[tilespmem:$0x10200] =	vst v63  }
0x106: {  	v3 =	vadd.s32 v1, v3  }
0x107: {  	[hbm4b:s6+s2] =	stream.indirect_vreg.scatter [tilespmem:s10], [sflag:$0x1], $0x80, v4, vm0, $0xb8;
	[tilespmem:$0x10200] =	vst v63  }
0x108: {  	_ = 	snop  }
0x109: {  	[hbm4b:s7+s2] =	stream.indirect_vreg.scatter [tilespmem:s11], [sflag:$0x1], $0x80, v4, vm0, $0xb8;
	[tilespmem:$0x10200] =	vst v63  }
0x10a: {  	_ = 	snop  }
0x10b: {  	[hbm4b:s3+s2] =	stream.indirect_vreg.scatter [tilespmem:s12], [sflag:$0x1], $0x80, v3, vm0, $0xb8;
	[tilespmem:$0x10200] =	vst v63  }
0x10c: {  	_ = 	snop  }
0x10d: {  	[hbm4b:s5+s2] =	stream.indirect_vreg.scatter [tilespmem:s13], [sflag:$0x1], $0x80, v3, vm0, $0xb8;
	[tilespmem:$0x10200] =	vst v63  }
0x10e: {  	s30 =	simm.s32 $0xB200  }
0x10f: {  	[hbm4b:s6+s2] =	stream.indirect_vreg.scatter [tilespmem:s30], [sflag:$0x1], $0x80, v3, vm0, $0xb8;
	[tilespmem:$0x10200] =	vst v63  }
0x110: {  	s10 =	simm.s32 $0xBA00  }
0x111: {  	[hbm4b:s7+s2] =	stream.indirect_vreg.scatter [tilespmem:s10], [sflag:$0x1], $0x80, v3, vm0, $0xb8;
	[tilespmem:$0x10200] =	vst v63  }
0x112: {  	v3 =	vld [tilespmem:$0xB0];
	_ =	sdelay $0x4  }
0x113: {  	v59 =	vshll.u32 v3, $0x3  }
0x114: {  	v3 =	vand.u32 $0x7, v3;
	v4 =	vand.u32 $0xFFFFFFC0, v59  }
0x115: {  	v3 =	vor.u32 v3, v4  }
0x116: {  	v4 =	vperm.xlane v3, v0;
	_ =	sdelay $0x1  }
0x117: {  	v4 =	vadd.s32 v1, v4;
	_ =	sdelay $0x3  }
0x118: {  	s10 =	simm.s32 $0xC200  }
0x119: {  	[hbm4b:s3+s2] =	stream.indirect_vreg.scatter [tilespmem:s10], [sflag:$0x1], $0x80, v4, vm0, $0xb8;
	[tilespmem:$0x10200] =	vst v63  }
0x11a: {  	s4 =	simm.s32 $0xCA00;
	v3 =	vperm.xlane v3, v2  }
0x11b: {  	[hbm4b:s5+s2] =	stream.indirect_vreg.scatter [tilespmem:s4], [sflag:$0x1], $0x80, v4, vm0, $0xb8;
	[tilespmem:$0x10200] =	vst v63  }
0x11c: {  	s23 =	simm.s32 $0xD200;
	v3 =	vadd.s32 v1, v3  }
0x11d: {  	[hbm4b:s6+s2] =	stream.indirect_vreg.scatter [tilespmem:s23], [sflag:$0x1], $0x80, v4, vm0, $0xb8;
	[tilespmem:$0x10200] =	vst v63  }
0x11e: {  	s31 =	simm.s32 $0xDA00  }
0x11f: {  	[hbm4b:s7+s2] =	stream.indirect_vreg.scatter [tilespmem:s31], [sflag:$0x1], $0x80, v4, vm0, $0xb8;
	[tilespmem:$0x10200] =	vst v63  }
0x120: {  	s0 =	simm.s32 $0xE200  }
0x121: {  	[hbm4b:s3+s2] =	stream.indirect_vreg.scatter [tilespmem:s0], [sflag:$0x1], $0x80, v3, vm0, $0xb8;
	[tilespmem:$0x10200] =	vst v63  }
0x122: {  	s25 =	simm.s32 $0xEA00  }
0x123: {  	[hbm4b:s5+s2] =	stream.indirect_vreg.scatter [tilespmem:s25], [sflag:$0x1], $0x80, v3, vm0, $0xb8;
	[tilespmem:$0x10200] =	vst v63  }
0x124: {  	s26 =	simm.s32 $0xF200  }
0x125: {  	[hbm4b:s6+s2] =	stream.indirect_vreg.scatter [tilespmem:s26], [sflag:$0x1], $0x80, v3, vm0, $0xb8;
	[tilespmem:$0x10200] =	vst v63  }
0x126: {  	s1 =	simm.s32 $0xFA00  }
0x127: {  	[hbm4b:s7+s2] =	stream.indirect_vreg.scatter [tilespmem:s1], [sflag:$0x1], $0x80, v3, vm0, $0xb8;
	[tilespmem:$0x10200] =	vst v63  }
0x128: {  	_ =	swait.ge [sflag:s19], $0x10000  }
0x129: {  	[sflag:s19] =	ssyncset.done $0x0  }
0x12a: {  	[sflag:s19] =	ssyncadd.s32 $0xFFFF0000  }
0x12b: {  	v3 =	vld [tilespmem:$0x180];
	_ =	sdelay $0x4  }
0x12c: {  	v60 =	vshll.u32 v3, $0x3  }
0x12d: {  	v3 =	vand.u32 $0x7, v3;
	v4 =	vand.u32 $0xFFFFFFC0, v60  }
0x12e: {  	v3 =	vor.u32 v3, v4  }
0x12f: {  	v4 =	vperm.xlane v3, v0;
	_ =	sdelay $0x1  }
0x130: {  	v4 =	vadd.s32 v1, v4;
	_ =	sdelay $0x4  }
0x131: {  	[hbm4b:s3+s2] =	stream.indirect_vreg.scatter [tilespmem:s22], [sflag:$0x1], $0x80, v4, vm0, $0xb8;
	[tilespmem:$0x10200] =	vst v63  }
0x132: {  	v3 =	vperm.xlane v3, v2;
	s22 =	simm.s32 $0xA00  }
0x133: {  	[hbm4b:s5+s2] =	stream.indirect_vreg.scatter [tilespmem:s22], [sflag:$0x1], $0x80, v4, vm0, $0xb8;
	[tilespmem:$0x10200] =	vst v63  }
0x134: {  	s24 =	simm.s32 $0x1200;
	v3 =	vadd.s32 v1, v3  }
0x135: {  	[hbm4b:s6+s2] =	stream.indirect_vreg.scatter [tilespmem:s24], [sflag:$0x1], $0x80, v4, vm0, $0xb8;
	[tilespmem:$0x10200] =	vst v63  }
0x136: {  	s29 =	simm.s32 $0x1A00  }
0x137: {  	[hbm4b:s7+s2] =	stream.indirect_vreg.scatter [tilespmem:s29], [sflag:$0x1], $0x80, v4, vm0, $0xb8;
	[tilespmem:$0x10200] =	vst v63  }
0x138: {  	s24 =	simm.s32 $0x2200  }
0x139: {  	[hbm4b:s3+s2] =	stream.indirect_vreg.scatter [tilespmem:s24], [sflag:$0x1], $0x80, v3, vm0, $0xb8;
	[tilespmem:$0x10200] =	vst v63  }
0x13a: {  	s29 =	simm.s32 $0x2A00  }
0x13b: {  	[hbm4b:s5+s2] =	stream.indirect_vreg.scatter [tilespmem:s29], [sflag:$0x1], $0x80, v3, vm0, $0xb8;
	[tilespmem:$0x10200] =	vst v63  }
0x13c: {  	s24 =	simm.s32 $0x3200  }
0x13d: {  	[hbm4b:s6+s2] =	stream.indirect_vreg.scatter [tilespmem:s24], [sflag:$0x1], $0x80, v3, vm0, $0xb8;
	[tilespmem:$0x10200] =	vst v63  }
0x13e: {  	s29 =	simm.s32 $0x3A00  }
0x13f: {  	[hbm4b:s7+s2] =	stream.indirect_vreg.scatter [tilespmem:s29], [sflag:$0x1], $0x80, v3, vm0, $0xb8;
	[tilespmem:$0x10200] =	vst v63  }
0x140: {  	v3 =	vld [tilespmem:$0x190];
	_ =	sdelay $0x4  }
0x141: {  	v61 =	vshll.u32 v3, $0x3  }
0x142: {  	v3 =	vand.u32 $0x7, v3;
	v4 =	vand.u32 $0xFFFFFFC0, v61  }
0x143: {  	v3 =	vor.u32 v3, v4  }
0x144: {  	v4 =	vperm.xlane v3, v0;
	_ =	sdelay $0x1  }
0x145: {  	v4 =	vadd.s32 v1, v4;
	_ =	sdelay $0x3  }
0x146: {  	s17 =	simm.s32 $0x4200  }
0x147: {  	[hbm4b:s3+s2] =	stream.indirect_vreg.scatter [tilespmem:s17], [sflag:$0x1], $0x80, v4, vm0, $0xb8;
	[tilespmem:$0x10200] =	vst v63  }
0x148: {  	s18 =	simm.s32 $0x4A00;
	v3 =	vperm.xlane v3, v2  }
0x149: {  	[hbm4b:s5+s2] =	stream.indirect_vreg.scatter [tilespmem:s18], [sflag:$0x1], $0x80, v4, vm0, $0xb8;
	[tilespmem:$0x10200] =	vst v63  }
0x14a: {  	v3 =	vadd.s32 v1, v3;
	s18 =	simm.s32 $0x5200  }
0x14b: {  	[hbm4b:s6+s2] =	stream.indirect_vreg.scatter [tilespmem:s18], [sflag:$0x1], $0x80, v4, vm0, $0xb8;
	[tilespmem:$0x10200] =	vst v63  }
0x14c: {  	_ = 	snop  }
0x14d: {  	[hbm4b:s7+s2] =	stream.indirect_vreg.scatter [tilespmem:s20], [sflag:$0x1], $0x80, v4, vm0, $0xb8;
	[tilespmem:$0x10200] =	vst v63  }
0x14e: {  	s21 =	simm.s32 $0x6200  }
0x14f: {  	[hbm4b:s3+s2] =	stream.indirect_vreg.scatter [tilespmem:s21], [sflag:$0x1], $0x80, v3, vm0, $0xb8;
	[tilespmem:$0x10200] =	vst v63  }
0x150: {  	s22 =	simm.s32 $0x6A00  }
0x151: {  	[hbm4b:s5+s2] =	stream.indirect_vreg.scatter [tilespmem:s22], [sflag:$0x1], $0x80, v3, vm0, $0xb8;
	[tilespmem:$0x10200] =	vst v63  }
0x152: {  	s24 =	simm.s32 $0x7200  }
0x153: {  	[hbm4b:s6+s2] =	stream.indirect_vreg.scatter [tilespmem:s24], [sflag:$0x1], $0x80, v3, vm0, $0xb8;
	[tilespmem:$0x10200] =	vst v63  }
0x154: {  	s14 =	simm.s32 $0x7A00  }
0x155: {  	[hbm4b:s7+s2] =	stream.indirect_vreg.scatter [tilespmem:s14], [sflag:$0x1], $0x80, v3, vm0, $0xb8;
	[tilespmem:$0x10200] =	vst v63  }
0x156: {  	v3 =	vld [tilespmem:$0x1A0];
	_ =	sdelay $0x4  }
0x157: {  	v62 =	vshll.u32 v3, $0x3  }
0x158: {  	v3 =	vand.u32 $0x7, v3;
	v4 =	vand.u32 $0xFFFFFFC0, v62  }
0x159: {  	v3 =	vor.u32 v3, v4  }
0x15a: {  	v4 =	vperm.xlane v3, v0;
	_ =	sdelay $0x1  }
0x15b: {  	v4 =	vadd.s32 v1, v4;
	_ =	sdelay $0x3  }
0x15c: {  	s15 =	simm.s32 $0x8200  }
0x15d: {  	[hbm4b:s3+s2] =	stream.indirect_vreg.scatter [tilespmem:s15], [sflag:$0x1], $0x80, v4, vm0, $0xb8;
	[tilespmem:$0x10200] =	vst v63  }
0x15e: {  	s16 =	simm.s32 $0x8A00;
	v3 =	vperm.xlane v3, v2  }
0x15f: {  	[hbm4b:s5+s2] =	stream.indirect_vreg.scatter [tilespmem:s16], [sflag:$0x1], $0x80, v4, vm0, $0xb8;
	[tilespmem:$0x10200] =	vst v63  }
0x160: {  	s29 =	simm.s32 $0x9200;
	v3 =	vadd.s32 v1, v3  }
0x161: {  	[hbm4b:s6+s2] =	stream.indirect_vreg.scatter [tilespmem:s29], [sflag:$0x1], $0x80, v4, vm0, $0xb8;
	[tilespmem:$0x10200] =	vst v63  }
0x162: {  	s11 =	simm.s32 $0x9A00  }
0x163: {  	[hbm4b:s7+s2] =	stream.indirect_vreg.scatter [tilespmem:s11], [sflag:$0x1], $0x80, v4, vm0, $0xb8;
	[tilespmem:$0x10200] =	vst v63  }
0x164: {  	s12 =	simm.s32 $0xA200  }
0x165: {  	[hbm4b:s3+s2] =	stream.indirect_vreg.scatter [tilespmem:s12], [sflag:$0x1], $0x80, v3, vm0, $0xb8;
	[tilespmem:$0x10200] =	vst v63  }
0x166: {  	s13 =	simm.s32 $0xAA00  }
0x167: {  	[hbm4b:s5+s2] =	stream.indirect_vreg.scatter [tilespmem:s13], [sflag:$0x1], $0x80, v3, vm0, $0xb8;
	[tilespmem:$0x10200] =	vst v63  }
0x168: {  	s28 =	simm.s32 $0xB200  }
0x169: {  	[hbm4b:s6+s2] =	stream.indirect_vreg.scatter [tilespmem:s28], [sflag:$0x1], $0x80, v3, vm0, $0xb8;
	[tilespmem:$0x10200] =	vst v63  }
0x16a: {  	s30 =	simm.s32 $0xBA00  }
0x16b: {  	[hbm4b:s7+s2] =	stream.indirect_vreg.scatter [tilespmem:s30], [sflag:$0x1], $0x80, v3, vm0, $0xb8;
	[tilespmem:$0x10200] =	vst v63  }
0x16c: {  	v3 =	vld [tilespmem:$0x1B0];
	_ =	sdelay $0x4  }
0x16d: {  	v63 =	vshll.u32 v3, $0x3  }
0x16e: {  	v3 =	vand.u32 $0x7, v3;
	v4 =	vand.u32 $0xFFFFFFC0, v63  }
0x16f: {  	v3 =	vor.u32 v3, v4  }
0x170: {  	v4 =	vperm.xlane v3, v0;
	_ =	sdelay $0x1  }
0x171: {  	v4 =	vadd.s32 v1, v4;
	_ =	sdelay $0x4  }
0x172: {  	[hbm4b:s3+s2] =	stream.indirect_vreg.scatter [tilespmem:s10], [sflag:$0x1], $0x80, v4, vm0, $0xb8;
	[tilespmem:$0x10200] =	vst v63  }
0x173: {  	v3 =	vperm.xlane v3, v2  }
0x174: {  	[hbm4b:s5+s2] =	stream.indirect_vreg.scatter [tilespmem:s4], [sflag:$0x1], $0x80, v4, vm0, $0xb8;
	[tilespmem:$0x10200] =	vst v63  }
0x175: {  	s23 =	simm.s32 $0xD200;
	v3 =	vadd.s32 v1, v3  }
0x176: {  	[hbm4b:s6+s2] =	stream.indirect_vreg.scatter [tilespmem:s23], [sflag:$0x1], $0x80, v4, vm0, $0xb8;
	[tilespmem:$0x10200] =	vst v63  }
0x177: {  	s31 =	simm.s32 $0xDA00  }
0x178: {  	[hbm4b:s7+s2] =	stream.indirect_vreg.scatter [tilespmem:s31], [sflag:$0x1], $0x80, v4, vm0, $0xb8;
	[tilespmem:$0x10200] =	vst v63  }
0x179: {  	_ = 	snop  }
0x17a: {  	[hbm4b:s3+s2] =	stream.indirect_vreg.scatter [tilespmem:s0], [sflag:$0x1], $0x80, v3, vm0, $0xb8;
	[tilespmem:$0x10200] =	vst v63  }
0x17b: {  	s25 =	simm.s32 $0xEA00  }
0x17c: {  	[hbm4b:s5+s2] =	stream.indirect_vreg.scatter [tilespmem:s25], [sflag:$0x1], $0x80, v3, vm0, $0xb8;
	[tilespmem:$0x10200] =	vst v63  }
0x17d: {  	p0 =	sne.s32 s8, $0x1;
	s26 =	simm.s32 $0xF200  }
0x17e: {  	[hbm4b:s6+s2] =	stream.indirect_vreg.scatter [tilespmem:s26], [sflag:$0x1], $0x80, v3, vm0, $0xb8;
	[tilespmem:$0x10200] =	vst v63  }
.Ltmp0:
0x17f: {  	_ = 	snop;
	(pc) =	sbr.rel @p0 .LBB2_1-.Ltmp0, $4  }
0x180: {  	[hbm4b:s7+s2] =	stream.indirect_vreg.scatter [tilespmem:s1], [sflag:$0x1], $0x80, v3, vm0, $0xb8;
	[tilespmem:$0x10200] =	vst v63  }
0x181: {  	_ =	swait.ge [sflag:s19], $0x10000  }
0x182: {  	[sflag:s19] =	ssyncset.done $0x0  }
0x183: {  	s8 =	sadd.s32 $0xFFFFFFFF, s8;
	[sflag:s19] =	ssyncadd.s32 $0xFFFF0000  }
0x184: {  	_ =	sfence.sel $0x180000  }
0x185: {  	[bflag:$0x0] =	sbarrier.arrive $0xFFFF  }
0x186: {  	_ =	strace $0x90000047  }
0x187: {  	s0 =	stileid.u32;
	[bflag:$0x2] =	sbarrier.arrive $0xFFFF  }
0x188: {  	p0 =	sne.s32 s0, $0x0;
	s0 =	rddreg [dreg:$0x3]  }
0x189: {  	s0 =	sadd.s32 @!p0 $0x100000, s0  }
0x18a: {  	[sflag:s0] =	ssyncadd.tile.s32 @!p0 $0x1;
	_ =	shalt  }
.Lfunc_end2:
_tile_overlayer_lowered:
.L_overlay_start_2:
0x18b: {  	(tag) =	ssettag $0x2  }
0x18c: {  	s0 =	rddreg [dreg:$0x0];
	s2 =	stileid.u32  }
0x18d: {  	s1 =	rddreg [dreg:$0x1];
	p0 =	sne.s32 s2, $0x0  }
0x18e: {  	s3 =	rddreg [dreg:$0x2];
	[bflag:$0x3] =	sbarrier.arrive $0xFFFF;
	s2 =	simm.s32 @!p0 $0x1C02  }
0x18f: {  	[timem:s3], [sflag:s2] =	dma.local @!p0 [hbm:s0], s1  }
0x190: {  	s0 =	simm.s32 @!p0 $0x2  }
0x191: {  	_ =	swait.ge @!p0 [sflag:s0], s1  }
0x192: {  	s1 =	ssub.s32 @!p0 $0x0, s1;
	[sflag:s0] =	ssyncset.done @!p0 $0x0  }
0x193: {  	[sflag:s0] =	ssyncadd.s32 @!p0 s1  }
0x194: {  	[bflag:$0x3] =	sbarrier.arrive $0xFFFF  }
0x195: {  	_ =	shalt  }

// kernel: kernel.9.cloned.1.call-start
scs
__scs_entry_jumppad:
0x0: {  	(pc) =	sbr.rel $0x88, $3  }
0x1: {  	(tag) =	ssettag $0x0;
	lr =	simm.s32 $0x1  }
0x2: {  	[smem:$0x3F9C] =	sst lr;
	_ =	strace $0xD0000000  }
0x3: {  	_ = 	snop  }
0x4: {  	_ = 	snop  }
0x5: {  	_ = 	snop  }
0x6: {  	_ = 	snop  }
0x7: {  	_ = 	snop  }
__scs_overlays_trampoline_lowered:
0x8: {  	[smem:$0x3FAB] =	sst s0  }
0x9: {  	[smem:$0x3FAC] =	sst s1  }
0xa: {  	[smem:$0x3FAD] =	sst s2  }
0xb: {  	[smem:$0x3FAE] =	sst s3  }
0xc: {  	[smem:$0x3FAF] =	sst s4  }
0xd: {  	[smem:$0x3FB0] =	sst s5  }
0xe: {  	[smem:$0x3FB1] =	sst s6  }
0xf: {  	[smem:$0x3FB2] =	sst s7  }
0x10: {  	[smem:$0x3FB3] =	sst s8  }
0x11: {  	[smem:$0x3FB4] =	sst s9;
	s0 =	simm.s32 @!p0 $0x0  }
0x12: {  	s1 =	sld [smem:$0x3F9A];
	s0 =	simm.s32 @p0 $0x1  }
0x13: {  	[smem:$0x3FB5] =	sst s0;
	s0 =	simm.s32 @!p1 $0x0  }
0x14: {  	s2 =	sld [smem:$0x3F99];
	s0 =	simm.s32 @p1 $0x1  }
0x15: {  	[smem:$0x3FB6] =	sst s0;
	s0 =	simm.s32 @!p2 $0x0  }
0x16: {  	s3 =	sld [smem:$0x3FDB];
	s0 =	simm.s32 @p2 $0x1  }
0x17: {  	s4 =	simm.s32 $0x1BF5;
	[smem:$0x3FB8] =	sst s0  }
0x18: {  	s0 =	sld [smem:$0x3F9B];
	_ =	swait.ge [sflag:s4], $0x0  }
0x19: {  	s7 =	sld [smem:$0x3F9C]  }
0x1a: {  	s8 =	sadd.s32 $0xFFFFE003, lr  }
0x1b: {  	s9 =	sadd.s32 $0xFFFFFEF7, lr;
	s5 =	simm.s32 $0xFFFFFFFF;
	p2 =	slt.u32 s8, $0xFFFFF086  }
0x1c: {  	p1 =	slt.u32 s9, $0xF7A;
	s5 =	simm.s32 @!p2 $0x0  }
0x1d: {  	s5 =	simm.s32 @p1 $0x1;
	p0 =	seq.s32 s7, s2  }
0x1e: {  	s7 =	smul.u32 @!p0 $0xF7A, s2;
	p2 =	seq.s32 @!p0 s5, $0x0  }
0x1f: {  	s9 =	smul.u32 $0xF7A, s1;
	s8 =	simm.s32 @!p0 $0x1BF5;
	p2 =	por !p2, p0  }
0x20: {  	[sflag:s8] =	ssyncset.s32 @!p0 $0xFFFFF086;
	s6 =	sadd.s32 @!p0 s3, s7;
	s7 =	simm.s32 @!p0 $0x108  }
0x21: {  	s3 =	sadd.s32 s3, s9;
	s6 =	sadd.s32 @!p0 $0x88, s6;
	s7 =	simm.s32 @p2 $0x1082  }
0x22: {  	[simem:s7], [sflag:s8] =	dma.local @!p0 [hbm:s6], $0xF7A  }
0x23: {  	s9 =	sor.u32 $0xD0000000, s2;
	s6 =	simm.s32 $0x108;
	_ =	swait.ge @!p0 [sflag:s8], $0x0  }
0x24: {  	s3 =	sadd.s32 $0x88, s3;
	s6 =	simm.s32 @!p1 $0x1082;
	[sflag:s4] =	ssyncset.s32 $0xFFFFF086  }
0x25: {  	[simem:s6], [sflag:s4] =	dma.local [hbm:s3], $0xF7A  }
0x26: {  	[smem:$0x3F9C] =	sst s1;
	(tag) =	ssettag s2;
	_ =	strace s9  }
0x27: {  	s1 =	sld [smem:$0x3FAC]  }
0x28: {  	s2 =	sld [smem:$0x3FAD]  }
0x29: {  	s4 =	sld [smem:$0x3FAF]  }
0x2a: {  	p0 =	seq.s32 s5, $0x0;
	s5 =	sld [smem:$0x3FB0]  }
0x2b: {  	s6 =	sld [smem:$0x3FB1]  }
0x2c: {  	s7 =	sld [smem:$0x3FB2]  }
0x2d: {  	s3 =	simm.s32 $0x108;
	s8 =	sld [smem:$0x3FB3]  }
0x2e: {  	s3 =	simm.s32 @!p0 $0x1082;
	s9 =	sld [smem:$0x3FB4]  }
0x2f: {  	lr =	sadd.s32 s0, s3;
	s0 =	sld [smem:$0x3FAB]  }
0x30: {  	s3 =	sld [smem:$0x3FAE]  }
0x31: {  	[smem:$0x3FB7] =	sst s10  }
0x32: {  	s10 =	sld [smem:$0x3FB5];
	_ =	sdelay $0x3  }
0x33: {  	p0 =	seq.s32 s10, $0x1;
	s10 =	sld [smem:$0x3FB7];
	_ =	sdelay $0x3  }
0x34: {  	[smem:$0x3FB7] =	sst s10  }
0x35: {  	s10 =	sld [smem:$0x3FB6];
	_ =	sdelay $0x3  }
0x36: {  	p1 =	seq.s32 s10, $0x1;
	s10 =	sld [smem:$0x3FB7];
	_ =	sdelay $0x3  }
0x37: {  	[smem:$0x3FB7] =	sst s10  }
0x38: {  	s10 =	sld [smem:$0x3FB8]  }
0x39: {  	_ = 	snop;
	(pc) =	sbr.ind lr, $3  }
0x3a: {  	_ = 	snop  }
0x3b: {  	_ = 	snop  }
0x3c: {  	p2 =	seq.s32 s10, $0x1;
	s10 =	sld [smem:$0x3FB7]  }
0x3d: {  	_ =	shalt  }
0x3e: {  	_ =	shalt  }
0x3f: {  	_ =	shalt  }
0x40: {  	_ =	shalt  }
0x41: {  	_ =	shalt  }
0x42: {  	_ =	shalt  }
0x43: {  	_ =	shalt  }
0x44: {  	_ =	shalt  }
0x45: {  	_ =	shalt  }
0x46: {  	_ =	shalt  }
0x47: {  	_ =	shalt  }
0x48: {  	_ =	shalt  }
0x49: {  	_ =	shalt  }
0x4a: {  	_ =	shalt  }
0x4b: {  	_ =	shalt  }
0x4c: {  	_ =	shalt  }
0x4d: {  	_ =	shalt  }
0x4e: {  	_ =	shalt  }
0x4f: {  	_ =	shalt  }
0x50: {  	_ =	shalt  }
0x51: {  	_ =	shalt  }
0x52: {  	_ =	shalt  }
0x53: {  	_ =	shalt  }
0x54: {  	_ =	shalt  }
0x55: {  	_ =	shalt  }
0x56: {  	_ =	shalt  }
0x57: {  	_ =	shalt  }
0x58: {  	_ =	shalt  }
0x59: {  	_ =	shalt  }
0x5a: {  	_ =	shalt  }
0x5b: {  	_ =	shalt  }
0x5c: {  	_ =	shalt  }
0x5d: {  	_ =	shalt  }
0x5e: {  	_ =	shalt  }
0x5f: {  	_ =	shalt  }
0x60: {  	_ =	shalt  }
0x61: {  	_ =	shalt  }
0x62: {  	_ =	shalt  }
0x63: {  	_ =	shalt  }
0x64: {  	_ =	shalt  }
0x65: {  	_ =	shalt  }
0x66: {  	_ =	shalt  }
0x67: {  	_ =	shalt  }
0x68: {  	_ =	shalt  }
0x69: {  	_ =	shalt  }
0x6a: {  	_ =	shalt  }
0x6b: {  	_ =	shalt  }
0x6c: {  	_ =	shalt  }
0x6d: {  	_ =	shalt  }
0x6e: {  	_ =	shalt  }
0x6f: {  	_ =	shalt  }
0x70: {  	_ =	shalt  }
0x71: {  	_ =	shalt  }
0x72: {  	_ =	shalt  }
0x73: {  	_ =	shalt  }
0x74: {  	_ =	shalt  }
0x75: {  	_ =	shalt  }
0x76: {  	_ =	shalt  }
0x77: {  	_ =	shalt  }
0x78: {  	_ =	shalt  }
0x79: {  	_ =	shalt  }
0x7a: {  	_ =	shalt  }
0x7b: {  	_ =	shalt  }
0x7c: {  	_ =	shalt  }
0x7d: {  	_ =	shalt  }
0x7e: {  	_ =	shalt  }
0x7f: {  	_ =	shalt  }
0x80: {  	_ =	shalt  }
0x81: {  	_ =	shalt  }
0x82: {  	_ =	shalt  }
0x83: {  	_ =	shalt  }
0x84: {  	_ =	shalt  }
0x85: {  	_ =	shalt  }
0x86: {  	_ =	shalt  }
0x87: {  	_ =	shalt  }
.Lfunc_end0:
.L_simem_size_0:
called_computation.1_lowered:
.L_overlay_start_0:
0x88: {  	s2 =	sld [smem:$0x3FD9]  }
0x89: {  	s3 =	sld [smem:$0x3FFE];
	_ =	sdelay $0x1  }
0x8a: {  	s1 =	srdreg.scid  }
0x8b: {  	s0 =	sand.u32 $0x1, s1  }
0x8c: {  	s17 =	sshll.u32 s0, $0xA;
	s2 =	sadd.s32 s3, s2  }
0x8d: {  	s2 =	sadd.s32 s2, s17  }
0x8e: {  	[smem:$0x3FC3] =	sst s2  }
0x8f: {  	_ = 	snop  }
0x90: {  	s2 =	sld [smem:$0x3FD0];
	(tm) =	ssettm $0x1  }
0x91: {  	s18 =	sld [smem:$0x3FFB];
	_ =	sdelay $0x3  }
0x92: {  	_ =	strace s18  }
0x93: {  	s3 =	sld [smem:$0x3FFC];
	_ =	sdelay $0x3  }
0x94: {  	_ =	strace s3  }
0x95: {  	s3 =	sld [smem:$0x3FFD];
	_ =	sdelay $0x3  }
0x96: {  	_ =	strace s3  }
0x97: {  	_ =	strace $0x8FFFFFFF  }
0x98: {  	s19 =	sld [smem:$0x3FDB];
	_ =	sdelay $0x1  }
0x99: {  	s4 =	simm.s32 $_scs_section_size  }
0x9a: {  	s5 =	simm.s32 $_size__tile_overlayer_lowered;
	s6 =	simm.s32 $_tile_overlayer_lowered  }
0x9b: {  	s22 =	simm.s32 $0x1BFF;
	s21 =	sshll.u32 s6, $0x1;
	s3 =	sadd.s32 s4, s19  }
0x9c: {  	s7 =	simm.s32 $0x0;
	s20 =	sshll.u32 s5, $0x1;
	s5 =	sadd.s32 s21, s3  }
0x9d: {  	[timem:s7], [sflag:s22] =	dma.local [hbm:s5], s20  }
0x9e: {  	_ =	swait.ge [sflag:s22], s20  }
0x9f: {  	s4 =	ssub.s32 $0x0, s20;
	[sflag:s22] =	ssyncset.done $0x0  }
0xa0: {  	[sflag:s22] =	ssyncadd.s32 s4;
	_ =	sdelay $0x1  }
0xa1: {  	s23 =	simm.s32 $0x1B8B  }
0xa2: {  	_ =	swait.ge [sflag:s23], $0x1  }
0xa3: {  	[sflag:s23] =	ssyncset.done $0x0  }
0xa4: {  	s25 =	simm.s32 $0x1B8E;
	s24 =	sld [smem:$0x3FFE];
	[sflag:s23] =	ssyncadd.s32 $0xFFFFFFFF  }
0xa5: {  	s26 =	simm.s32 $execute0_lowered;
	[smem:$0x3FD2] =	sst s25  }
0xa6: {  	s5 =	sshll.u32 s26, $0x1;
	_ =	strace $0x80000049;
	[dreg:$0x1] =	wrdreg $0xFFFFFFFF  }
0xa7: {  	s28 =	simm.s32 $_size_execute0_lowered;
	s3 =	sadd.s32 s3, s5;
	[dreg:$0x0] =	wrdreg $0x0  }
0xa8: {  	s5 =	sshll.u32 s28, $0x1;
	[dreg:$0x2] =	wrdreg s3  }
0xa9: {  	[dreg:$0x3] =	wrdreg s5  }
0xaa: {  	[dreg:$0x4] =	wrdreg $0xC0  }
0xab: {  	_ =	task [dreg:s7], $0x5FFFF  }
0xac: {  	[dreg:$0x1] =	wrdreg $0xFFFFFFFF  }
0xad: {  	[dreg:$0x0] =	wrdreg $0x60  }
0xae: {  	[dreg:$0x2] =	wrdreg s24  }
0xaf: {  	[dreg:$0x3] =	wrdreg s2  }
0xb0: {  	[dreg:$0x4] =	wrdreg $0x9  }
0xb1: {  	_ =	task.clear_ibuf [dreg:s7], $0x5FFFF;
	_ =	strace $0x90000049  }
0xb2: {  	s29 =	simm.s32 $0x9;
	_ =	strace $0x8000004B  }
0xb3: {  	_ =	swait.ge [sflag:s29], $0x1  }
0xb4: {  	[sflag:s29] =	ssyncadd.s32 $0xFFFFFFFF  }
0xb5: {  	_ =	strace $0x9000004B  }
0xb6: {  	_ =	sfence  }
0xb7: {  	s30 =	sld [smem:$0x0];
	_ =	sdelay $0x2  }
0xb8: {  	s31 =	sshll.u32 s1, $0xD;
	s1 =	sshrl.u32 s1, $0x2  }
0xb9: {  	s3 =	sand.u32 $0x4000, s31;
	s1 =	sadd.s32 s1, s30  }
0xba: {  	s0 =	sor.u32 s3, s0;
	s1 =	sshll.u32 s1, $0x11  }
0xbb: {  	s0 =	sor.u32 s1, s0  }
0xbc: {  	s0 =	sadd.s32 $0x8F2B, s0  }
0xbd: {  	[sflag:s0] =	ssyncadd.remote.s32 $0x1  }
0xbe: {  	_ =	sfence.sel $0xFFFF  }
0xbf: {  	[dreg:$0x0] =	wrdreg $0xFFFFFFFF;
	(pc) =	sbr.abs _section_cstart, $3  }
0xc0: {  	[dreg:$0x1] =	wrdreg $0xFFFFFFFF  }
0xc1: {  	_ =	task.clear_ibuf [dreg:s7], $0x2FFFF;
	_ =	strace $0x9FFFFFFF  }
0xc2: {  	(tm) =	ssettm $0x7FFFFFFF  }
0xc3: {  	_ =	shalt  }
tec
execute0_lowered:
.L_overlay_start_1:
0x0: {  	(tag) =	ssettag $0x1  }
0x1: {  	s0 =	rddreg [dreg:$0x0]  }
0x2: {  	s1 =	rddreg [dreg:$0x1];
	s2 =	simm.s32 $0x0  }
0x3: {  	s3 =	srdreg.scid;
	s4 =	stileid.u32;
	s16 =	simm.s32 $0x2  }
0x4: {  	s20 =	simm.s32 $0x8400;
	s12 =	simm.s32 $0x11400;
	s13 =	simm.s32 $0x11C00  }
0x5: {  	s14 =	simm.s32 $0x12400;
	s15 =	simm.s32 $0x12C00;
	s11 =	simm.s32 $0x13C00  }
0x6: {  	s21 =	simm.s32 $0x14400;
	s22 =	simm.s32 $0x14C00;
	s28 =	simm.s32 $0x17400  }
0x7: {  	s29 =	simm.s32 $0x17C00;
	s30 =	simm.s32 $0x0;
	[smem:$0x7FF] =	sst s2  }
0x8: {  	s3 =	sand.u32 $0x1, s3;
	s4 =	sshll.u32 s4, $0x1;
	s9 =	sadd.s32 $0x141600, s0  }
0x9: {  	s10 =	sadd.s32 $0x141700, s0;
	_ =	strace $0x8000004A;
	s4 =	sor.u32 s3, s4  }
0xa: {  	s5 =	ssub.s32 $0x2, s3;
	s3 =	sadd.s32 $0x141400, s0;
	s23 =	sshll.u32 s4, $0xB  }
0xb: {  	s6 =	sshll.u32 s4, $0x6;
	s4 =	sshll.u32 s4, $0xE;
	s24 =	sadd.s32 s0, s23  }
0xc: {  	s6 =	sadd.s32 s6, s0;
	s25 =	sadd.s32 s1, s4;
	[dreg:$0x5] =	wrdreg s24  }
0xd: {  	s7 =	sshrl.u32 s5, $0x1;
	s8 =	sadd.s32 $0x140400, s6;
	[dreg:$0x7] =	wrdreg s25  }
0xe: {  	s5 =	ssub.s32 s5, s7;
	s6 =	sadd.s32 $0x140C00, s6;
	[dreg:$0x3] =	wrdreg s8  }
0xf: {  	s4 =	simm.s32 $0x1;
	s1 =	sadd.s32 $0x1000, s25;
	[dreg:$0x4] =	wrdreg s6  }
0x10: {  	s23 =	simm.s32 $0x15400;
	s26 =	sadd.s32 $0x2000, s25;
	[dreg:$0x8] =	wrdreg s1  }
0x11: {  	s31 =	smax.u32 s5, $0x1;
	s6 =	sadd.s32 $0x10000, s24;
	[dreg:$0x9] =	wrdreg s26  }
0x12: {  	v2 =	vlaneseq.u32;
	s8 =	sadd.s32 $0x141500, s0;
	s0 =	sadd.s32 $0x3000, s25;
	[dreg:$0xb] =	wrdreg s31  }
0x13: {  	vm0 =	vmmov $0xffff;
	v1 =	vshrl.u32 v2, $0x3;
	s24 =	simm.s32 $0x15C00;
	s25 =	simm.s32 $0x16400;
	[dreg:$0x6] =	wrdreg s6  }
0x14: {  	v0 =	vand.u32 $0x7, v2;
	v2 =	vor.u32 $0x8, v2;
	v1 =	vmul.u32 $0x8, v1;
	s26 =	simm.s32 $0x16C00;
	[dreg:$0xa] =	wrdreg s0;
	s6 =	simm.s32 $0x13400  }
.LBB2_1:
0x15: {  	s0 =	rddreg [dreg:$0x3]  }
0x16: {  	[tilespmem:s2], [sflag:$0x2] =	stream.linear.gather [hbm4b:s0+s2], $0x200, $0x38;
	[tilespmem:$0x18400] =	vst v63  }
0x17: {  	_ =	swait.ge [sflag:s16], $0x200  }
0x18: {  	[sflag:s16] =	ssyncset.done $0x0  }
0x19: {  	s1 =	simm.s32 $0x200;
	s5 =	rddreg [dreg:$0x4];
	[sflag:s16] =	ssyncadd.s32 $0xFFFFFE00  }
0x1a: {  	[tilespmem:s1], [sflag:$0x2] =	stream.linear.gather [hbm4b:s5+s2], $0x200, $0x38;
	[tilespmem:$0x18400] =	vst v63  }
0x1b: {  	_ =	swait.ge [sflag:s16], $0x200  }
0x1c: {  	[sflag:s16] =	ssyncset.done $0x0  }
0x1d: {  	s17 =	simm.s32 $0x400;
	s7 =	rddreg [dreg:$0x6];
	[sflag:s16] =	ssyncadd.s32 $0xFFFFFE00  }
0x1e: {  	[tilespmem:s17], [sflag:$0x2] =	stream.linear.gather [hbm4b:s7+s2], $0x4000, $0x38;
	[tilespmem:$0x18400] =	vst v63  }
0x1f: {  	_ =	swait.ge [sflag:s16], $0x4000  }
0x20: {  	[sflag:s16] =	ssyncset.done $0x0  }
0x21: {  	s19 =	simm.s32 $0x4400;
	s18 =	rddreg [dreg:$0x5];
	[sflag:s16] =	ssyncadd.s32 $0xFFFFC000  }
0x22: {  	[tilespmem:s19], [sflag:$0x2] =	stream.linear.gather [hbm4b:s18+s2], $0x4000, $0x38;
	[tilespmem:$0x18400] =	vst v63  }
0x23: {  	_ =	swait.ge [sflag:s16], $0x4000  }
0x24: {  	[sflag:s16] =	ssyncset.done $0x0  }
0x25: {  	[sflag:s16] =	ssyncadd.s32 $0xFFFFC000  }
0x26: {  	v3 =	vld [tilespmem:$0x0];
	_ =	sdelay $0x4  }
0x27: {  	v4 =	vshll.u32 v3, $0x3  }
0x28: {  	v3 =	vand.u32 $0x7, v3;
	v4 =	vand.u32 $0xFFFFFFC0, v4  }
0x29: {  	v3 =	vor.u32 v3, v4  }
0x2a: {  	v4 =	vperm.xlane v3, v0;
	_ =	sdelay $0x1  }
0x2b: {  	v4 =	vadd.s32 v1, v4;
	_ =	sdelay $0x4  }
0x2c: {  	[tilespmem:s20], [sflag:$0x1] =	stream.indirect_vreg.gather [hbm4b:s3+s2], $0x80, v4, vm0, $0xb8;
	[tilespmem:$0x18400] =	vst v63  }
0x2d: {  	s5 =	simm.s32 $0x8C00;
	v3 =	vperm.xlane v3, v2  }
0x2e: {  	[tilespmem:s5], [sflag:$0x1] =	stream.indirect_vreg.gather [hbm4b:s8+s2], $0x80, v4, vm0, $0xb8;
	[tilespmem:$0x18400] =	vst v63  }
0x2f: {  	s7 =	simm.s32 $0x9400;
	v3 =	vadd.s32 v1, v3  }
0x30: {  	[tilespmem:s7], [sflag:$0x1] =	stream.indirect_vreg.gather [hbm4b:s9+s2], $0x80, v4, vm0, $0xb8;
	[tilespmem:$0x18400] =	vst v63  }
0x31: {  	s17 =	simm.s32 $0x9C00  }
0x32: {  	[tilespmem:s17], [sflag:$0x1] =	stream.indirect_vreg.gather [hbm4b:s10+s2], $0x80, v4, vm0, $0xb8;
	[tilespmem:$0x18400] =	vst v63  }
0x33: {  	s18 =	simm.s32 $0xA400  }
0x34: {  	[tilespmem:s18], [sflag:$0x1] =	stream.indirect_vreg.gather [hbm4b:s3+s2], $0x80, v3, vm0, $0xb8;
	[tilespmem:$0x18400] =	vst v63  }
0x35: {  	s19 =	simm.s32 $0xAC00  }
0x36: {  	[tilespmem:s19], [sflag:$0x1] =	stream.indirect_vreg.gather [hbm4b:s8+s2], $0x80, v3, vm0, $0xb8;
	[tilespmem:$0x18400] =	vst v63  }
0x37: {  	s1 =	simm.s32 $0xB400  }
0x38: {  	[tilespmem:s1], [sflag:$0x1] =	stream.indirect_vreg.gather [hbm4b:s9+s2], $0x80, v3, vm0, $0xb8;
	[tilespmem:$0x18400] =	vst v63  }
0x39: {  	s5 =	simm.s32 $0xBC00  }
0x3a: {  	[tilespmem:s5], [sflag:$0x1] =	stream.indirect_vreg.gather [hbm4b:s10+s2], $0x80, v3, vm0, $0xb8;
	[tilespmem:$0x18400] =	vst v63  }
0x3b: {  	v3 =	vld [tilespmem:$0x10];
	_ =	sdelay $0x4  }
0x3c: {  	v61 =	vshll.u32 v3, $0x3  }
0x3d: {  	v3 =	vand.u32 $0x7, v3;
	v4 =	vand.u32 $0xFFFFFFC0, v61  }
0x3e: {  	v3 =	vor.u32 v3, v4  }
0x3f: {  	v4 =	vperm.xlane v3, v0;
	_ =	sdelay $0x1  }
0x40: {  	v4 =	vadd.s32 v1, v4;
	_ =	sdelay $0x3  }
0x41: {  	s7 =	simm.s32 $0xC400  }
0x42: {  	[tilespmem:s7], [sflag:$0x1] =	stream.indirect_vreg.gather [hbm4b:s3+s2], $0x80, v4, vm0, $0xb8;
	[tilespmem:$0x18400] =	vst v63  }
0x43: {  	s17 =	simm.s32 $0xCC00;
	v3 =	vperm.xlane v3, v2  }
0x44: {  	[tilespmem:s17], [sflag:$0x1] =	stream.indirect_vreg.gather [hbm4b:s8+s2], $0x80, v4, vm0, $0xb8;
	[tilespmem:$0x18400] =	vst v63  }
0x45: {  	s18 =	simm.s32 $0xD400;
	v3 =	vadd.s32 v1, v3  }
0x46: {  	[tilespmem:s18], [sflag:$0x1] =	stream.indirect_vreg.gather [hbm4b:s9+s2], $0x80, v4, vm0, $0xb8;
	[tilespmem:$0x18400] =	vst v63  }
0x47: {  	s19 =	simm.s32 $0xDC00  }
0x48: {  	[tilespmem:s19], [sflag:$0x1] =	stream.indirect_vreg.gather [hbm4b:s10+s2], $0x80, v4, vm0, $0xb8;
	[tilespmem:$0x18400] =	vst v63  }
0x49: {  	s1 =	simm.s32 $0xE400  }
0x4a: {  	[tilespmem:s1], [sflag:$0x1] =	stream.indirect_vreg.gather [hbm4b:s3+s2], $0x80, v3, vm0, $0xb8;
	[tilespmem:$0x18400] =	vst v63  }
0x4b: {  	s5 =	simm.s32 $0xEC00  }
0x4c: {  	[tilespmem:s5], [sflag:$0x1] =	stream.indirect_vreg.gather [hbm4b:s8+s2], $0x80, v3, vm0, $0xb8;
	[tilespmem:$0x18400] =	vst v63  }
0x4d: {  	s7 =	simm.s32 $0xF400  }
0x4e: {  	[tilespmem:s7], [sflag:$0x1] =	stream.indirect_vreg.gather [hbm4b:s9+s2], $0x80, v3, vm0, $0xb8;
	[tilespmem:$0x18400] =	vst v63  }
0x4f: {  	s17 =	simm.s32 $0xFC00  }
0x50: {  	[tilespmem:s17], [sflag:$0x1] =	stream.indirect_vreg.gather [hbm4b:s10+s2], $0x80, v3, vm0, $0xb8;
	[tilespmem:$0x18400] =	vst v63  }
0x51: {  	_ =	swait.ge [sflag:s4], $0x8000  }
0x52: {  	[sflag:s4] =	ssyncset.done $0x0  }
0x53: {  	[sflag:s4] =	ssyncadd.s32 $0xFFFF8000  }
0x54: {  	v3 =	vld [tilespmem:$0x200];
	_ =	sdelay $0x4  }
0x55: {  	v62 =	vshll.u32 v3, $0x3  }
0x56: {  	v3 =	vand.u32 $0x7, v3;
	v4 =	vand.u32 $0xFFFFFFC0, v62  }
0x57: {  	v3 =	vor.u32 v3, v4  }
0x58: {  	v4 =	vperm.xlane v3, v0;
	_ =	sdelay $0x1  }
0x59: {  	v4 =	vadd.s32 v1, v4;
	_ =	sdelay $0x3  }
0x5a: {  	s18 =	simm.s32 $0x10400  }
0x5b: {  	[tilespmem:s18], [sflag:$0x1] =	stream.indirect_vreg.gather [hbm4b:s3+s2], $0x80, v4, vm0, $0xb8;
	[tilespmem:$0x18400] =	vst v63  }
0x5c: {  	s19 =	simm.s32 $0x10C00;
	v3 =	vperm.xlane v3, v2  }
0x5d: {  	[tilespmem:s19], [sflag:$0x1] =	stream.indirect_vreg.gather [hbm4b:s8+s2], $0x80, v4, vm0, $0xb8;
	[tilespmem:$0x18400] =	vst v63  }
0x5e: {  	v3 =	vadd.s32 v1, v3  }
0x5f: {  	[tilespmem:s12], [sflag:$0x1] =	stream.indirect_vreg.gather [hbm4b:s9+s2], $0x80, v4, vm0, $0xb8;
	[tilespmem:$0x18400] =	vst v63  }
0x60: {  	_ = 	snop  }
0x61: {  	[tilespmem:s13], [sflag:$0x1] =	stream.indirect_vreg.gather [hbm4b:s10+s2], $0x80, v4, vm0, $0xb8;
	[tilespmem:$0x18400] =	vst v63  }
0x62: {  	_ = 	snop  }
0x63: {  	[tilespmem:s14], [sflag:$0x1] =	stream.indirect_vreg.gather [hbm4b:s3+s2], $0x80, v3, vm0, $0xb8;
	[tilespmem:$0x18400] =	vst v63  }
0x64: {  	_ = 	snop  }
0x65: {  	[tilespmem:s15], [sflag:$0x1] =	stream.indirect_vreg.gather [hbm4b:s8+s2], $0x80, v3, vm0, $0xb8;
	[tilespmem:$0x18400] =	vst v63  }
0x66: {  	_ = 	snop  }
0x67: {  	[tilespmem:s6], [sflag:$0x1] =	stream.indirect_vreg.gather [hbm4b:s9+s2], $0x80, v3, vm0, $0xb8;
	[tilespmem:$0x18400] =	vst v63  }
0x68: {  	_ = 	snop  }
0x69: {  	[tilespmem:s11], [sflag:$0x1] =	stream.indirect_vreg.gather [hbm4b:s10+s2], $0x80, v3, vm0, $0xb8;
	[tilespmem:$0x18400] =	vst v63  }
0x6a: {  	v3 =	vld [tilespmem:$0x210];
	_ =	sdelay $0x4  }
0x6b: {  	v63 =	vshll.u32 v3, $0x3  }
0x6c: {  	v3 =	vand.u32 $0x7, v3;
	v4 =	vand.u32 $0xFFFFFFC0, v63  }
0x6d: {  	v3 =	vor.u32 v3, v4  }
0x6e: {  	v4 =	vperm.xlane v3, v0;
	_ =	sdelay $0x1  }
0x6f: {  	v4 =	vadd.s32 v1, v4;
	_ =	sdelay $0x4  }
0x70: {  	[tilespmem:s21], [sflag:$0x1] =	stream.indirect_vreg.gather [hbm4b:s3+s2], $0x80, v4, vm0, $0xb8;
	[tilespmem:$0x18400] =	vst v63  }
0x71: {  	v3 =	vperm.xlane v3, v2  }
0x72: {  	[tilespmem:s22], [sflag:$0x1] =	stream.indirect_vreg.gather [hbm4b:s8+s2], $0x80, v4, vm0, $0xb8;
	[tilespmem:$0x18400] =	vst v63  }
0x73: {  	v3 =	vadd.s32 v1, v3  }
0x74: {  	[tilespmem:s23], [sflag:$0x1] =	stream.indirect_vreg.gather [hbm4b:s9+s2], $0x80, v4, vm0, $0xb8;
	[tilespmem:$0x18400] =	vst v63  }
0x75: {  	_ = 	snop  }
0x76: {  	[tilespmem:s24], [sflag:$0x1] =	stream.indirect_vreg.gather [hbm4b:s10+s2], $0x80, v4, vm0, $0xb8;
	[tilespmem:$0x18400] =	vst v63  }
0x77: {  	_ = 	snop  }
0x78: {  	[tilespmem:s25], [sflag:$0x1] =	stream.indirect_vreg.gather [hbm4b:s3+s2], $0x80, v3, vm0, $0xb8;
	[tilespmem:$0x18400] =	vst v63  }
0x79: {  	_ = 	snop  }
0x7a: {  	[tilespmem:s26], [sflag:$0x1] =	stream.indirect_vreg.gather [hbm4b:s8+s2], $0x80, v3, vm0, $0xb8;
	[tilespmem:$0x18400] =	vst v63  }
0x7b: {  	_ = 	snop  }
0x7c: {  	[tilespmem:s28], [sflag:$0x1] =	stream.indirect_vreg.gather [hbm4b:s9+s2], $0x80, v3, vm0, $0xb8;
	[tilespmem:$0x18400] =	vst v63  }
0x7d: {  	_ = 	snop  }
0x7e: {  	[tilespmem:s29], [sflag:$0x1] =	stream.indirect_vreg.gather [hbm4b:s10+s2], $0x80, v3, vm0, $0xb8;
	[tilespmem:$0x18400] =	vst v63  }
0x7f: {  	_ =	swait.ge [sflag:s4], $0x8000  }
0x80: {  	[sflag:s4] =	ssyncset.done $0x0  }
0x81: {  	s31 =	simm.s32 $0x0;
	[sflag:s4] =	ssyncadd.s32 $0xFFFF8000  }
.LBB2_2:
0x82: {  	s1 =	sshll.u32 s31, $0x7;
	s0 =	sshll.u32 s31, $0xA  }
0x83: {  	s7 =	simm.s32 $0x0;
	s0 =	sand.u32 $0x6000, s0;
	s5 =	sand.u32 $0x380, s1  }
0x84: {  	s19 =	sand.u32 $0x1C00, s7;
	s0 =	sor.u32 s0, s5  }
0x85: {  	v3 =	vld [tilespmem:s1+$0x400];
	s7 =	sand.u32 $0x70, s7;
	s5 =	sor.u32 s19, s0  }
0x86: {  	v4 =	vld [tilespmem:s1+$0x4400];
	s1 =	sor.u32 s7, s5  }
0x87: {  	v5 =	vld [tilespmem:s1+$0x10400]  }
0x88: {  	v6 =	vld [tilespmem:s1+$0x8400];
	_ =	sdelay $0x4  }
0x89: {  	s17 =	simm.s32 $0x80;
	v6 =	vmul.f32 v6, v3;
	v5 =	vmul.f32 v5, v4  }
0x8a: {  	s18 =	sand.u32 $0x1C00, s17;
	s7 =	simm.s32 $0x10  }
0x8b: {  	s5 =	sor.u32 s18, s0;
	s18 =	simm.s32 $0x20;
	s19 =	sand.u32 $0x70, s7;
	v5 =	vadd.f32 v5, v6  }
.LBB2_3:
0x8c: {  	p0 =	sne.s32 s18, $0x3F0;
	s5 =	sor.u32 s19, s5  }
0x8d: {  	v6 =	vld [tilespmem:s5+$0x10400];
	[tilespmem:s1+$0x8400] =	vst v5;
	s1 =	smov.u32 s5  }
0x8e: {  	v5 =	vld [tilespmem:s1+$0x8400];
	_ =	sdelay $0x2  }
.Ltmp0:
0x8f: {  	(pc) =	sbr.rel @p0 .LBB2_3-.Ltmp0, $4  }
0x90: {  	_ = 	snop  }
0x91: {  	s17 =	sadd.s32 $0x80, s17;
	v6 =	vmul.f32 v6, v4;
	v5 =	vmul.f32 v5, v3  }
0x92: {  	s5 =	sand.u32 $0x1C00, s17  }
0x93: {  	s19 =	sand.u32 $0x70, s18;
	s18 =	sadd.s32 $0x10, s18;
	s5 =	sor.u32 s5, s0;
	v5 =	vadd.f32 v6, v5  }
0x94: {  	s0 =	sor.u32 s19, s5  }
0x95: {  	v6 =	vld [tilespmem:s0+$0x10400];
	[tilespmem:s1+$0x8400] =	vst v5  }
0x96: {  	v5 =	vld [tilespmem:s0+$0x8400];
	_ =	sdelay $0x2  }
0x97: {  	s31 =	sadd.s32 $0x1, s31  }
0x98: {  	p0 =	sne.s32 s31, $0x20  }
.Ltmp1:
0x99: {  	v4 =	vmul.f32 v6, v4;
	v3 =	vmul.f32 v5, v3;
	(pc) =	sbr.rel @p0 .LBB2_2-.Ltmp1, $3  }
0x9a: {  	_ = 	snop  }
0x9b: {  	v3 =	vadd.f32 v4, v3;
	_ =	sdelay $0x1  }
0x9c: {  	[tilespmem:s0+$0x8400] =	vst v3  }
0x9d: {  	s31 =	simm.s32 $0x0;
	s0 =	rddreg [dreg:$0x7]  }
0x9e: {  	[hbm4b:s0+s31] =	stream.linear.scatter [tilespmem:s20], [sflag:$0x2], $0x8000, $0x38;
	[tilespmem:$0x18400] =	vst v63  }
0x9f: {  	_ =	swait.ge [sflag:s16], $0x8000  }
0xa0: {  	[sflag:s16] =	ssyncset.done $0x0  }
0xa1: {  	[sflag:s16] =	ssyncadd.s32 $0xFFFF8000  }
0xa2: {  	v3 =	vld [tilespmem:$0x80];
	_ =	sdelay $0x4  }
0xa3: {  	v4 =	vshll.u32 v3, $0x3  }
0xa4: {  	v3 =	vand.u32 $0x7, v3;
	v4 =	vand.u32 $0xFFFFFFC0, v4  }
0xa5: {  	v3 =	vor.u32 v3, v4  }
0xa6: {  	v4 =	vperm.xlane v3, v0;
	_ =	sdelay $0x1  }
0xa7: {  	v4 =	vadd.s32 v1, v4;
	_ =	sdelay $0x4  }
0xa8: {  	[tilespmem:s20], [sflag:$0x1] =	stream.indirect_vreg.gather [hbm4b:s3+s31], $0x80, v4, vm0, $0xb8;
	[tilespmem:$0x18400] =	vst v63  }
0xa9: {  	s5 =	simm.s32 $0x8C00;
	v3 =	vperm.xlane v3, v2  }
0xaa: {  	[tilespmem:s5], [sflag:$0x1] =	stream.indirect_vreg.gather [hbm4b:s8+s31], $0x80, v4, vm0, $0xb8;
	[tilespmem:$0x18400] =	vst v63  }
0xab: {  	s7 =	simm.s32 $0x9400;
	v3 =	vadd.s32 v1, v3  }
0xac: {  	[tilespmem:s7], [sflag:$0x1] =	stream.indirect_vreg.gather [hbm4b:s9+s31], $0x80, v4, vm0, $0xb8;
	[tilespmem:$0x18400] =	vst v63  }
0xad: {  	s17 =	simm.s32 $0x9C00  }
0xae: {  	[tilespmem:s17], [sflag:$0x1] =	stream.indirect_vreg.gather [hbm4b:s10+s31], $0x80, v4, vm0, $0xb8;
	[tilespmem:$0x18400] =	vst v63  }
0xaf: {  	s18 =	simm.s32 $0xA400  }
0xb0: {  	[tilespmem:s18], [sflag:$0x1] =	stream.indirect_vreg.gather [hbm4b:s3+s31], $0x80, v3, vm0, $0xb8;
	[tilespmem:$0x18400] =	vst v63  }
0xb1: {  	s19 =	simm.s32 $0xAC00  }
0xb2: {  	[tilespmem:s19], [sflag:$0x1] =	stream.indirect_vreg.gather [hbm4b:s8+s31], $0x80, v3, vm0, $0xb8;
	[tilespmem:$0x18400] =	vst v63  }
0xb3: {  	s1 =	simm.s32 $0xB400  }
0xb4: {  	[tilespmem:s1], [sflag:$0x1] =	stream.indirect_vreg.gather [hbm4b:s9+s31], $0x80, v3, vm0, $0xb8;
	[tilespmem:$0x18400] =	vst v63  }
0xb5: {  	s5 =	simm.s32 $0xBC00  }
0xb6: {  	[tilespmem:s5], [sflag:$0x1] =	stream.indirect_vreg.gather [hbm4b:s10+s31], $0x80, v3, vm0, $0xb8;
	[tilespmem:$0x18400] =	vst v63  }
0xb7: {  	v3 =	vld [tilespmem:$0x90];
	_ =	sdelay $0x4  }
0xb8: {  	v61 =	vshll.u32 v3, $0x3  }
0xb9: {  	v3 =	vand.u32 $0x7, v3;
	v4 =	vand.u32 $0xFFFFFFC0, v61  }
0xba: {  	v3 =	vor.u32 v3, v4  }
0xbb: {  	v4 =	vperm.xlane v3, v0;
	_ =	sdelay $0x1  }
0xbc: {  	v4 =	vadd.s32 v1, v4;
	_ =	sdelay $0x3  }
0xbd: {  	s7 =	simm.s32 $0xC400  }
0xbe: {  	[tilespmem:s7], [sflag:$0x1] =	stream.indirect_vreg.gather [hbm4b:s3+s31], $0x80, v4, vm0, $0xb8;
	[tilespmem:$0x18400] =	vst v63  }
0xbf: {  	s17 =	simm.s32 $0xCC00;
	v3 =	vperm.xlane v3, v2  }
0xc0: {  	[tilespmem:s17], [sflag:$0x1] =	stream.indirect_vreg.gather [hbm4b:s8+s31], $0x80, v4, vm0, $0xb8;
	[tilespmem:$0x18400] =	vst v63  }
0xc1: {  	s18 =	simm.s32 $0xD400;
	v3 =	vadd.s32 v1, v3  }
0xc2: {  	[tilespmem:s18], [sflag:$0x1] =	stream.indirect_vreg.gather [hbm4b:s9+s31], $0x80, v4, vm0, $0xb8;
	[tilespmem:$0x18400] =	vst v63  }
0xc3: {  	s19 =	simm.s32 $0xDC00  }
0xc4: {  	[tilespmem:s19], [sflag:$0x1] =	stream.indirect_vreg.gather [hbm4b:s10+s31], $0x80, v4, vm0, $0xb8;
	[tilespmem:$0x18400] =	vst v63  }
0xc5: {  	s1 =	simm.s32 $0xE400  }
0xc6: {  	[tilespmem:s1], [sflag:$0x1] =	stream.indirect_vreg.gather [hbm4b:s3+s31], $0x80, v3, vm0, $0xb8;
	[tilespmem:$0x18400] =	vst v63  }
0xc7: {  	s5 =	simm.s32 $0xEC00  }
0xc8: {  	[tilespmem:s5], [sflag:$0x1] =	stream.indirect_vreg.gather [hbm4b:s8+s31], $0x80, v3, vm0, $0xb8;
	[tilespmem:$0x18400] =	vst v63  }
0xc9: {  	s7 =	simm.s32 $0xF400  }
0xca: {  	[tilespmem:s7], [sflag:$0x1] =	stream.indirect_vreg.gather [hbm4b:s9+s31], $0x80, v3, vm0, $0xb8;
	[tilespmem:$0x18400] =	vst v63  }
0xcb: {  	s17 =	simm.s32 $0xFC00  }
0xcc: {  	[tilespmem:s17], [sflag:$0x1] =	stream.indirect_vreg.gather [hbm4b:s10+s31], $0x80, v3, vm0, $0xb8;
	[tilespmem:$0x18400] =	vst v63  }
0xcd: {  	_ =	swait.ge [sflag:s4], $0x8000  }
0xce: {  	[sflag:s4] =	ssyncset.done $0x0  }
0xcf: {  	[sflag:s4] =	ssyncadd.s32 $0xFFFF8000  }
0xd0: {  	v3 =	vld [tilespmem:$0x280];
	_ =	sdelay $0x4  }
0xd1: {  	v62 =	vshll.u32 v3, $0x3  }
0xd2: {  	v3 =	vand.u32 $0x7, v3;
	v4 =	vand.u32 $0xFFFFFFC0, v62  }
0xd3: {  	v3 =	vor.u32 v3, v4  }
0xd4: {  	v4 =	vperm.xlane v3, v0;
	_ =	sdelay $0x1  }
0xd5: {  	v4 =	vadd.s32 v1, v4;
	_ =	sdelay $0x3  }
0xd6: {  	s18 =	simm.s32 $0x10400  }
0xd7: {  	[tilespmem:s18], [sflag:$0x1] =	stream.indirect_vreg.gather [hbm4b:s3+s31], $0x80, v4, vm0, $0xb8;
	[tilespmem:$0x18400] =	vst v63  }
0xd8: {  	s19 =	simm.s32 $0x10C00;
	v3 =	vperm.xlane v3, v2  }
0xd9: {  	[tilespmem:s19], [sflag:$0x1] =	stream.indirect_vreg.gather [hbm4b:s8+s31], $0x80, v4, vm0, $0xb8;
	[tilespmem:$0x18400] =	vst v63  }
0xda: {  	v3 =	vadd.s32 v1, v3  }
0xdb: {  	[tilespmem:s12], [sflag:$0x1] =	stream.indirect_vreg.gather [hbm4b:s9+s31], $0x80, v4, vm0, $0xb8;
	[tilespmem:$0x18400] =	vst v63  }
0xdc: {  	_ = 	snop  }
0xdd: {  	[tilespmem:s13], [sflag:$0x1] =	stream.indirect_vreg.gather [hbm4b:s10+s31], $0x80, v4, vm0, $0xb8;
	[tilespmem:$0x18400] =	vst v63  }
0xde: {  	_ = 	snop  }
0xdf: {  	[tilespmem:s14], [sflag:$0x1] =	stream.indirect_vreg.gather [hbm4b:s3+s31], $0x80, v3, vm0, $0xb8;
	[tilespmem:$0x18400] =	vst v63  }
0xe0: {  	_ = 	snop  }
0xe1: {  	[tilespmem:s15], [sflag:$0x1] =	stream.indirect_vreg.gather [hbm4b:s8+s31], $0x80, v3, vm0, $0xb8;
	[tilespmem:$0x18400] =	vst v63  }
0xe2: {  	_ = 	snop  }
0xe3: {  	[tilespmem:s6], [sflag:$0x1] =	stream.indirect_vreg.gather [hbm4b:s9+s31], $0x80, v3, vm0, $0xb8;
	[tilespmem:$0x18400] =	vst v63  }
0xe4: {  	_ = 	snop  }
0xe5: {  	[tilespmem:s11], [sflag:$0x1] =	stream.indirect_vreg.gather [hbm4b:s10+s31], $0x80, v3, vm0, $0xb8;
	[tilespmem:$0x18400] =	vst v63  }
0xe6: {  	v3 =	vld [tilespmem:$0x290];
	_ =	sdelay $0x4  }
0xe7: {  	v63 =	vshll.u32 v3, $0x3  }
0xe8: {  	v3 =	vand.u32 $0x7, v3;
	v4 =	vand.u32 $0xFFFFFFC0, v63  }
0xe9: {  	v3 =	vor.u32 v3, v4  }
0xea: {  	v4 =	vperm.xlane v3, v0;
	_ =	sdelay $0x1  }
0xeb: {  	v4 =	vadd.s32 v1, v4;
	_ =	sdelay $0x4  }
0xec: {  	[tilespmem:s21], [sflag:$0x1] =	stream.indirect_vreg.gather [hbm4b:s3+s31], $0x80, v4, vm0, $0xb8;
	[tilespmem:$0x18400] =	vst v63  }
0xed: {  	v3 =	vperm.xlane v3, v2  }
0xee: {  	[tilespmem:s22], [sflag:$0x1] =	stream.indirect_vreg.gather [hbm4b:s8+s31], $0x80, v4, vm0, $0xb8;
	[tilespmem:$0x18400] =	vst v63  }
0xef: {  	v3 =	vadd.s32 v1, v3  }
0xf0: {  	[tilespmem:s23], [sflag:$0x1] =	stream.indirect_vreg.gather [hbm4b:s9+s31], $0x80, v4, vm0, $0xb8;
	[tilespmem:$0x18400] =	vst v63  }
0xf1: {  	_ = 	snop  }
0xf2: {  	[tilespmem:s24], [sflag:$0x1] =	stream.indirect_vreg.gather [hbm4b:s10+s31], $0x80, v4, vm0, $0xb8;
	[tilespmem:$0x18400] =	vst v63  }
0xf3: {  	_ = 	snop  }
0xf4: {  	[tilespmem:s25], [sflag:$0x1] =	stream.indirect_vreg.gather [hbm4b:s3+s31], $0x80, v3, vm0, $0xb8;
	[tilespmem:$0x18400] =	vst v63  }
0xf5: {  	_ = 	snop  }
0xf6: {  	[tilespmem:s26], [sflag:$0x1] =	stream.indirect_vreg.gather [hbm4b:s8+s31], $0x80, v3, vm0, $0xb8;
	[tilespmem:$0x18400] =	vst v63  }
0xf7: {  	_ = 	snop  }
0xf8: {  	[tilespmem:s28], [sflag:$0x1] =	stream.indirect_vreg.gather [hbm4b:s9+s31], $0x80, v3, vm0, $0xb8;
	[tilespmem:$0x18400] =	vst v63  }
0xf9: {  	_ = 	snop  }
0xfa: {  	[tilespmem:s29], [sflag:$0x1] =	stream.indirect_vreg.gather [hbm4b:s10+s31], $0x80, v3, vm0, $0xb8;
	[tilespmem:$0x18400] =	vst v63  }
0xfb: {  	_ =	swait.ge [sflag:s4], $0x8000  }
0xfc: {  	[sflag:s4] =	ssyncset.done $0x0  }
0xfd: {  	s0 =	simm.s32 $0x0;
	[sflag:s4] =	ssyncadd.s32 $0xFFFF8000  }
.LBB2_6:
0xfe: {  	s5 =	sshll.u32 s0, $0x7;
	s1 =	sshll.u32 s0, $0xA  }
0xff: {  	s1 =	sand.u32 $0x6000, s1;
	s7 =	sand.u32 $0x380, s5  }
0x100: {  	s19 =	sand.u32 $0x1C00, s31;
	s1 =	sor.u32 s1, s7  }
0x101: {  	s17 =	sand.u32 $0x70, s31;
	v3 =	vld [tilespmem:s5+$0x1400];
	s7 =	sor.u32 s19, s1  }
0x102: {  	v4 =	vld [tilespmem:s5+$0x5400];
	s17 =	sor.u32 s17, s7  }
0x103: {  	v5 =	vld [tilespmem:s17+$0x10400]  }
0x104: {  	v6 =	vld [tilespmem:s17+$0x8400];
	_ =	sdelay $0x4  }
0x105: {  	s18 =	simm.s32 $0x80;
	v6 =	vmul.f32 v6, v3;
	v5 =	vmul.f32 v5, v4  }
0x106: {  	s19 =	sand.u32 $0x1C00, s18;
	s7 =	simm.s32 $0x10  }
0x107: {  	s5 =	sand.u32 $0x70, s7;
	s7 =	sor.u32 s19, s1;
	s19 =	simm.s32 $0x20;
	v5 =	vadd.f32 v5, v6  }
.LBB2_7:
0x108: {  	p0 =	sne.s32 s19, $0x3F0;
	s5 =	sor.u32 s5, s7  }
0x109: {  	v6 =	vld [tilespmem:s5+$0x10400];
	[tilespmem:s17+$0x8400] =	vst v5;
	s17 =	smov.u32 s5  }
0x10a: {  	v5 =	vld [tilespmem:s17+$0x8400];
	_ =	sdelay $0x2  }
.Ltmp2:
0x10b: {  	(pc) =	sbr.rel @p0 .LBB2_7-.Ltmp2, $4  }
0x10c: {  	_ = 	snop  }
0x10d: {  	s18 =	sadd.s32 $0x80, s18;
	v6 =	vmul.f32 v6, v4;
	v5 =	vmul.f32 v5, v3  }
0x10e: {  	s7 =	sand.u32 $0x1C00, s18  }
0x10f: {  	s5 =	sand.u32 $0x70, s19;
	s19 =	sadd.s32 $0x10, s19;
	s7 =	sor.u32 s7, s1;
	v5 =	vadd.f32 v6, v5  }
0x110: {  	s1 =	sor.u32 s5, s7  }
0x111: {  	v6 =	vld [tilespmem:s1+$0x10400];
	[tilespmem:s17+$0x8400] =	vst v5  }
0x112: {  	v5 =	vld [tilespmem:s1+$0x8400];
	_ =	sdelay $0x2  }
0x113: {  	s0 =	sadd.s32 $0x1, s0  }
0x114: {  	p0 =	sne.s32 s0, $0x20  }
.Ltmp3:
0x115: {  	v4 =	vmul.f32 v6, v4;
	v3 =	vmul.f32 v5, v3;
	(pc) =	sbr.rel @p0 .LBB2_6-.Ltmp3, $3  }
0x116: {  	_ = 	snop  }
0x117: {  	v3 =	vadd.f32 v4, v3;
	_ =	sdelay $0x1  }
0x118: {  	[tilespmem:s1+$0x8400] =	vst v3  }
0x119: {  	s31 =	simm.s32 $0x0;
	s0 =	rddreg [dreg:$0x8]  }
0x11a: {  	[hbm4b:s0+s31] =	stream.linear.scatter [tilespmem:s20], [sflag:$0x2], $0x8000, $0x38;
	[tilespmem:$0x18400] =	vst v63  }
0x11b: {  	_ =	swait.ge [sflag:s16], $0x8000  }
0x11c: {  	[sflag:s16] =	ssyncset.done $0x0  }
0x11d: {  	[sflag:s16] =	ssyncadd.s32 $0xFFFF8000  }
0x11e: {  	v3 =	vld [tilespmem:$0x100];
	_ =	sdelay $0x4  }
0x11f: {  	v4 =	vshll.u32 v3, $0x3  }
0x120: {  	v3 =	vand.u32 $0x7, v3;
	v4 =	vand.u32 $0xFFFFFFC0, v4  }
0x121: {  	v3 =	vor.u32 v3, v4  }
0x122: {  	v4 =	vperm.xlane v3, v0;
	_ =	sdelay $0x1  }
0x123: {  	v4 =	vadd.s32 v1, v4;
	_ =	sdelay $0x4  }
0x124: {  	[tilespmem:s20], [sflag:$0x1] =	stream.indirect_vreg.gather [hbm4b:s3+s31], $0x80, v4, vm0, $0xb8;
	[tilespmem:$0x18400] =	vst v63  }
0x125: {  	s5 =	simm.s32 $0x8C00;
	v3 =	vperm.xlane v3, v2  }
0x126: {  	[tilespmem:s5], [sflag:$0x1] =	stream.indirect_vreg.gather [hbm4b:s8+s31], $0x80, v4, vm0, $0xb8;
	[tilespmem:$0x18400] =	vst v63  }
0x127: {  	s7 =	simm.s32 $0x9400;
	v3 =	vadd.s32 v1, v3  }
0x128: {  	[tilespmem:s7], [sflag:$0x1] =	stream.indirect_vreg.gather [hbm4b:s9+s31], $0x80, v4, vm0, $0xb8;
	[tilespmem:$0x18400] =	vst v63  }
0x129: {  	s17 =	simm.s32 $0x9C00  }
0x12a: {  	[tilespmem:s17], [sflag:$0x1] =	stream.indirect_vreg.gather [hbm4b:s10+s31], $0x80, v4, vm0, $0xb8;
	[tilespmem:$0x18400] =	vst v63  }
0x12b: {  	s18 =	simm.s32 $0xA400  }
0x12c: {  	[tilespmem:s18], [sflag:$0x1] =	stream.indirect_vreg.gather [hbm4b:s3+s31], $0x80, v3, vm0, $0xb8;
	[tilespmem:$0x18400] =	vst v63  }
0x12d: {  	s19 =	simm.s32 $0xAC00  }
0x12e: {  	[tilespmem:s19], [sflag:$0x1] =	stream.indirect_vreg.gather [hbm4b:s8+s31], $0x80, v3, vm0, $0xb8;
	[tilespmem:$0x18400] =	vst v63  }
0x12f: {  	s1 =	simm.s32 $0xB400  }
0x130: {  	[tilespmem:s1], [sflag:$0x1] =	stream.indirect_vreg.gather [hbm4b:s9+s31], $0x80, v3, vm0, $0xb8;
	[tilespmem:$0x18400] =	vst v63  }
0x131: {  	s5 =	simm.s32 $0xBC00  }
0x132: {  	[tilespmem:s5], [sflag:$0x1] =	stream.indirect_vreg.gather [hbm4b:s10+s31], $0x80, v3, vm0, $0xb8;
	[tilespmem:$0x18400] =	vst v63  }
0x133: {  	v3 =	vld [tilespmem:$0x110];
	_ =	sdelay $0x4  }
0x134: {  	v61 =	vshll.u32 v3, $0x3  }
0x135: {  	v3 =	vand.u32 $0x7, v3;
	v4 =	vand.u32 $0xFFFFFFC0, v61  }
0x136: {  	v3 =	vor.u32 v3, v4  }
0x137: {  	v4 =	vperm.xlane v3, v0;
	_ =	sdelay $0x1  }
0x138: {  	v4 =	vadd.s32 v1, v4;
	_ =	sdelay $0x3  }
0x139: {  	s7 =	simm.s32 $0xC400  }
0x13a: {  	[tilespmem:s7], [sflag:$0x1] =	stream.indirect_vreg.gather [hbm4b:s3+s31], $0x80, v4, vm0, $0xb8;
	[tilespmem:$0x18400] =	vst v63  }
0x13b: {  	s17 =	simm.s32 $0xCC00;
	v3 =	vperm.xlane v3, v2  }
0x13c: {  	[tilespmem:s17], [sflag:$0x1] =	stream.indirect_vreg.gather [hbm4b:s8+s31], $0x80, v4, vm0, $0xb8;
	[tilespmem:$0x18400] =	vst v63  }
0x13d: {  	s18 =	simm.s32 $0xD400;
	v3 =	vadd.s32 v1, v3  }
0x13e: {  	[tilespmem:s18], [sflag:$0x1] =	stream.indirect_vreg.gather [hbm4b:s9+s31], $0x80, v4, vm0, $0xb8;
	[tilespmem:$0x18400] =	vst v63  }
0x13f: {  	s19 =	simm.s32 $0xDC00  }
0x140: {  	[tilespmem:s19], [sflag:$0x1] =	stream.indirect_vreg.gather [hbm4b:s10+s31], $0x80, v4, vm0, $0xb8;
	[tilespmem:$0x18400] =	vst v63  }
0x141: {  	s1 =	simm.s32 $0xE400  }
0x142: {  	[tilespmem:s1], [sflag:$0x1] =	stream.indirect_vreg.gather [hbm4b:s3+s31], $0x80, v3, vm0, $0xb8;
	[tilespmem:$0x18400] =	vst v63  }
0x143: {  	s5 =	simm.s32 $0xEC00  }
0x144: {  	[tilespmem:s5], [sflag:$0x1] =	stream.indirect_vreg.gather [hbm4b:s8+s31], $0x80, v3, vm0, $0xb8;
	[tilespmem:$0x18400] =	vst v63  }
0x145: {  	s7 =	simm.s32 $0xF400  }
0x146: {  	[tilespmem:s7], [sflag:$0x1] =	stream.indirect_vreg.gather [hbm4b:s9+s31], $0x80, v3, vm0, $0xb8;
	[tilespmem:$0x18400] =	vst v63  }
0x147: {  	s17 =	simm.s32 $0xFC00  }
0x148: {  	[tilespmem:s17], [sflag:$0x1] =	stream.indirect_vreg.gather [hbm4b:s10+s31], $0x80, v3, vm0, $0xb8;
	[tilespmem:$0x18400] =	vst v63  }
0x149: {  	_ =	swait.ge [sflag:s4], $0x8000  }
0x14a: {  	[sflag:s4] =	ssyncset.done $0x0  }
0x14b: {  	[sflag:s4] =	ssyncadd.s32 $0xFFFF8000  }
0x14c: {  	v3 =	vld [tilespmem:$0x300];
	_ =	sdelay $0x4  }
0x14d: {  	v62 =	vshll.u32 v3, $0x3  }
0x14e: {  	v3 =	vand.u32 $0x7, v3;
	v4 =	vand.u32 $0xFFFFFFC0, v62  }
0x14f: {  	v3 =	vor.u32 v3, v4  }
0x150: {  	v4 =	vperm.xlane v3, v0;
	_ =	sdelay $0x1  }
0x151: {  	v4 =	vadd.s32 v1, v4;
	_ =	sdelay $0x3  }
0x152: {  	s18 =	simm.s32 $0x10400  }
0x153: {  	[tilespmem:s18], [sflag:$0x1] =	stream.indirect_vreg.gather [hbm4b:s3+s31], $0x80, v4, vm0, $0xb8;
	[tilespmem:$0x18400] =	vst v63  }
0x154: {  	s19 =	simm.s32 $0x10C00;
	v3 =	vperm.xlane v3, v2  }
0x155: {  	[tilespmem:s19], [sflag:$0x1] =	stream.indirect_vreg.gather [hbm4b:s8+s31], $0x80, v4, vm0, $0xb8;
	[tilespmem:$0x18400] =	vst v63  }
0x156: {  	v3 =	vadd.s32 v1, v3  }
0x157: {  	[tilespmem:s12], [sflag:$0x1] =	stream.indirect_vreg.gather [hbm4b:s9+s31], $0x80, v4, vm0, $0xb8;
	[tilespmem:$0x18400] =	vst v63  }
0x158: {  	_ = 	snop  }
0x159: {  	[tilespmem:s13], [sflag:$0x1] =	stream.indirect_vreg.gather [hbm4b:s10+s31], $0x80, v4, vm0, $0xb8;
	[tilespmem:$0x18400] =	vst v63  }
0x15a: {  	_ = 	snop  }
0x15b: {  	[tilespmem:s14], [sflag:$0x1] =	stream.indirect_vreg.gather [hbm4b:s3+s31], $0x80, v3, vm0, $0xb8;
	[tilespmem:$0x18400] =	vst v63  }
0x15c: {  	_ = 	snop  }
0x15d: {  	[tilespmem:s15], [sflag:$0x1] =	stream.indirect_vreg.gather [hbm4b:s8+s31], $0x80, v3, vm0, $0xb8;
	[tilespmem:$0x18400] =	vst v63  }
0x15e: {  	_ = 	snop  }
0x15f: {  	[tilespmem:s6], [sflag:$0x1] =	stream.indirect_vreg.gather [hbm4b:s9+s31], $0x80, v3, vm0, $0xb8;
	[tilespmem:$0x18400] =	vst v63  }
0x160: {  	_ = 	snop  }
0x161: {  	[tilespmem:s11], [sflag:$0x1] =	stream.indirect_vreg.gather [hbm4b:s10+s31], $0x80, v3, vm0, $0xb8;
	[tilespmem:$0x18400] =	vst v63  }
0x162: {  	v3 =	vld [tilespmem:$0x310];
	_ =	sdelay $0x4  }
0x163: {  	v63 =	vshll.u32 v3, $0x3  }
0x164: {  	v3 =	vand.u32 $0x7, v3;
	v4 =	vand.u32 $0xFFFFFFC0, v63  }
0x165: {  	v3 =	vor.u32 v3, v4  }
0x166: {  	v4 =	vperm.xlane v3, v0;
	_ =	sdelay $0x1  }
0x167: {  	v4 =	vadd.s32 v1, v4;
	_ =	sdelay $0x4  }
0x168: {  	[tilespmem:s21], [sflag:$0x1] =	stream.indirect_vreg.gather [hbm4b:s3+s31], $0x80, v4, vm0, $0xb8;
	[tilespmem:$0x18400] =	vst v63  }
0x169: {  	v3 =	vperm.xlane v3, v2  }
0x16a: {  	[tilespmem:s22], [sflag:$0x1] =	stream.indirect_vreg.gather [hbm4b:s8+s31], $0x80, v4, vm0, $0xb8;
	[tilespmem:$0x18400] =	vst v63  }
0x16b: {  	v3 =	vadd.s32 v1, v3  }
0x16c: {  	[tilespmem:s23], [sflag:$0x1] =	stream.indirect_vreg.gather [hbm4b:s9+s31], $0x80, v4, vm0, $0xb8;
	[tilespmem:$0x18400] =	vst v63  }
0x16d: {  	_ = 	snop  }
0x16e: {  	[tilespmem:s24], [sflag:$0x1] =	stream.indirect_vreg.gather [hbm4b:s10+s31], $0x80, v4, vm0, $0xb8;
	[tilespmem:$0x18400] =	vst v63  }
0x16f: {  	_ = 	snop  }
0x170: {  	[tilespmem:s25], [sflag:$0x1] =	stream.indirect_vreg.gather [hbm4b:s3+s31], $0x80, v3, vm0, $0xb8;
	[tilespmem:$0x18400] =	vst v63  }
0x171: {  	_ = 	snop  }
0x172: {  	[tilespmem:s26], [sflag:$0x1] =	stream.indirect_vreg.gather [hbm4b:s8+s31], $0x80, v3, vm0, $0xb8;
	[tilespmem:$0x18400] =	vst v63  }
0x173: {  	_ = 	snop  }
0x174: {  	[tilespmem:s28], [sflag:$0x1] =	stream.indirect_vreg.gather [hbm4b:s9+s31], $0x80, v3, vm0, $0xb8;
	[tilespmem:$0x18400] =	vst v63  }
0x175: {  	_ = 	snop  }
0x176: {  	[tilespmem:s29], [sflag:$0x1] =	stream.indirect_vreg.gather [hbm4b:s10+s31], $0x80, v3, vm0, $0xb8;
	[tilespmem:$0x18400] =	vst v63  }
0x177: {  	_ =	swait.ge [sflag:s4], $0x8000  }
0x178: {  	[sflag:s4] =	ssyncset.done $0x0  }
0x179: {  	s0 =	simm.s32 $0x0;
	[sflag:s4] =	ssyncadd.s32 $0xFFFF8000  }
.LBB2_10:
0x17a: {  	s5 =	sshll.u32 s0, $0x7;
	s1 =	sshll.u32 s0, $0xA  }
0x17b: {  	s1 =	sand.u32 $0x6000, s1;
	s7 =	sand.u32 $0x380, s5  }
0x17c: {  	s19 =	sand.u32 $0x1C00, s31;
	s1 =	sor.u32 s1, s7  }
0x17d: {  	s17 =	sand.u32 $0x70, s31;
	v3 =	vld [tilespmem:s5+$0x2400];
	s7 =	sor.u32 s19, s1  }
0x17e: {  	v4 =	vld [tilespmem:s5+$0x6400];
	s17 =	sor.u32 s17, s7  }
0x17f: {  	v5 =	vld [tilespmem:s17+$0x10400]  }
0x180: {  	v6 =	vld [tilespmem:s17+$0x8400];
	_ =	sdelay $0x4  }
0x181: {  	s18 =	simm.s32 $0x80;
	v6 =	vmul.f32 v6, v3;
	v5 =	vmul.f32 v5, v4  }
0x182: {  	s19 =	sand.u32 $0x1C00, s18;
	s7 =	simm.s32 $0x10  }
0x183: {  	s5 =	sand.u32 $0x70, s7;
	s7 =	sor.u32 s19, s1;
	s19 =	simm.s32 $0x20;
	v5 =	vadd.f32 v5, v6  }
.LBB2_11:
0x184: {  	p0 =	sne.s32 s19, $0x3F0;
	s5 =	sor.u32 s5, s7  }
0x185: {  	v6 =	vld [tilespmem:s5+$0x10400];
	[tilespmem:s17+$0x8400] =	vst v5;
	s17 =	smov.u32 s5  }
0x186: {  	v5 =	vld [tilespmem:s17+$0x8400];
	_ =	sdelay $0x2  }
.Ltmp4:
0x187: {  	(pc) =	sbr.rel @p0 .LBB2_11-.Ltmp4, $4  }
0x188: {  	_ = 	snop  }
0x189: {  	s18 =	sadd.s32 $0x80, s18;
	v6 =	vmul.f32 v6, v4;
	v5 =	vmul.f32 v5, v3  }
0x18a: {  	s7 =	sand.u32 $0x1C00, s18  }
0x18b: {  	s5 =	sand.u32 $0x70, s19;
	s19 =	sadd.s32 $0x10, s19;
	s7 =	sor.u32 s7, s1;
	v5 =	vadd.f32 v6, v5  }
0x18c: {  	s1 =	sor.u32 s5, s7  }
0x18d: {  	v6 =	vld [tilespmem:s1+$0x10400];
	[tilespmem:s17+$0x8400] =	vst v5  }
0x18e: {  	v5 =	vld [tilespmem:s1+$0x8400];
	_ =	sdelay $0x2  }
0x18f: {  	s0 =	sadd.s32 $0x1, s0  }
0x190: {  	p0 =	sne.s32 s0, $0x20  }
.Ltmp5:
0x191: {  	v4 =	vmul.f32 v6, v4;
	v3 =	vmul.f32 v5, v3;
	(pc) =	sbr.rel @p0 .LBB2_10-.Ltmp5, $3  }
0x192: {  	_ = 	snop  }
0x193: {  	v3 =	vadd.f32 v4, v3;
	_ =	sdelay $0x1  }
0x194: {  	[tilespmem:s1+$0x8400] =	vst v3  }
0x195: {  	s31 =	simm.s32 $0x0;
	s0 =	rddreg [dreg:$0x9]  }
0x196: {  	[hbm4b:s0+s31] =	stream.linear.scatter [tilespmem:s20], [sflag:$0x2], $0x8000, $0x38;
	[tilespmem:$0x18400] =	vst v63  }
0x197: {  	_ =	swait.ge [sflag:s16], $0x8000  }
0x198: {  	[sflag:s16] =	ssyncset.done $0x0  }
0x199: {  	[sflag:s16] =	ssyncadd.s32 $0xFFFF8000  }
0x19a: {  	v3 =	vld [tilespmem:$0x180];
	_ =	sdelay $0x4  }
0x19b: {  	v4 =	vshll.u32 v3, $0x3  }
0x19c: {  	v3 =	vand.u32 $0x7, v3;
	v4 =	vand.u32 $0xFFFFFFC0, v4  }
0x19d: {  	v3 =	vor.u32 v3, v4  }
0x19e: {  	v4 =	vperm.xlane v3, v0;
	_ =	sdelay $0x1  }
0x19f: {  	v4 =	vadd.s32 v1, v4;
	_ =	sdelay $0x4  }
0x1a0: {  	[tilespmem:s20], [sflag:$0x1] =	stream.indirect_vreg.gather [hbm4b:s3+s31], $0x80, v4, vm0, $0xb8;
	[tilespmem:$0x18400] =	vst v63  }
0x1a1: {  	s5 =	simm.s32 $0x8C00;
	v3 =	vperm.xlane v3, v2  }
0x1a2: {  	[tilespmem:s5], [sflag:$0x1] =	stream.indirect_vreg.gather [hbm4b:s8+s31], $0x80, v4, vm0, $0xb8;
	[tilespmem:$0x18400] =	vst v63  }
0x1a3: {  	s7 =	simm.s32 $0x9400;
	v3 =	vadd.s32 v1, v3  }
0x1a4: {  	[tilespmem:s7], [sflag:$0x1] =	stream.indirect_vreg.gather [hbm4b:s9+s31], $0x80, v4, vm0, $0xb8;
	[tilespmem:$0x18400] =	vst v63  }
0x1a5: {  	s17 =	simm.s32 $0x9C00  }
0x1a6: {  	[tilespmem:s17], [sflag:$0x1] =	stream.indirect_vreg.gather [hbm4b:s10+s31], $0x80, v4, vm0, $0xb8;
	[tilespmem:$0x18400] =	vst v63  }
0x1a7: {  	s18 =	simm.s32 $0xA400  }
0x1a8: {  	[tilespmem:s18], [sflag:$0x1] =	stream.indirect_vreg.gather [hbm4b:s3+s31], $0x80, v3, vm0, $0xb8;
	[tilespmem:$0x18400] =	vst v63  }
0x1a9: {  	s19 =	simm.s32 $0xAC00  }
0x1aa: {  	[tilespmem:s19], [sflag:$0x1] =	stream.indirect_vreg.gather [hbm4b:s8+s31], $0x80, v3, vm0, $0xb8;
	[tilespmem:$0x18400] =	vst v63  }
0x1ab: {  	s1 =	simm.s32 $0xB400  }
0x1ac: {  	[tilespmem:s1], [sflag:$0x1] =	stream.indirect_vreg.gather [hbm4b:s9+s31], $0x80, v3, vm0, $0xb8;
	[tilespmem:$0x18400] =	vst v63  }
0x1ad: {  	s5 =	simm.s32 $0xBC00  }
0x1ae: {  	[tilespmem:s5], [sflag:$0x1] =	stream.indirect_vreg.gather [hbm4b:s10+s31], $0x80, v3, vm0, $0xb8;
	[tilespmem:$0x18400] =	vst v63  }
0x1af: {  	v3 =	vld [tilespmem:$0x190];
	_ =	sdelay $0x4  }
0x1b0: {  	v61 =	vshll.u32 v3, $0x3  }
0x1b1: {  	v3 =	vand.u32 $0x7, v3;
	v4 =	vand.u32 $0xFFFFFFC0, v61  }
0x1b2: {  	v3 =	vor.u32 v3, v4  }
0x1b3: {  	v4 =	vperm.xlane v3, v0;
	_ =	sdelay $0x1  }
0x1b4: {  	v4 =	vadd.s32 v1, v4;
	_ =	sdelay $0x3  }
0x1b5: {  	s7 =	simm.s32 $0xC400  }
0x1b6: {  	[tilespmem:s7], [sflag:$0x1] =	stream.indirect_vreg.gather [hbm4b:s3+s31], $0x80, v4, vm0, $0xb8;
	[tilespmem:$0x18400] =	vst v63  }
0x1b7: {  	s17 =	simm.s32 $0xCC00;
	v3 =	vperm.xlane v3, v2  }
0x1b8: {  	[tilespmem:s17], [sflag:$0x1] =	stream.indirect_vreg.gather [hbm4b:s8+s31], $0x80, v4, vm0, $0xb8;
	[tilespmem:$0x18400] =	vst v63  }
0x1b9: {  	s18 =	simm.s32 $0xD400;
	v3 =	vadd.s32 v1, v3  }
0x1ba: {  	[tilespmem:s18], [sflag:$0x1] =	stream.indirect_vreg.gather [hbm4b:s9+s31], $0x80, v4, vm0, $0xb8;
	[tilespmem:$0x18400] =	vst v63  }
0x1bb: {  	s19 =	simm.s32 $0xDC00  }
0x1bc: {  	[tilespmem:s19], [sflag:$0x1] =	stream.indirect_vreg.gather [hbm4b:s10+s31], $0x80, v4, vm0, $0xb8;
	[tilespmem:$0x18400] =	vst v63  }
0x1bd: {  	s1 =	simm.s32 $0xE400  }
0x1be: {  	[tilespmem:s1], [sflag:$0x1] =	stream.indirect_vreg.gather [hbm4b:s3+s31], $0x80, v3, vm0, $0xb8;
	[tilespmem:$0x18400] =	vst v63  }
0x1bf: {  	s5 =	simm.s32 $0xEC00  }
0x1c0: {  	[tilespmem:s5], [sflag:$0x1] =	stream.indirect_vreg.gather [hbm4b:s8+s31], $0x80, v3, vm0, $0xb8;
	[tilespmem:$0x18400] =	vst v63  }
0x1c1: {  	s7 =	simm.s32 $0xF400  }
0x1c2: {  	[tilespmem:s7], [sflag:$0x1] =	stream.indirect_vreg.gather [hbm4b:s9+s31], $0x80, v3, vm0, $0xb8;
	[tilespmem:$0x18400] =	vst v63  }
0x1c3: {  	s17 =	simm.s32 $0xFC00  }
0x1c4: {  	[tilespmem:s17], [sflag:$0x1] =	stream.indirect_vreg.gather [hbm4b:s10+s31], $0x80, v3, vm0, $0xb8;
	[tilespmem:$0x18400] =	vst v63  }
0x1c5: {  	_ =	swait.ge [sflag:s4], $0x8000  }
0x1c6: {  	[sflag:s4] =	ssyncset.done $0x0  }
0x1c7: {  	[sflag:s4] =	ssyncadd.s32 $0xFFFF8000  }
0x1c8: {  	v3 =	vld [tilespmem:$0x380];
	_ =	sdelay $0x4  }
0x1c9: {  	v62 =	vshll.u32 v3, $0x3  }
0x1ca: {  	v3 =	vand.u32 $0x7, v3;
	v4 =	vand.u32 $0xFFFFFFC0, v62  }
0x1cb: {  	v3 =	vor.u32 v3, v4  }
0x1cc: {  	v4 =	vperm.xlane v3, v0;
	_ =	sdelay $0x1  }
0x1cd: {  	v4 =	vadd.s32 v1, v4;
	_ =	sdelay $0x3  }
0x1ce: {  	s18 =	simm.s32 $0x10400  }
0x1cf: {  	[tilespmem:s18], [sflag:$0x1] =	stream.indirect_vreg.gather [hbm4b:s3+s31], $0x80, v4, vm0, $0xb8;
	[tilespmem:$0x18400] =	vst v63  }
0x1d0: {  	s19 =	simm.s32 $0x10C00;
	v3 =	vperm.xlane v3, v2  }
0x1d1: {  	[tilespmem:s19], [sflag:$0x1] =	stream.indirect_vreg.gather [hbm4b:s8+s31], $0x80, v4, vm0, $0xb8;
	[tilespmem:$0x18400] =	vst v63  }
0x1d2: {  	v3 =	vadd.s32 v1, v3  }
0x1d3: {  	[tilespmem:s12], [sflag:$0x1] =	stream.indirect_vreg.gather [hbm4b:s9+s31], $0x80, v4, vm0, $0xb8;
	[tilespmem:$0x18400] =	vst v63  }
0x1d4: {  	_ = 	snop  }
0x1d5: {  	[tilespmem:s13], [sflag:$0x1] =	stream.indirect_vreg.gather [hbm4b:s10+s31], $0x80, v4, vm0, $0xb8;
	[tilespmem:$0x18400] =	vst v63  }
0x1d6: {  	_ = 	snop  }
0x1d7: {  	[tilespmem:s14], [sflag:$0x1] =	stream.indirect_vreg.gather [hbm4b:s3+s31], $0x80, v3, vm0, $0xb8;
	[tilespmem:$0x18400] =	vst v63  }
0x1d8: {  	_ = 	snop  }
0x1d9: {  	[tilespmem:s15], [sflag:$0x1] =	stream.indirect_vreg.gather [hbm4b:s8+s31], $0x80, v3, vm0, $0xb8;
	[tilespmem:$0x18400] =	vst v63  }
0x1da: {  	_ = 	snop  }
0x1db: {  	[tilespmem:s6], [sflag:$0x1] =	stream.indirect_vreg.gather [hbm4b:s9+s31], $0x80, v3, vm0, $0xb8;
	[tilespmem:$0x18400] =	vst v63  }
0x1dc: {  	_ = 	snop  }
0x1dd: {  	[tilespmem:s11], [sflag:$0x1] =	stream.indirect_vreg.gather [hbm4b:s10+s31], $0x80, v3, vm0, $0xb8;
	[tilespmem:$0x18400] =	vst v63  }
0x1de: {  	v3 =	vld [tilespmem:$0x390];
	_ =	sdelay $0x4  }
0x1df: {  	v63 =	vshll.u32 v3, $0x3  }
0x1e0: {  	v3 =	vand.u32 $0x7, v3;
	v4 =	vand.u32 $0xFFFFFFC0, v63  }
0x1e1: {  	v3 =	vor.u32 v3, v4  }
0x1e2: {  	v4 =	vperm.xlane v3, v0;
	_ =	sdelay $0x1  }
0x1e3: {  	v4 =	vadd.s32 v1, v4;
	_ =	sdelay $0x4  }
0x1e4: {  	[tilespmem:s21], [sflag:$0x1] =	stream.indirect_vreg.gather [hbm4b:s3+s31], $0x80, v4, vm0, $0xb8;
	[tilespmem:$0x18400] =	vst v63  }
0x1e5: {  	v3 =	vperm.xlane v3, v2  }
0x1e6: {  	[tilespmem:s22], [sflag:$0x1] =	stream.indirect_vreg.gather [hbm4b:s8+s31], $0x80, v4, vm0, $0xb8;
	[tilespmem:$0x18400] =	vst v63  }
0x1e7: {  	v3 =	vadd.s32 v1, v3  }
0x1e8: {  	[tilespmem:s23], [sflag:$0x1] =	stream.indirect_vreg.gather [hbm4b:s9+s31], $0x80, v4, vm0, $0xb8;
	[tilespmem:$0x18400] =	vst v63  }
0x1e9: {  	_ = 	snop  }
0x1ea: {  	[tilespmem:s24], [sflag:$0x1] =	stream.indirect_vreg.gather [hbm4b:s10+s31], $0x80, v4, vm0, $0xb8;
	[tilespmem:$0x18400] =	vst v63  }
0x1eb: {  	_ = 	snop  }
0x1ec: {  	[tilespmem:s25], [sflag:$0x1] =	stream.indirect_vreg.gather [hbm4b:s3+s31], $0x80, v3, vm0, $0xb8;
	[tilespmem:$0x18400] =	vst v63  }
0x1ed: {  	_ = 	snop  }
0x1ee: {  	[tilespmem:s26], [sflag:$0x1] =	stream.indirect_vreg.gather [hbm4b:s8+s31], $0x80, v3, vm0, $0xb8;
	[tilespmem:$0x18400] =	vst v63  }
0x1ef: {  	_ = 	snop  }
0x1f0: {  	[tilespmem:s28], [sflag:$0x1] =	stream.indirect_vreg.gather [hbm4b:s9+s31], $0x80, v3, vm0, $0xb8;
	[tilespmem:$0x18400] =	vst v63  }
0x1f1: {  	_ = 	snop  }
0x1f2: {  	[tilespmem:s29], [sflag:$0x1] =	stream.indirect_vreg.gather [hbm4b:s10+s31], $0x80, v3, vm0, $0xb8;
	[tilespmem:$0x18400] =	vst v63  }
0x1f3: {  	_ =	swait.ge [sflag:s4], $0x8000  }
0x1f4: {  	[sflag:s4] =	ssyncset.done $0x0  }
0x1f5: {  	s0 =	simm.s32 $0x0;
	[sflag:s4] =	ssyncadd.s32 $0xFFFF8000  }
.LBB2_14:
0x1f6: {  	s5 =	sshll.u32 s0, $0x7;
	s1 =	sshll.u32 s0, $0xA  }
0x1f7: {  	s1 =	sand.u32 $0x6000, s1;
	s7 =	sand.u32 $0x380, s5  }
0x1f8: {  	s19 =	sand.u32 $0x1C00, s31;
	s1 =	sor.u32 s1, s7  }
0x1f9: {  	s17 =	sand.u32 $0x70, s31;
	v3 =	vld [tilespmem:s5+$0x3400];
	s7 =	sor.u32 s19, s1  }
0x1fa: {  	v4 =	vld [tilespmem:s5+$0x7400];
	s17 =	sor.u32 s17, s7  }
0x1fb: {  	v5 =	vld [tilespmem:s17+$0x10400]  }
0x1fc: {  	v6 =	vld [tilespmem:s17+$0x8400];
	_ =	sdelay $0x4  }
0x1fd: {  	s18 =	simm.s32 $0x80;
	v6 =	vmul.f32 v6, v3;
	v5 =	vmul.f32 v5, v4  }
0x1fe: {  	s19 =	sand.u32 $0x1C00, s18;
	s7 =	simm.s32 $0x10  }
0x1ff: {  	s5 =	sand.u32 $0x70, s7;
	s7 =	sor.u32 s19, s1;
	s19 =	simm.s32 $0x20;
	v5 =	vadd.f32 v5, v6  }
.LBB2_15:
0x200: {  	p0 =	sne.s32 s19, $0x3F0;
	s5 =	sor.u32 s5, s7  }
0x201: {  	v6 =	vld [tilespmem:s5+$0x10400];
	[tilespmem:s17+$0x8400] =	vst v5;
	s17 =	smov.u32 s5  }
0x202: {  	v5 =	vld [tilespmem:s17+$0x8400];
	_ =	sdelay $0x2  }
.Ltmp6:
0x203: {  	(pc) =	sbr.rel @p0 .LBB2_15-.Ltmp6, $4  }
0x204: {  	_ = 	snop  }
0x205: {  	s18 =	sadd.s32 $0x80, s18;
	v6 =	vmul.f32 v6, v4;
	v5 =	vmul.f32 v5, v3  }
0x206: {  	s7 =	sand.u32 $0x1C00, s18  }
0x207: {  	s5 =	sand.u32 $0x70, s19;
	s19 =	sadd.s32 $0x10, s19;
	s7 =	sor.u32 s7, s1;
	v5 =	vadd.f32 v6, v5  }
0x208: {  	s1 =	sor.u32 s5, s7  }
0x209: {  	v6 =	vld [tilespmem:s1+$0x10400];
	[tilespmem:s17+$0x8400] =	vst v5  }
0x20a: {  	v5 =	vld [tilespmem:s1+$0x8400];
	_ =	sdelay $0x2  }
0x20b: {  	s0 =	sadd.s32 $0x1, s0  }
0x20c: {  	p0 =	sne.s32 s0, $0x20  }
.Ltmp7:
0x20d: {  	v4 =	vmul.f32 v6, v4;
	v3 =	vmul.f32 v5, v3;
	(pc) =	sbr.rel @p0 .LBB2_14-.Ltmp7, $3  }
0x20e: {  	_ = 	snop  }
0x20f: {  	v3 =	vadd.f32 v4, v3;
	_ =	sdelay $0x1  }
0x210: {  	[tilespmem:s1+$0x8400] =	vst v3  }
0x211: {  	s0 =	rddreg [dreg:$0xa]  }
0x212: {  	[hbm4b:s0+s2] =	stream.linear.scatter [tilespmem:s20], [sflag:$0x2], $0x8000, $0x38;
	[tilespmem:$0x18400] =	vst v63  }
0x213: {  	_ =	swait.ge [sflag:s16], $0x8000  }
0x214: {  	s30 =	sadd.s32 $0x1, s30;
	s31 =	rddreg [dreg:$0xb]  }
0x215: {  	p0 =	sne.s32 s30, s31  }
.Ltmp8:
0x216: {  	_ = 	snop;
	(pc) =	sbr.rel @p0 .LBB2_1-.Ltmp8, $3  }
0x217: {  	_ =	sdelay $0x1  }
0x218: {  	[sflag:s16] =	ssyncset.done $0x0  }
0x219: {  	[sflag:s16] =	ssyncadd.s32 $0xFFFF8000  }
0x21a: {  	_ =	sfence.sel $0x180000  }
0x21b: {  	[bflag:$0x0] =	sbarrier.arrive $0xFFFF  }
0x21c: {  	_ =	strace $0x9000004A  }
0x21d: {  	s0 =	stileid.u32;
	[bflag:$0x2] =	sbarrier.arrive $0xFFFF  }
0x21e: {  	p0 =	sne.s32 s0, $0x0;
	s0 =	rddreg [dreg:$0x2]  }
0x21f: {  	s0 =	sadd.s32 @!p0 $0x100000, s0  }
0x220: {  	[sflag:s0] =	ssyncadd.tile.s32 @!p0 $0x1;
	_ =	shalt  }
.Lfunc_end2:
_tile_overlayer_lowered:
.L_overlay_start_2:
0x221: {  	(tag) =	ssettag $0x2  }
0x222: {  	s0 =	rddreg [dreg:$0x0];
	s2 =	stileid.u32  }
0x223: {  	s1 =	rddreg [dreg:$0x1];
	p0 =	sne.s32 s2, $0x0  }
0x224: {  	s3 =	rddreg [dreg:$0x2];
	[bflag:$0x3] =	sbarrier.arrive $0xFFFF;
	s2 =	simm.s32 @!p0 $0x1C02  }
0x225: {  	[timem:s3], [sflag:s2] =	dma.local @!p0 [hbm:s0], s1  }
0x226: {  	s0 =	simm.s32 @!p0 $0x2  }
0x227: {  	_ =	swait.ge @!p0 [sflag:s0], s1  }
0x228: {  	s1 =	ssub.s32 @!p0 $0x0, s1;
	[sflag:s0] =	ssyncset.done @!p0 $0x0  }
0x229: {  	[sflag:s0] =	ssyncadd.s32 @!p0 s1  }
0x22a: {  	[bflag:$0x3] =	sbarrier.arrive $0xFFFF  }
0x22b: {  	_ =	shalt  }

</sc_bundles>
